<compile_context>
chip_gen: v7x
topology: tpu7x:2x2x1
jax: 0.10.2.dev20260603
libtpu: 0.0.44.dev20260713+nightly
codegen_flags: <defaults>
</compile_context>

<pallas_src>
import functools

import jax
import jax.numpy as jnp
from jax import lax
from jax.experimental import pallas as pl
from jax.experimental.pallas import tpu as pltpu
from jax.experimental.pallas import tpu_sc as plsc

N_NODES = 10000
N_EDGES = 320000
D = 128
N_CLS = 64

NC = 2
NS = 16
NW = NC * NS
GROUP = 125
GROUPS_PER_TILE = 80
NPAD = 10112
ROWS_PER_TILE = NPAD // NS


CG = 16


def _sc_agg_body(h_hbm, src_hbm, dst_hbm, zeros_hbm, out_hbm,
                 agg_s, src_c, dst_c, rows0, rows1,
                 sem_i, sem_g0, sem_g1, sem_s0, sem_s1):
    c = lax.axis_index("c")
    s = lax.axis_index("s")
    w = c * NS + s
    nchunk = GROUPS_PER_TILE // CG
    gbase = w * GROUPS_PER_TILE
    rows = (rows0, rows1)
    sem_g = (sem_g0, sem_g1)
    sem_s = (sem_s0, sem_s1)

    def idx_fetch(ch, slot):
        base = gbase + ch * CG
        pltpu.async_copy(src_hbm.at[pl.ds(base, CG)], src_c.at[slot], sem_i)
        pltpu.async_copy(dst_hbm.at[pl.ds(base, CG)], dst_c.at[slot], sem_i)

    def idx_wait(slot):
        pltpu.make_async_copy(src_hbm.at[pl.ds(0, CG)], src_c.at[slot], sem_i).wait()
        pltpu.make_async_copy(dst_hbm.at[pl.ds(0, CG)], dst_c.at[slot], sem_i).wait()

    def gather(slot, j, b):
        pltpu.async_copy(h_hbm.at[src_c.at[slot, j]], rows[b], sem_g[b])

    def gather_wait(b):
        pltpu.make_async_copy(h_hbm.at[src_c.at[0, 0]], rows[b], sem_g[b]).wait()

    def scatter(slot, j, b):
        pltpu.async_copy(rows[b], agg_s.at[dst_c.at[slot, j]], sem_s[b], add=True)

    def scatter_wait(b):
        pltpu.make_async_copy(rows[b], agg_s.at[dst_c.at[0, 0]], sem_s[b]).wait()

    pltpu.sync_copy(zeros_hbm, agg_s.at[pl.ds(s * ROWS_PER_TILE, ROWS_PER_TILE)])
    idx_fetch(0, 0)
    plsc.subcore_barrier()
    idx_wait(0)
    gather(0, 0, 0)
    gather(0, 1, 1)

    def chunk_body(ch, carry):
        slot = lax.rem(ch, 2)

        @pl.when(ch + 1 < nchunk)
        def _():
            idx_fetch(ch + 1, 1 - slot)

        for j in range(CG):
            b = j % 2
            gather_wait(b)
            scatter(slot, j, b)
            if j + 2 < CG:
                scatter_wait(b)
                gather(slot, j + 2, b)

        @pl.when(ch + 1 < nchunk)
        def _():
            idx_wait(1 - slot)
            scatter_wait(0)
            gather(1 - slot, 0, 0)
            scatter_wait(1)
            gather(1 - slot, 1, 1)

        @pl.when(ch + 1 >= nchunk)
        def _():
            scatter_wait(0)
            scatter_wait(1)

        return carry

    lax.fori_loop(0, nchunk, chunk_body, 0)
    plsc.subcore_barrier()
    pltpu.sync_copy(agg_s.at[pl.ds(s * ROWS_PER_TILE, ROWS_PER_TILE)],
                    out_hbm.at[c, pl.ds(s * ROWS_PER_TILE, ROWS_PER_TILE)])


_sc_agg = functools.partial(
    pl.kernel,
    mesh=plsc.VectorSubcoreMesh(core_axis_name="c", subcore_axis_name="s"),
    out_type=jax.ShapeDtypeStruct((NC, NPAD, D), jnp.float32),
    scratch_types=[
        pltpu.VMEM_SHARED((NPAD, D), jnp.float32),
        pltpu.VMEM((2, CG, GROUP), jnp.int32),
        pltpu.VMEM((2, CG, GROUP), jnp.int32),
        pltpu.VMEM((GROUP, D), jnp.float32),
        pltpu.VMEM((GROUP, D), jnp.float32),
    ] + [pltpu.SemaphoreType.DMA] * 5,
)(_sc_agg_body)


_TC_ROWS = 1000


def _tc_layer_body(x_ref, agg_ref, w_ref, b_ref, o_ref):
    acc = x_ref[...] + agg_ref[0] + agg_ref[1]
    y = jnp.dot(acc, w_ref[...], preferred_element_type=jnp.float32) + b_ref[...]
    o_ref[...] = jnp.maximum(y, 0.0)


_tc_layer = pl.pallas_call(
    _tc_layer_body,
    grid=(N_NODES // _TC_ROWS,),
    in_specs=[
        pl.BlockSpec((_TC_ROWS, D), lambda i: (i, 0)),
        pl.BlockSpec((NC, _TC_ROWS, D), lambda i: (0, i, 0)),
        pl.BlockSpec((D, D), lambda i: (0, 0)),
        pl.BlockSpec((1, D), lambda i: (0, 0)),
    ],
    out_specs=pl.BlockSpec((_TC_ROWS, D), lambda i: (i, 0)),
    out_shape=jax.ShapeDtypeStruct((N_NODES, D), jnp.float32),
)


def _tc_final_body(x_ref, agg_ref, w1_ref, b1_ref, w2_ref, b2_ref, o_ref):
    acc = x_ref[...] + agg_ref[0] + agg_ref[1]
    h = jnp.dot(acc, w1_ref[...], preferred_element_type=jnp.float32) + b1_ref[...]
    h = jnp.maximum(h, 0.0)
    o_ref[...] = jnp.dot(h, w2_ref[...], preferred_element_type=jnp.float32) + b2_ref[...]


_tc_final = pl.pallas_call(
    _tc_final_body,
    grid=(N_NODES // _TC_ROWS,),
    in_specs=[
        pl.BlockSpec((_TC_ROWS, D), lambda i: (i, 0)),
        pl.BlockSpec((NC, _TC_ROWS, D), lambda i: (0, i, 0)),
        pl.BlockSpec((D, D), lambda i: (0, 0)),
        pl.BlockSpec((1, D), lambda i: (0, 0)),
        pl.BlockSpec((D, N_CLS), lambda i: (0, 0)),
        pl.BlockSpec((1, N_CLS), lambda i: (0, 0)),
    ],
    out_specs=pl.BlockSpec((_TC_ROWS, N_CLS), lambda i: (i, 0)),
    out_shape=jax.ShapeDtypeStruct((N_NODES, N_CLS), jnp.float32),
)


def kernel(x, edge_index, W0, b0, W1, b1, W2, b2):
    src2d = edge_index[0].reshape(-1, GROUP)
    dst2d = edge_index[1].reshape(-1, GROUP)
    zeros = jnp.zeros((ROWS_PER_TILE, D), jnp.float32)

    agg1 = _sc_agg(x, src2d, dst2d, zeros)
    h1 = _tc_layer(x, agg1, W0, b0.reshape(1, D))
    agg2 = _sc_agg(h1, src2d, dst2d, zeros)
    return _tc_final(h1, agg2, W1, b1.reshape(1, D), W2, b2.reshape(1, N_CLS))

# --- scband reference (transcript-rebuilt; emitter-appended) ---
"""Pipeline reference for scband-gin-11751030522723 (READ-ONLY COPY).

The authoritative reference and input builder live on the scoring server;
editing this copy changes nothing except your own understanding.
"""

import jax, jax.numpy as jnp
import numpy as np

N = 10000
E = 320000
D_IN = 128
D_H = 128
N_CLASSES = 64
N_LAYERS = 2


def setup_inputs(seed: int = 0) -> dict:
    key = jax.random.key(seed)
    ks = jax.random.split(key, 8)
    x = jax.random.normal(ks[0], (N, D_IN), dtype=jnp.float32)
    edge_index = jax.random.randint(ks[1], (2, E), 0, N, dtype=jnp.int32)
    # GINConv apply_func linears + output classifier linear
    W0 = jax.random.normal(ks[2], (D_IN, D_H), dtype=jnp.float32) / np.sqrt(D_IN)
    b0 = jnp.zeros((D_H,), dtype=jnp.float32)
    W1 = jax.random.normal(ks[3], (D_H, D_H), dtype=jnp.float32) / np.sqrt(D_H)
    b1 = jnp.zeros((D_H,), dtype=jnp.float32)
    W2 = jax.random.normal(ks[4], (D_H, N_CLASSES), dtype=jnp.float32) / np.sqrt(D_H)
    b2 = jnp.zeros((N_CLASSES,), dtype=jnp.float32)
    return {"x": x, "edge_index": edge_index, "W0": W0, "b0": b0, "W1": W1, "b1": b1, "W2": W2, "b2": b2}


def reference(x, edge_index, W0, b0, W1, b1, W2, b2):
    # GIN with sum aggregator, eps=0 (DGL GINConv default):
    #   h_v <- Linear( (1+eps)*h_v + sum_{u in N(v)} h_u )
    # followed by ReLU activation; dropout is identity in eval mode.
    src = edge_index[0]
    dst = edge_index[1]
    h = x
    for (W, b) in ((W0, b0), (W1, b1)):
        msgs = jnp.take(h, src, axis=0)                      # gather  [E, d]
        agg = jax.ops.segment_sum(msgs, dst, num_segments=N)  # scatter-add [N, d]
        h = (h + agg) @ W + b                                 # (1+eps)*h with eps=0
        h = jax.nn.relu(h)
    out = h @ W2 + b2
    return out

if __name__ == "__main__":
    import jax
    _d = setup_inputs()
    print(jax.jit(kernel)(*tuple(_d.values())))

</pallas_src>

<mosaic_0001>
#map = affine_map<(d0, d1) -> (0, 0)>
#map1 = affine_map<(d0, d1) -> (0, 0, 0)>
module attributes {stable_mosaic.version = 14 : i64} {
  func.func @_sc_agg_body(%arg0: i32, %arg1: i32, %arg2: memref<10000x128xf32, #tpu.memory_space<hbm>>, %arg3: memref<2560x125xi32, #tpu.memory_space<hbm>>, %arg4: memref<2560x125xi32, #tpu.memory_space<hbm>>, %arg5: memref<632x128xf32, #tpu.memory_space<hbm>>, %arg6: memref<2x10112x128xf32, #tpu.memory_space<hbm>>, %arg7: memref<10112x128xf32, #tpu.memory_space<vmem_shared>>, %arg8: memref<2x16x125xi32, #tpu.memory_space<vmem>>, %arg9: memref<2x16x125xi32, #tpu.memory_space<vmem>>, %arg10: memref<125x128xf32, #tpu.memory_space<vmem>>, %arg11: memref<125x128xf32, #tpu.memory_space<vmem>>, %arg12: memref<!tpu.dma_semaphore, #tpu.memory_space<semaphore_mem>>, %arg13: memref<!tpu.dma_semaphore, #tpu.memory_space<semaphore_mem>>, %arg14: memref<!tpu.dma_semaphore, #tpu.memory_space<semaphore_mem>>, %arg15: memref<!tpu.dma_semaphore, #tpu.memory_space<semaphore_mem>>, %arg16: memref<!tpu.dma_semaphore, #tpu.memory_space<semaphore_mem>>) attributes {dimension_semantics = [#tpu.dimension_semantics<core_parallel>, #tpu.dimension_semantics<subcore_parallel>], iteration_bounds = array<i64: 2, 16>, scalar_prefetch = 0 : i64, scratch_operands = 10 : i64, tpu.core_type = #tpu.core_type<sc_vector_subcore>, window_params = [{transform_indices = #map}, {transform_indices = #map}, {transform_indices = #map}, {transform_indices = #map}, {transform_indices = #map1}]} {
    %mul3A = arith.constant 16 : i32
    %mul3A_0 = arith.muli %arg0, %mul3A : i32
    %add3A = arith.addi %mul3A_0, %arg1 : i32
    %mul3A_1 = arith.constant 80 : i32
    %mul3A_2 = arith.muli %add3A, %mul3A_1 : i32
    %mul3A_3 = arith.constant 632 : i32
    %mul3A_4 = arith.muli %arg1, %mul3A_3 : i32
    "tpu.region"() ({
      %run_scoped3A = tpu.sem_alloc : memref<!tpu.dma_semaphore, #tpu.memory_space<semaphore_mem>>
      %dma_start3A_87 = arith.constant 0 : i32
      %dma_start3A_88 = tpu.memref_slice %arg7[%mul3A_4, %dma_start3A_87] : memref<10112x128xf32, #tpu.memory_space<vmem_shared>> -> memref<632x128xf32, #tpu.memory_space<vmem_shared>>
      tpu.enqueue_dma source(%arg5 : memref<632x128xf32, #tpu.memory_space<hbm>>) target(%dma_start3A_88 : memref<632x128xf32, #tpu.memory_space<vmem_shared>>) target_semaphore(%run_scoped3A : memref<!tpu.dma_semaphore, #tpu.memory_space<semaphore_mem>>)
      %dma_wait3A_89 = arith.constant 0 : i32
      %dma_wait3A_90 = tpu.memref_slice %arg7[%mul3A_4, %dma_wait3A_89] : memref<10112x128xf32, #tpu.memory_space<vmem_shared>> -> memref<632x128xf32, #tpu.memory_space<vmem_shared>>
      tpu.wait_dma2 semaphore(%run_scoped3A : memref<!tpu.dma_semaphore, #tpu.memory_space<semaphore_mem>>) src(%arg5 : memref<632x128xf32, #tpu.memory_space<hbm>>) dst(%dma_wait3A_90 : memref<632x128xf32, #tpu.memory_space<vmem_shared>>)
      tpu.yield
    }) : () -> ()
    %add3A_5 = arith.constant 0 : i32
    %add3A_6 = arith.addi %mul3A_2, %add3A_5 : i32
    %dma_start3A = arith.constant 0 : i32
    %dma_start3A_7 = arith.constant 0 : i32
    %dma_start3A_8 = arith.constant 0 : i32
    %dma_start3A_9 = tpu.memref_slice %arg8[%dma_start3A, %dma_start3A_7, %dma_start3A_8] : memref<2x16x125xi32, #tpu.memory_space<vmem>> -> memref<1x16x125xi32, #tpu.memory_space<vmem>>
    %dma_start3A_10 = tpu.memref_squeeze %dma_start3A_9 : memref<1x16x125xi32, #tpu.memory_space<vmem>> -> memref<16x125xi32, #tpu.memory_space<vmem>>
    %dma_start3A_11 = arith.constant 0 : i32
    %dma_start3A_12 = tpu.memref_slice %arg3[%add3A_6, %dma_start3A_11] : memref<2560x125xi32, #tpu.memory_space<hbm>> -> memref<16x125xi32, #tpu.memory_space<hbm>>
    %dma_start3A_13 = arith.constant 0 : i32
    %dma_start3A_14 = arith.constant 0 : i32
    %dma_start3A_15 = tpu.memref_slice %arg8[%dma_start3A, %dma_start3A_13, %dma_start3A_14] : memref<2x16x125xi32, #tpu.memory_space<vmem>> -> memref<1x16x125xi32, #tpu.memory_space<vmem>>
    %dma_start3A_16 = tpu.memref_squeeze %dma_start3A_15 : memref<1x16x125xi32, #tpu.memory_space<vmem>> -> memref<16x125xi32, #tpu.memory_space<vmem>>
    %dma_start3A_17 = arith.constant 0 : i32
    %dma_start3A_18 = tpu.memref_slice %arg3[%add3A_6, %dma_start3A_17] : memref<2560x125xi32, #tpu.memory_space<hbm>> -> memref<16x125xi32, #tpu.memory_space<hbm>>
    tpu.enqueue_dma source(%dma_start3A_18 : memref<16x125xi32, #tpu.memory_space<hbm>>) target(%dma_start3A_16 : memref<16x125xi32, #tpu.memory_space<vmem>>) target_semaphore(%arg12 : memref<!tpu.dma_semaphore, #tpu.memory_space<semaphore_mem>>)
    %dma_start3A_19 = arith.constant 0 : i32
    %dma_start3A_20 = arith.constant 0 : i32
    %dma_start3A_21 = arith.constant 0 : i32
    %dma_start3A_22 = tpu.memref_slice %arg9[%dma_start3A_19, %dma_start3A_20, %dma_start3A_21] : memref<2x16x125xi32, #tpu.memory_space<vmem>> -> memref<1x16x125xi32, #tpu.memory_space<vmem>>
    %dma_start3A_23 = tpu.memref_squeeze %dma_start3A_22 : memref<1x16x125xi32, #tpu.memory_space<vmem>> -> memref<16x125xi32, #tpu.memory_space<vmem>>
    %dma_start3A_24 = arith.constant 0 : i32
    %dma_start3A_25 = tpu.memref_slice %arg4[%add3A_6, %dma_start3A_24] : memref<2560x125xi32, #tpu.memory_space<hbm>> -> memref<16x125xi32, #tpu.memory_space<hbm>>
    %dma_start3A_26 = arith.constant 0 : i32
    %dma_start3A_27 = arith.constant 0 : i32
    %dma_start3A_28 = tpu.memref_slice %arg9[%dma_start3A_19, %dma_start3A_26, %dma_start3A_27] : memref<2x16x125xi32, #tpu.memory_space<vmem>> -> memref<1x16x125xi32, #tpu.memory_space<vmem>>
    %dma_start3A_29 = tpu.memref_squeeze %dma_start3A_28 : memref<1x16x125xi32, #tpu.memory_space<vmem>> -> memref<16x125xi32, #tpu.memory_space<vmem>>
    %dma_start3A_30 = arith.constant 0 : i32
    %dma_start3A_31 = tpu.memref_slice %arg4[%add3A_6, %dma_start3A_30] : memref<2560x125xi32, #tpu.memory_space<hbm>> -> memref<16x125xi32, #tpu.memory_space<hbm>>
    tpu.enqueue_dma source(%dma_start3A_31 : memref<16x125xi32, #tpu.memory_space<hbm>>) target(%dma_start3A_29 : memref<16x125xi32, #tpu.memory_space<vmem>>) target_semaphore(%arg12 : memref<!tpu.dma_semaphore, #tpu.memory_space<semaphore_mem>>)
    %barrier3A = arith.constant 0 : index
    tpu.barrier barrier_id(%barrier3A)
    %dma_wait3A = arith.constant 0 : i32
    %dma_wait3A_32 = arith.constant 0 : i32
    %dma_wait3A_33 = arith.constant 0 : i32
    %dma_wait3A_34 = tpu.memref_slice %arg8[%dma_wait3A, %dma_wait3A_32, %dma_wait3A_33] : memref<2x16x125xi32, #tpu.memory_space<vmem>> -> memref<1x16x125xi32, #tpu.memory_space<vmem>>
    %dma_wait3A_35 = tpu.memref_squeeze %dma_wait3A_34 : memref<1x16x125xi32, #tpu.memory_space<vmem>> -> memref<16x125xi32, #tpu.memory_space<vmem>>
    %dma_wait3A_36 = arith.constant 0 : i32
    %dma_wait3A_37 = arith.constant 0 : i32
    %dma_wait3A_38 = tpu.memref_slice %arg3[%dma_wait3A_36, %dma_wait3A_37] : memref<2560x125xi32, #tpu.memory_space<hbm>> -> memref<16x125xi32, #tpu.memory_space<hbm>>
    %dma_wait3A_39 = arith.constant 0 : i32
    %dma_wait3A_40 = arith.constant 0 : i32
    %dma_wait3A_41 = tpu.memref_slice %arg8[%dma_wait3A, %dma_wait3A_39, %dma_wait3A_40] : memref<2x16x125xi32, #tpu.memory_space<vmem>> -> memref<1x16x125xi32, #tpu.memory_space<vmem>>
    %dma_wait3A_42 = tpu.memref_squeeze %dma_wait3A_41 : memref<1x16x125xi32, #tpu.memory_space<vmem>> -> memref<16x125xi32, #tpu.memory_space<vmem>>
    %dma_wait3A_43 = arith.constant 0 : i32
    %dma_wait3A_44 = arith.constant 0 : i32
    %dma_wait3A_45 = tpu.memref_slice %arg3[%dma_wait3A_43, %dma_wait3A_44] : memref<2560x125xi32, #tpu.memory_space<hbm>> -> memref<16x125xi32, #tpu.memory_space<hbm>>
    tpu.wait_dma2 semaphore(%arg12 : memref<!tpu.dma_semaphore, #tpu.memory_space<semaphore_mem>>) src(%dma_wait3A_45 : memref<16x125xi32, #tpu.memory_space<hbm>>) dst(%dma_wait3A_42 : memref<16x125xi32, #tpu.memory_space<vmem>>)
    %dma_wait3A_46 = arith.constant 0 : i32
    %dma_wait3A_47 = arith.constant 0 : i32
    %dma_wait3A_48 = arith.constant 0 : i32
    %dma_wait3A_49 = tpu.memref_slice %arg9[%dma_wait3A_46, %dma_wait3A_47, %dma_wait3A_48] : memref<2x16x125xi32, #tpu.memory_space<vmem>> -> memref<1x16x125xi32, #tpu.memory_space<vmem>>
    %dma_wait3A_50 = tpu.memref_squeeze %dma_wait3A_49 : memref<1x16x125xi32, #tpu.memory_space<vmem>> -> memref<16x125xi32, #tpu.memory_space<vmem>>
    %dma_wait3A_51 = arith.constant 0 : i32
    %dma_wait3A_52 = arith.constant 0 : i32
    %dma_wait3A_53 = tpu.memref_slice %arg4[%dma_wait3A_51, %dma_wait3A_52] : memref<2560x125xi32, #tpu.memory_space<hbm>> -> memref<16x125xi32, #tpu.memory_space<hbm>>
    %dma_wait3A_54 = arith.constant 0 : i32
    %dma_wait3A_55 = arith.constant 0 : i32
    %dma_wait3A_56 = tpu.memref_slice %arg9[%dma_wait3A_46, %dma_wait3A_54, %dma_wait3A_55] : memref<2x16x125xi32, #tpu.memory_space<vmem>> -> memref<1x16x125xi32, #tpu.memory_space<vmem>>
    %dma_wait3A_57 = tpu.memref_squeeze %dma_wait3A_56 : memref<1x16x125xi32, #tpu.memory_space<vmem>> -> memref<16x125xi32, #tpu.memory_space<vmem>>
    %dma_wait3A_58 = arith.constant 0 : i32
    %dma_wait3A_59 = arith.constant 0 : i32
    %dma_wait3A_60 = tpu.memref_slice %arg4[%dma_wait3A_58, %dma_wait3A_59] : memref<2560x125xi32, #tpu.memory_space<hbm>> -> memref<16x125xi32, #tpu.memory_space<hbm>>
    tpu.wait_dma2 semaphore(%arg12 : memref<!tpu.dma_semaphore, #tpu.memory_space<semaphore_mem>>) src(%dma_wait3A_60 : memref<16x125xi32, #tpu.memory_space<hbm>>) dst(%dma_wait3A_57 : memref<16x125xi32, #tpu.memory_space<vmem>>)
    %dma_start3A_61 = arith.constant 0 : i32
    %dma_start3A_62 = arith.constant 0 : i32
    %dma_start3A_63 = arith.constant 0 : i32
    %dma_start3A_64 = tpu.memref_slice %arg8[%dma_start3A_61, %dma_start3A_62, %dma_start3A_63] : memref<2x16x125xi32, #tpu.memory_space<vmem>> -> memref<1x1x125xi32, #tpu.memory_space<vmem>>
    %dma_start3A_65 = tpu.memref_squeeze %dma_start3A_64 : memref<1x1x125xi32, #tpu.memory_space<vmem>> -> memref<125xi32, #tpu.memory_space<vmem>>
    %dma_start3A_66 = arith.constant 0 : i32
    %dma_start3A_67 = arith.constant 0 : i32
    %dma_start3A_68 = tpu.memref_slice %arg2[%dma_start3A_66, %dma_start3A_67] : memref<10000x128xf32, #tpu.memory_space<hbm>> -> memref<10000x128xf32, #tpu.memory_space<hbm>>
    tpu.enqueue_indirect_dma source(%dma_start3A_68 : memref<10000x128xf32, #tpu.memory_space<hbm>>) target(%arg10 : memref<125x128xf32, #tpu.memory_space<vmem>>) offsets(%dma_start3A_65 : memref<125xi32, #tpu.memory_space<vmem>>) semaphore(%arg13 : memref<!tpu.dma_semaphore, #tpu.memory_space<semaphore_mem>>)
    %dma_start3A_69 = arith.constant 0 : i32
    %dma_start3A_70 = arith.constant 1 : i32
    %dma_start3A_71 = arith.constant 0 : i32
    %dma_start3A_72 = tpu.memref_slice %arg8[%dma_start3A_69, %dma_start3A_70, %dma_start3A_71] : memref<2x16x125xi32, #tpu.memory_space<vmem>> -> memref<1x1x125xi32, #tpu.memory_space<vmem>>
    %dma_start3A_73 = tpu.memref_squeeze %dma_start3A_72 : memref<1x1x125xi32, #tpu.memory_space<vmem>> -> memref<125xi32, #tpu.memory_space<vmem>>
    %dma_start3A_74 = arith.constant 0 : i32
    %dma_start3A_75 = arith.constant 0 : i32
    %dma_start3A_76 = tpu.memref_slice %arg2[%dma_start3A_74, %dma_start3A_75] : memref<10000x128xf32, #tpu.memory_space<hbm>> -> memref<10000x128xf32, #tpu.memory_space<hbm>>
    tpu.enqueue_indirect_dma source(%dma_start3A_76 : memref<10000x128xf32, #tpu.memory_space<hbm>>) target(%arg11 : memref<125x128xf32, #tpu.memory_space<vmem>>) offsets(%dma_start3A_73 : memref<125xi32, #tpu.memory_space<vmem>>) semaphore(%arg14 : memref<!tpu.dma_semaphore, #tpu.memory_space<semaphore_mem>>)
    %scan3A = arith.constant 0 : i32
    %scan3A_77 = arith.constant 0 : i32
    %scan3A_78 = arith.constant 5 : i32
    %scan3A_79 = arith.addi %scan3A_77, %scan3A_78 : i32
    %scan3A_80 = arith.constant 1 : i32
    scf.for %scan3A_87 = %scan3A_77 to %scan3A_79 step %scan3A_80  : i32 {
      %rem3A = arith.constant 2 : i32
      %rem3A_88 = arith.remsi %scan3A_87, %rem3A : i32
      %add3A_89 = arith.constant 1 : i32
      %add3A_90 = arith.addi %scan3A_87, %add3A_89 : i32
      %lt3A = arith.constant 5 : i32
      %lt3A_91 = arith.cmpi slt, %add3A_90, %lt3A : i32
      %convert_element_type3A = arith.extui %lt3A_91 : i1 to i32
      %cond3A = arith.constant 0 : i32
      %cond3A_92 = arith.cmpi ne, %convert_element_type3A, %cond3A : i32
      scf.if %cond3A_92 {
        %add3A_556 = arith.constant 1 : i32
        %add3A_557 = arith.addi %scan3A_87, %add3A_556 : i32
        %sub3A = arith.constant 1 : i32
        %sub3A_558 = arith.subi %sub3A, %rem3A_88 : i32
        %mul3A_559 = arith.constant 16 : i32
        %mul3A_560 = arith.muli %add3A_557, %mul3A_559 : i32
        %add3A_561 = arith.addi %mul3A_2, %mul3A_560 : i32
        %dma_start3A_562 = arith.constant 0 : i32
        %dma_start3A_563 = arith.constant 0 : i32
        %dma_start3A_564 = tpu.memref_slice %arg8[%sub3A_558, %dma_start3A_562, %dma_start3A_563] : memref<2x16x125xi32, #tpu.memory_space<vmem>> -> memref<1x16x125xi32, #tpu.memory_space<vmem>>
        %dma_start3A_565 = tpu.memref_squeeze %dma_start3A_564 : memref<1x16x125xi32, #tpu.memory_space<vmem>> -> memref<16x125xi32, #tpu.memory_space<vmem>>
        %dma_start3A_566 = arith.constant 0 : i32
        %dma_start3A_567 = tpu.memref_slice %arg3[%add3A_561, %dma_start3A_566] : memref<2560x125xi32, #tpu.memory_space<hbm>> -> memref<16x125xi32, #tpu.memory_space<hbm>>
        %dma_start3A_568 = arith.constant 0 : i32
        %dma_start3A_569 = arith.constant 0 : i32
        %dma_start3A_570 = tpu.memref_slice %arg8[%sub3A_558, %dma_start3A_568, %dma_start3A_569] : memref<2x16x125xi32, #tpu.memory_space<vmem>> -> memref<1x16x125xi32, #tpu.memory_space<vmem>>
        %dma_start3A_571 = tpu.memref_squeeze %dma_start3A_570 : memref<1x16x125xi32, #tpu.memory_space<vmem>> -> memref<16x125xi32, #tpu.memory_space<vmem>>
        %dma_start3A_572 = arith.constant 0 : i32
        %dma_start3A_573 = tpu.memref_slice %arg3[%add3A_561, %dma_start3A_572] : memref<2560x125xi32, #tpu.memory_space<hbm>> -> memref<16x125xi32, #tpu.memory_space<hbm>>
        tpu.enqueue_dma source(%dma_start3A_573 : memref<16x125xi32, #tpu.memory_space<hbm>>) target(%dma_start3A_571 : memref<16x125xi32, #tpu.memory_space<vmem>>) target_semaphore(%arg12 : memref<!tpu.dma_semaphore, #tpu.memory_space<semaphore_mem>>)
        %dma_start3A_574 = arith.constant 0 : i32
        %dma_start3A_575 = arith.constant 0 : i32
        %dma_start3A_576 = tpu.memref_slice %arg9[%sub3A_558, %dma_start3A_574, %dma_start3A_575] : memref<2x16x125xi32, #tpu.memory_space<vmem>> -> memref<1x16x125xi32, #tpu.memory_space<vmem>>
        %dma_start3A_577 = tpu.memref_squeeze %dma_start3A_576 : memref<1x16x125xi32, #tpu.memory_space<vmem>> -> memref<16x125xi32, #tpu.memory_space<vmem>>
        %dma_start3A_578 = arith.constant 0 : i32
        %dma_start3A_579 = tpu.memref_slice %arg4[%add3A_561, %dma_start3A_578] : memref<2560x125xi32, #tpu.memory_space<hbm>> -> memref<16x125xi32, #tpu.memory_space<hbm>>
        %dma_start3A_580 = arith.constant 0 : i32
        %dma_start3A_581 = arith.constant 0 : i32
        %dma_start3A_582 = tpu.memref_slice %arg9[%sub3A_558, %dma_start3A_580, %dma_start3A_581] : memref<2x16x125xi32, #tpu.memory_space<vmem>> -> memref<1x16x125xi32, #tpu.memory_space<vmem>>
        %dma_start3A_583 = tpu.memref_squeeze %dma_start3A_582 : memref<1x16x125xi32, #tpu.memory_space<vmem>> -> memref<16x125xi32, #tpu.memory_space<vmem>>
        %dma_start3A_584 = arith.constant 0 : i32
        %dma_start3A_585 = tpu.memref_slice %arg4[%add3A_561, %dma_start3A_584] : memref<2560x125xi32, #tpu.memory_space<hbm>> -> memref<16x125xi32, #tpu.memory_space<hbm>>
        tpu.enqueue_dma source(%dma_start3A_585 : memref<16x125xi32, #tpu.memory_space<hbm>>) target(%dma_start3A_583 : memref<16x125xi32, #tpu.memory_space<vmem>>) target_semaphore(%arg12 : memref<!tpu.dma_semaphore, #tpu.memory_space<semaphore_mem>>)
      } else {
      }
      %dma_wait3A_93 = arith.constant 0 : i32
      %dma_wait3A_94 = arith.constant 0 : i32
      %dma_wait3A_95 = arith.constant 0 : i32
      %dma_wait3A_96 = tpu.memref_slice %arg8[%dma_wait3A_93, %dma_wait3A_94, %dma_wait3A_95] : memref<2x16x125xi32, #tpu.memory_space<vmem>> -> memref<1x1x125xi32, #tpu.memory_space<vmem>>
      %dma_wait3A_97 = tpu.memref_squeeze %dma_wait3A_96 : memref<1x1x125xi32, #tpu.memory_space<vmem>> -> memref<125xi32, #tpu.memory_space<vmem>>
      %dma_wait3A_98 = arith.constant 0 : i32
      %dma_wait3A_99 = arith.constant 0 : i32
      %dma_wait3A_100 = tpu.memref_slice %arg2[%dma_wait3A_98, %dma_wait3A_99] : memref<10000x128xf32, #tpu.memory_space<hbm>> -> memref<10000x128xf32, #tpu.memory_space<hbm>>
      tpu.wait_indirect_dma semaphore(%arg13 : memref<!tpu.dma_semaphore, #tpu.memory_space<semaphore_mem>>) src(%dma_wait3A_100 : memref<10000x128xf32, #tpu.memory_space<hbm>>) dst(%arg10 : memref<125x128xf32, #tpu.memory_space<vmem>>)
      %dma_start3A_101 = arith.constant 0 : i32
      %dma_start3A_102 = arith.constant 0 : i32
      %dma_start3A_103 = tpu.memref_slice %arg9[%rem3A_88, %dma_start3A_101, %dma_start3A_102] : memref<2x16x125xi32, #tpu.memory_space<vmem>> -> memref<1x1x125xi32, #tpu.memory_space<vmem>>
      %dma_start3A_104 = tpu.memref_squeeze %dma_start3A_103 : memref<1x1x125xi32, #tpu.memory_space<vmem>> -> memref<125xi32, #tpu.memory_space<vmem>>
      %dma_start3A_105 = arith.constant 0 : i32
      %dma_start3A_106 = arith.constant 0 : i32
      %dma_start3A_107 = tpu.memref_slice %arg7[%dma_start3A_105, %dma_start3A_106] : memref<10112x128xf32, #tpu.memory_space<vmem_shared>> -> memref<10112x128xf32, #tpu.memory_space<vmem_shared>>
      tpu.enqueue_indirect_dma source(%arg10 : memref<125x128xf32, #tpu.memory_space<vmem>>) target(%dma_start3A_107 : memref<10112x128xf32, #tpu.memory_space<vmem_shared>>) offsets(%dma_start3A_104 : memref<125xi32, #tpu.memory_space<vmem>>) semaphore(%arg15 : memref<!tpu.dma_semaphore, #tpu.memory_space<semaphore_mem>>) {add = true}
      %dma_wait3A_108 = arith.constant 0 : i32
      %dma_wait3A_109 = arith.constant 0 : i32
      %dma_wait3A_110 = arith.constant 0 : i32
      %dma_wait3A_111 = tpu.memref_slice %arg9[%dma_wait3A_108, %dma_wait3A_109, %dma_wait3A_110] : memref<2x16x125xi32, #tpu.memory_space<vmem>> -> memref<1x1x125xi32, #tpu.memory_space<vmem>>
      %dma_wait3A_112 = tpu.memref_squeeze %dma_wait3A_111 : memref<1x1x125xi32, #tpu.memory_space<vmem>> -> memref<125xi32, #tpu.memory_space<vmem>>
      %dma_wait3A_113 = arith.constant 0 : i32
      %dma_wait3A_114 = arith.constant 0 : i32
      %dma_wait3A_115 = tpu.memref_slice %arg7[%dma_wait3A_113, %dma_wait3A_114] : memref<10112x128xf32, #tpu.memory_space<vmem_shared>> -> memref<10112x128xf32, #tpu.memory_space<vmem_shared>>
      tpu.wait_indirect_dma semaphore(%arg15 : memref<!tpu.dma_semaphore, #tpu.memory_space<semaphore_mem>>) src(%arg10 : memref<125x128xf32, #tpu.memory_space<vmem>>) dst(%dma_wait3A_115 : memref<10112x128xf32, #tpu.memory_space<vmem_shared>>)
      %dma_start3A_116 = arith.constant 2 : i32
      %dma_start3A_117 = arith.constant 0 : i32
      %dma_start3A_118 = tpu.memref_slice %arg8[%rem3A_88, %dma_start3A_116, %dma_start3A_117] : memref<2x16x125xi32, #tpu.memory_space<vmem>> -> memref<1x1x125xi32, #tpu.memory_space<vmem>>
      %dma_start3A_119 = tpu.memref_squeeze %dma_start3A_118 : memref<1x1x125xi32, #tpu.memory_space<vmem>> -> memref<125xi32, #tpu.memory_space<vmem>>
      %dma_start3A_120 = arith.constant 0 : i32
      %dma_start3A_121 = arith.constant 0 : i32
      %dma_start3A_122 = tpu.memref_slice %arg2[%dma_start3A_120, %dma_start3A_121] : memref<10000x128xf32, #tpu.memory_space<hbm>> -> memref<10000x128xf32, #tpu.memory_space<hbm>>
      tpu.enqueue_indirect_dma source(%dma_start3A_122 : memref<10000x128xf32, #tpu.memory_space<hbm>>) target(%arg10 : memref<125x128xf32, #tpu.memory_space<vmem>>) offsets(%dma_start3A_119 : memref<125xi32, #tpu.memory_space<vmem>>) semaphore(%arg13 : memref<!tpu.dma_semaphore, #tpu.memory_space<semaphore_mem>>)
      %dma_wait3A_123 = arith.constant 0 : i32
      %dma_wait3A_124 = arith.constant 0 : i32
      %dma_wait3A_125 = arith.constant 0 : i32
      %dma_wait3A_126 = tpu.memref_slice %arg8[%dma_wait3A_123, %dma_wait3A_124, %dma_wait3A_125] : memref<2x16x125xi32, #tpu.memory_space<vmem>> -> memref<1x1x125xi32, #tpu.memory_space<vmem>>
      %dma_wait3A_127 = tpu.memref_squeeze %dma_wait3A_126 : memref<1x1x125xi32, #tpu.memory_space<vmem>> -> memref<125xi32, #tpu.memory_space<vmem>>
      %dma_wait3A_128 = arith.constant 0 : i32
      %dma_wait3A_129 = arith.constant 0 : i32
      %dma_wait3A_130 = tpu.memref_slice %arg2[%dma_wait3A_128, %dma_wait3A_129] : memref<10000x128xf32, #tpu.memory_space<hbm>> -> memref<10000x128xf32, #tpu.memory_space<hbm>>
      tpu.wait_indirect_dma semaphore(%arg14 : memref<!tpu.dma_semaphore, #tpu.memory_space<semaphore_mem>>) src(%dma_wait3A_130 : memref<10000x128xf32, #tpu.memory_space<hbm>>) dst(%arg11 : memref<125x128xf32, #tpu.memory_space<vmem>>)
      %dma_start3A_131 = arith.constant 1 : i32
      %dma_start3A_132 = arith.constant 0 : i32
      %dma_start3A_133 = tpu.memref_slice %arg9[%rem3A_88, %dma_start3A_131, %dma_start3A_132] : memref<2x16x125xi32, #tpu.memory_space<vmem>> -> memref<1x1x125xi32, #tpu.memory_space<vmem>>
      %dma_start3A_134 = tpu.memref_squeeze %dma_start3A_133 : memref<1x1x125xi32, #tpu.memory_space<vmem>> -> memref<125xi32, #tpu.memory_space<vmem>>
      %dma_start3A_135 = arith.constant 0 : i32
      %dma_start3A_136 = arith.constant 0 : i32
      %dma_start3A_137 = tpu.memref_slice %arg7[%dma_start3A_135, %dma_start3A_136] : memref<10112x128xf32, #tpu.memory_space<vmem_shared>> -> memref<10112x128xf32, #tpu.memory_space<vmem_shared>>
      tpu.enqueue_indirect_dma source(%arg11 : memref<125x128xf32, #tpu.memory_space<vmem>>) target(%dma_start3A_137 : memref<10112x128xf32, #tpu.memory_space<vmem_shared>>) offsets(%dma_start3A_134 : memref<125xi32, #tpu.memory_space<vmem>>) semaphore(%arg16 : memref<!tpu.dma_semaphore, #tpu.memory_space<semaphore_mem>>) {add = true}
      %dma_wait3A_138 = arith.constant 0 : i32
      %dma_wait3A_139 = arith.constant 0 : i32
      %dma_wait3A_140 = arith.constant 0 : i32
      %dma_wait3A_141 = tpu.memref_slice %arg9[%dma_wait3A_138, %dma_wait3A_139, %dma_wait3A_140] : memref<2x16x125xi32, #tpu.memory_space<vmem>> -> memref<1x1x125xi32, #tpu.memory_space<vmem>>
      %dma_wait3A_142 = tpu.memref_squeeze %dma_wait3A_141 : memref<1x1x125xi32, #tpu.memory_space<vmem>> -> memref<125xi32, #tpu.memory_space<vmem>>
      %dma_wait3A_143 = arith.constant 0 : i32
      %dma_wait3A_144 = arith.constant 0 : i32
      %dma_wait3A_145 = tpu.memref_slice %arg7[%dma_wait3A_143, %dma_wait3A_144] : memref<10112x128xf32, #tpu.memory_space<vmem_shared>> -> memref<10112x128xf32, #tpu.memory_space<vmem_shared>>
      tpu.wait_indirect_dma semaphore(%arg16 : memref<!tpu.dma_semaphore, #tpu.memory_space<semaphore_mem>>) src(%arg11 : memref<125x128xf32, #tpu.memory_space<vmem>>) dst(%dma_wait3A_145 : memref<10112x128xf32, #tpu.memory_space<vmem_shared>>)
      %dma_start3A_146 = arith.constant 3 : i32
      %dma_start3A_147 = arith.constant 0 : i32
      %dma_start3A_148 = tpu.memref_slice %arg8[%rem3A_88, %dma_start3A_146, %dma_start3A_147] : memref<2x16x125xi32, #tpu.memory_space<vmem>> -> memref<1x1x125xi32, #tpu.memory_space<vmem>>
      %dma_start3A_149 = tpu.memref_squeeze %dma_start3A_148 : memref<1x1x125xi32, #tpu.memory_space<vmem>> -> memref<125xi32, #tpu.memory_space<vmem>>
      %dma_start3A_150 = arith.constant 0 : i32
      %dma_start3A_151 = arith.constant 0 : i32
      %dma_start3A_152 = tpu.memref_slice %arg2[%dma_start3A_150, %dma_start3A_151] : memref<10000x128xf32, #tpu.memory_space<hbm>> -> memref<10000x128xf32, #tpu.memory_space<hbm>>
      tpu.enqueue_indirect_dma source(%dma_start3A_152 : memref<10000x128xf32, #tpu.memory_space<hbm>>) target(%arg11 : memref<125x128xf32, #tpu.memory_space<vmem>>) offsets(%dma_start3A_149 : memref<125xi32, #tpu.memory_space<vmem>>) semaphore(%arg14 : memref<!tpu.dma_semaphore, #tpu.memory_space<semaphore_mem>>)
      %dma_wait3A_153 = arith.constant 0 : i32
      %dma_wait3A_154 = arith.constant 0 : i32
      %dma_wait3A_155 = arith.constant 0 : i32
      %dma_wait3A_156 = tpu.memref_slice %arg8[%dma_wait3A_153, %dma_wait3A_154, %dma_wait3A_155] : memref<2x16x125xi32, #tpu.memory_space<vmem>> -> memref<1x1x125xi32, #tpu.memory_space<vmem>>
      %dma_wait3A_157 = tpu.memref_squeeze %dma_wait3A_156 : memref<1x1x125xi32, #tpu.memory_space<vmem>> -> memref<125xi32, #tpu.memory_space<vmem>>
      %dma_wait3A_158 = arith.constant 0 : i32
      %dma_wait3A_159 = arith.constant 0 : i32
      %dma_wait3A_160 = tpu.memref_slice %arg2[%dma_wait3A_158, %dma_wait3A_159] : memref<10000x128xf32, #tpu.memory_space<hbm>> -> memref<10000x128xf32, #tpu.memory_space<hbm>>
      tpu.wait_indirect_dma semaphore(%arg13 : memref<!tpu.dma_semaphore, #tpu.memory_space<semaphore_mem>>) src(%dma_wait3A_160 : memref<10000x128xf32, #tpu.memory_space<hbm>>) dst(%arg10 : memref<125x128xf32, #tpu.memory_space<vmem>>)
      %dma_start3A_161 = arith.constant 2 : i32
      %dma_start3A_162 = arith.constant 0 : i32
      %dma_start3A_163 = tpu.memref_slice %arg9[%rem3A_88, %dma_start3A_161, %dma_start3A_162] : memref<2x16x125xi32, #tpu.memory_space<vmem>> -> memref<1x1x125xi32, #tpu.memory_space<vmem>>
      %dma_start3A_164 = tpu.memref_squeeze %dma_start3A_163 : memref<1x1x125xi32, #tpu.memory_space<vmem>> -> memref<125xi32, #tpu.memory_space<vmem>>
      %dma_start3A_165 = arith.constant 0 : i32
      %dma_start3A_166 = arith.constant 0 : i32
      %dma_start3A_167 = tpu.memref_slice %arg7[%dma_start3A_165, %dma_start3A_166] : memref<10112x128xf32, #tpu.memory_space<vmem_shared>> -> memref<10112x128xf32, #tpu.memory_space<vmem_shared>>
      tpu.enqueue_indirect_dma source(%arg10 : memref<125x128xf32, #tpu.memory_space<vmem>>) target(%dma_start3A_167 : memref<10112x128xf32, #tpu.memory_space<vmem_shared>>) offsets(%dma_start3A_164 : memref<125xi32, #tpu.memory_space<vmem>>) semaphore(%arg15 : memref<!tpu.dma_semaphore, #tpu.memory_space<semaphore_mem>>) {add = true}
      %dma_wait3A_168 = arith.constant 0 : i32
      %dma_wait3A_169 = arith.constant 0 : i32
      %dma_wait3A_170 = arith.constant 0 : i32
      %dma_wait3A_171 = tpu.memref_slice %arg9[%dma_wait3A_168, %dma_wait3A_169, %dma_wait3A_170] : memref<2x16x125xi32, #tpu.memory_space<vmem>> -> memref<1x1x125xi32, #tpu.memory_space<vmem>>
      %dma_wait3A_172 = tpu.memref_squeeze %dma_wait3A_171 : memref<1x1x125xi32, #tpu.memory_space<vmem>> -> memref<125xi32, #tpu.memory_space<vmem>>
      %dma_wait3A_173 = arith.constant 0 : i32
      %dma_wait3A_174 = arith.constant 0 : i32
      %dma_wait3A_175 = tpu.memref_slice %arg7[%dma_wait3A_173, %dma_wait3A_174] : memref<10112x128xf32, #tpu.memory_space<vmem_shared>> -> memref<10112x128xf32, #tpu.memory_space<vmem_shared>>
      tpu.wait_indirect_dma semaphore(%arg15 : memref<!tpu.dma_semaphore, #tpu.memory_space<semaphore_mem>>) src(%arg10 : memref<125x128xf32, #tpu.memory_space<vmem>>) dst(%dma_wait3A_175 : memref<10112x128xf32, #tpu.memory_space<vmem_shared>>)
      %dma_start3A_176 = arith.constant 4 : i32
      %dma_start3A_177 = arith.constant 0 : i32
      %dma_start3A_178 = tpu.memref_slice %arg8[%rem3A_88, %dma_start3A_176, %dma_start3A_177] : memref<2x16x125xi32, #tpu.memory_space<vmem>> -> memref<1x1x125xi32, #tpu.memory_space<vmem>>
      %dma_start3A_179 = tpu.memref_squeeze %dma_start3A_178 : memref<1x1x125xi32, #tpu.memory_space<vmem>> -> memref<125xi32, #tpu.memory_space<vmem>>
      %dma_start3A_180 = arith.constant 0 : i32
      %dma_start3A_181 = arith.constant 0 : i32
      %dma_start3A_182 = tpu.memref_slice %arg2[%dma_start3A_180, %dma_start3A_181] : memref<10000x128xf32, #tpu.memory_space<hbm>> -> memref<10000x128xf32, #tpu.memory_space<hbm>>
      tpu.enqueue_indirect_dma source(%dma_start3A_182 : memref<10000x128xf32, #tpu.memory_space<hbm>>) target(%arg10 : memref<125x128xf32, #tpu.memory_space<vmem>>) offsets(%dma_start3A_179 : memref<125xi32, #tpu.memory_space<vmem>>) semaphore(%arg13 : memref<!tpu.dma_semaphore, #tpu.memory_space<semaphore_mem>>)
      %dma_wait3A_183 = arith.constant 0 : i32
      %dma_wait3A_184 = arith.constant 0 : i32
      %dma_wait3A_185 = arith.constant 0 : i32
      %dma_wait3A_186 = tpu.memref_slice %arg8[%dma_wait3A_183, %dma_wait3A_184, %dma_wait3A_185] : memref<2x16x125xi32, #tpu.memory_space<vmem>> -> memref<1x1x125xi32, #tpu.memory_space<vmem>>
      %dma_wait3A_187 = tpu.memref_squeeze %dma_wait3A_186 : memref<1x1x125xi32, #tpu.memory_space<vmem>> -> memref<125xi32, #tpu.memory_space<vmem>>
      %dma_wait3A_188 = arith.constant 0 : i32
      %dma_wait3A_189 = arith.constant 0 : i32
      %dma_wait3A_190 = tpu.memref_slice %arg2[%dma_wait3A_188, %dma_wait3A_189] : memref<10000x128xf32, #tpu.memory_space<hbm>> -> memref<10000x128xf32, #tpu.memory_space<hbm>>
      tpu.wait_indirect_dma semaphore(%arg14 : memref<!tpu.dma_semaphore, #tpu.memory_space<semaphore_mem>>) src(%dma_wait3A_190 : memref<10000x128xf32, #tpu.memory_space<hbm>>) dst(%arg11 : memref<125x128xf32, #tpu.memory_space<vmem>>)
      %dma_start3A_191 = arith.constant 3 : i32
      %dma_start3A_192 = arith.constant 0 : i32
      %dma_start3A_193 = tpu.memref_slice %arg9[%rem3A_88, %dma_start3A_191, %dma_start3A_192] : memref<2x16x125xi32, #tpu.memory_space<vmem>> -> memref<1x1x125xi32, #tpu.memory_space<vmem>>
      %dma_start3A_194 = tpu.memref_squeeze %dma_start3A_193 : memref<1x1x125xi32, #tpu.memory_space<vmem>> -> memref<125xi32, #tpu.memory_space<vmem>>
      %dma_start3A_195 = arith.constant 0 : i32
      %dma_start3A_196 = arith.constant 0 : i32
      %dma_start3A_197 = tpu.memref_slice %arg7[%dma_start3A_195, %dma_start3A_196] : memref<10112x128xf32, #tpu.memory_space<vmem_shared>> -> memref<10112x128xf32, #tpu.memory_space<vmem_shared>>
      tpu.enqueue_indirect_dma source(%arg11 : memref<125x128xf32, #tpu.memory_space<vmem>>) target(%dma_start3A_197 : memref<10112x128xf32, #tpu.memory_space<vmem_shared>>) offsets(%dma_start3A_194 : memref<125xi32, #tpu.memory_space<vmem>>) semaphore(%arg16 : memref<!tpu.dma_semaphore, #tpu.memory_space<semaphore_mem>>) {add = true}
      %dma_wait3A_198 = arith.constant 0 : i32
      %dma_wait3A_199 = arith.constant 0 : i32
      %dma_wait3A_200 = arith.constant 0 : i32
      %dma_wait3A_201 = tpu.memref_slice %arg9[%dma_wait3A_198, %dma_wait3A_199, %dma_wait3A_200] : memref<2x16x125xi32, #tpu.memory_space<vmem>> -> memref<1x1x125xi32, #tpu.memory_space<vmem>>
      %dma_wait3A_202 = tpu.memref_squeeze %dma_wait3A_201 : memref<1x1x125xi32, #tpu.memory_space<vmem>> -> memref<125xi32, #tpu.memory_space<vmem>>
      %dma_wait3A_203 = arith.constant 0 : i32
      %dma_wait3A_204 = arith.constant 0 : i32
      %dma_wait3A_205 = tpu.memref_slice %arg7[%dma_wait3A_203, %dma_wait3A_204] : memref<10112x128xf32, #tpu.memory_space<vmem_shared>> -> memref<10112x128xf32, #tpu.memory_space<vmem_shared>>
      tpu.wait_indirect_dma semaphore(%arg16 : memref<!tpu.dma_semaphore, #tpu.memory_space<semaphore_mem>>) src(%arg11 : memref<125x128xf32, #tpu.memory_space<vmem>>) dst(%dma_wait3A_205 : memref<10112x128xf32, #tpu.memory_space<vmem_shared>>)
      %dma_start3A_206 = arith.constant 5 : i32
      %dma_start3A_207 = arith.constant 0 : i32
      %dma_start3A_208 = tpu.memref_slice %arg8[%rem3A_88, %dma_start3A_206, %dma_start3A_207] : memref<2x16x125xi32, #tpu.memory_space<vmem>> -> memref<1x1x125xi32, #tpu.memory_space<vmem>>
      %dma_start3A_209 = tpu.memref_squeeze %dma_start3A_208 : memref<1x1x125xi32, #tpu.memory_space<vmem>> -> memref<125xi32, #tpu.memory_space<vmem>>
      %dma_start3A_210 = arith.constant 0 : i32
      %dma_start3A_211 = arith.constant 0 : i32
      %dma_start3A_212 = tpu.memref_slice %arg2[%dma_start3A_210, %dma_start3A_211] : memref<10000x128xf32, #tpu.memory_space<hbm>> -> memref<10000x128xf32, #tpu.memory_space<hbm>>
      tpu.enqueue_indirect_dma source(%dma_start3A_212 : memref<10000x128xf32, #tpu.memory_space<hbm>>) target(%arg11 : memref<125x128xf32, #tpu.memory_space<vmem>>) offsets(%dma_start3A_209 : memref<125xi32, #tpu.memory_space<vmem>>) semaphore(%arg14 : memref<!tpu.dma_semaphore, #tpu.memory_space<semaphore_mem>>)
      %dma_wait3A_213 = arith.constant 0 : i32
      %dma_wait3A_214 = arith.constant 0 : i32
      %dma_wait3A_215 = arith.constant 0 : i32
      %dma_wait3A_216 = tpu.memref_slice %arg8[%dma_wait3A_213, %dma_wait3A_214, %dma_wait3A_215] : memref<2x16x125xi32, #tpu.memory_space<vmem>> -> memref<1x1x125xi32, #tpu.memory_space<vmem>>
      %dma_wait3A_217 = tpu.memref_squeeze %dma_wait3A_216 : memref<1x1x125xi32, #tpu.memory_space<vmem>> -> memref<125xi32, #tpu.memory_space<vmem>>
      %dma_wait3A_218 = arith.constant 0 : i32
      %dma_wait3A_219 = arith.constant 0 : i32
      %dma_wait3A_220 = tpu.memref_slice %arg2[%dma_wait3A_218, %dma_wait3A_219] : memref<10000x128xf32, #tpu.memory_space<hbm>> -> memref<10000x128xf32, #tpu.memory_space<hbm>>
      tpu.wait_indirect_dma semaphore(%arg13 : memref<!tpu.dma_semaphore, #tpu.memory_space<semaphore_mem>>) src(%dma_wait3A_220 : memref<10000x128xf32, #tpu.memory_space<hbm>>) dst(%arg10 : memref<125x128xf32, #tpu.memory_space<vmem>>)
      %dma_start3A_221 = arith.constant 4 : i32
      %dma_start3A_222 = arith.constant 0 : i32
      %dma_start3A_223 = tpu.memref_slice %arg9[%rem3A_88, %dma_start3A_221, %dma_start3A_222] : memref<2x16x125xi32, #tpu.memory_space<vmem>> -> memref<1x1x125xi32, #tpu.memory_space<vmem>>
      %dma_start3A_224 = tpu.memref_squeeze %dma_start3A_223 : memref<1x1x125xi32, #tpu.memory_space<vmem>> -> memref<125xi32, #tpu.memory_space<vmem>>
      %dma_start3A_225 = arith.constant 0 : i32
      %dma_start3A_226 = arith.constant 0 : i32
      %dma_start3A_227 = tpu.memref_slice %arg7[%dma_start3A_225, %dma_start3A_226] : memref<10112x128xf32, #tpu.memory_space<vmem_shared>> -> memref<10112x128xf32, #tpu.memory_space<vmem_shared>>
      tpu.enqueue_indirect_dma source(%arg10 : memref<125x128xf32, #tpu.memory_space<vmem>>) target(%dma_start3A_227 : memref<10112x128xf32, #tpu.memory_space<vmem_shared>>) offsets(%dma_start3A_224 : memref<125xi32, #tpu.memory_space<vmem>>) semaphore(%arg15 : memref<!tpu.dma_semaphore, #tpu.memory_space<semaphore_mem>>) {add = true}
      %dma_wait3A_228 = arith.constant 0 : i32
      %dma_wait3A_229 = arith.constant 0 : i32
      %dma_wait3A_230 = arith.constant 0 : i32
      %dma_wait3A_231 = tpu.memref_slice %arg9[%dma_wait3A_228, %dma_wait3A_229, %dma_wait3A_230] : memref<2x16x125xi32, #tpu.memory_space<vmem>> -> memref<1x1x125xi32, #tpu.memory_space<vmem>>
      %dma_wait3A_232 = tpu.memref_squeeze %dma_wait3A_231 : memref<1x1x125xi32, #tpu.memory_space<vmem>> -> memref<125xi32, #tpu.memory_space<vmem>>
      %dma_wait3A_233 = arith.constant 0 : i32
      %dma_wait3A_234 = arith.constant 0 : i32
      %dma_wait3A_235 = tpu.memref_slice %arg7[%dma_wait3A_233, %dma_wait3A_234] : memref<10112x128xf32, #tpu.memory_space<vmem_shared>> -> memref<10112x128xf32, #tpu.memory_space<vmem_shared>>
      tpu.wait_indirect_dma semaphore(%arg15 : memref<!tpu.dma_semaphore, #tpu.memory_space<semaphore_mem>>) src(%arg10 : memref<125x128xf32, #tpu.memory_space<vmem>>) dst(%dma_wait3A_235 : memref<10112x128xf32, #tpu.memory_space<vmem_shared>>)
      %dma_start3A_236 = arith.constant 6 : i32
      %dma_start3A_237 = arith.constant 0 : i32
      %dma_start3A_238 = tpu.memref_slice %arg8[%rem3A_88, %dma_start3A_236, %dma_start3A_237] : memref<2x16x125xi32, #tpu.memory_space<vmem>> -> memref<1x1x125xi32, #tpu.memory_space<vmem>>
      %dma_start3A_239 = tpu.memref_squeeze %dma_start3A_238 : memref<1x1x125xi32, #tpu.memory_space<vmem>> -> memref<125xi32, #tpu.memory_space<vmem>>
      %dma_start3A_240 = arith.constant 0 : i32
      %dma_start3A_241 = arith.constant 0 : i32
      %dma_start3A_242 = tpu.memref_slice %arg2[%dma_start3A_240, %dma_start3A_241] : memref<10000x128xf32, #tpu.memory_space<hbm>> -> memref<10000x128xf32, #tpu.memory_space<hbm>>
      tpu.enqueue_indirect_dma source(%dma_start3A_242 : memref<10000x128xf32, #tpu.memory_space<hbm>>) target(%arg10 : memref<125x128xf32, #tpu.memory_space<vmem>>) offsets(%dma_start3A_239 : memref<125xi32, #tpu.memory_space<vmem>>) semaphore(%arg13 : memref<!tpu.dma_semaphore, #tpu.memory_space<semaphore_mem>>)
      %dma_wait3A_243 = arith.constant 0 : i32
      %dma_wait3A_244 = arith.constant 0 : i32
      %dma_wait3A_245 = arith.constant 0 : i32
      %dma_wait3A_246 = tpu.memref_slice %arg8[%dma_wait3A_243, %dma_wait3A_244, %dma_wait3A_245] : memref<2x16x125xi32, #tpu.memory_space<vmem>> -> memref<1x1x125xi32, #tpu.memory_space<vmem>>
      %dma_wait3A_247 = tpu.memref_squeeze %dma_wait3A_246 : memref<1x1x125xi32, #tpu.memory_space<vmem>> -> memref<125xi32, #tpu.memory_space<vmem>>
      %dma_wait3A_248 = arith.constant 0 : i32
      %dma_wait3A_249 = arith.constant 0 : i32
      %dma_wait3A_250 = tpu.memref_slice %arg2[%dma_wait3A_248, %dma_wait3A_249] : memref<10000x128xf32, #tpu.memory_space<hbm>> -> memref<10000x128xf32, #tpu.memory_space<hbm>>
      tpu.wait_indirect_dma semaphore(%arg14 : memref<!tpu.dma_semaphore, #tpu.memory_space<semaphore_mem>>) src(%dma_wait3A_250 : memref<10000x128xf32, #tpu.memory_space<hbm>>) dst(%arg11 : memref<125x128xf32, #tpu.memory_space<vmem>>)
      %dma_start3A_251 = arith.constant 5 : i32
      %dma_start3A_252 = arith.constant 0 : i32
      %dma_start3A_253 = tpu.memref_slice %arg9[%rem3A_88, %dma_start3A_251, %dma_start3A_252] : memref<2x16x125xi32, #tpu.memory_space<vmem>> -> memref<1x1x125xi32, #tpu.memory_space<vmem>>
      %dma_start3A_254 = tpu.memref_squeeze %dma_start3A_253 : memref<1x1x125xi32, #tpu.memory_space<vmem>> -> memref<125xi32, #tpu.memory_space<vmem>>
      %dma_start3A_255 = arith.constant 0 : i32
      %dma_start3A_256 = arith.constant 0 : i32
      %dma_start3A_257 = tpu.memref_slice %arg7[%dma_start3A_255, %dma_start3A_256] : memref<10112x128xf32, #tpu.memory_space<vmem_shared>> -> memref<10112x128xf32, #tpu.memory_space<vmem_shared>>
      tpu.enqueue_indirect_dma source(%arg11 : memref<125x128xf32, #tpu.memory_space<vmem>>) target(%dma_start3A_257 : memref<10112x128xf32, #tpu.memory_space<vmem_shared>>) offsets(%dma_start3A_254 : memref<125xi32, #tpu.memory_space<vmem>>) semaphore(%arg16 : memref<!tpu.dma_semaphore, #tpu.memory_space<semaphore_mem>>) {add = true}
      %dma_wait3A_258 = arith.constant 0 : i32
      %dma_wait3A_259 = arith.constant 0 : i32
      %dma_wait3A_260 = arith.constant 0 : i32
      %dma_wait3A_261 = tpu.memref_slice %arg9[%dma_wait3A_258, %dma_wait3A_259, %dma_wait3A_260] : memref<2x16x125xi32, #tpu.memory_space<vmem>> -> memref<1x1x125xi32, #tpu.memory_space<vmem>>
      %dma_wait3A_262 = tpu.memref_squeeze %dma_wait3A_261 : memref<1x1x125xi32, #tpu.memory_space<vmem>> -> memref<125xi32, #tpu.memory_space<vmem>>
      %dma_wait3A_263 = arith.constant 0 : i32
      %dma_wait3A_264 = arith.constant 0 : i32
      %dma_wait3A_265 = tpu.memref_slice %arg7[%dma_wait3A_263, %dma_wait3A_264] : memref<10112x128xf32, #tpu.memory_space<vmem_shared>> -> memref<10112x128xf32, #tpu.memory_space<vmem_shared>>
      tpu.wait_indirect_dma semaphore(%arg16 : memref<!tpu.dma_semaphore, #tpu.memory_space<semaphore_mem>>) src(%arg11 : memref<125x128xf32, #tpu.memory_space<vmem>>) dst(%dma_wait3A_265 : memref<10112x128xf32, #tpu.memory_space<vmem_shared>>)
      %dma_start3A_266 = arith.constant 7 : i32
      %dma_start3A_267 = arith.constant 0 : i32
      %dma_start3A_268 = tpu.memref_slice %arg8[%rem3A_88, %dma_start3A_266, %dma_start3A_267] : memref<2x16x125xi32, #tpu.memory_space<vmem>> -> memref<1x1x125xi32, #tpu.memory_space<vmem>>
      %dma_start3A_269 = tpu.memref_squeeze %dma_start3A_268 : memref<1x1x125xi32, #tpu.memory_space<vmem>> -> memref<125xi32, #tpu.memory_space<vmem>>
      %dma_start3A_270 = arith.constant 0 : i32
      %dma_start3A_271 = arith.constant 0 : i32
      %dma_start3A_272 = tpu.memref_slice %arg2[%dma_start3A_270, %dma_start3A_271] : memref<10000x128xf32, #tpu.memory_space<hbm>> -> memref<10000x128xf32, #tpu.memory_space<hbm>>
      tpu.enqueue_indirect_dma source(%dma_start3A_272 : memref<10000x128xf32, #tpu.memory_space<hbm>>) target(%arg11 : memref<125x128xf32, #tpu.memory_space<vmem>>) offsets(%dma_start3A_269 : memref<125xi32, #tpu.memory_space<vmem>>) semaphore(%arg14 : memref<!tpu.dma_semaphore, #tpu.memory_space<semaphore_mem>>)
      %dma_wait3A_273 = arith.constant 0 : i32
      %dma_wait3A_274 = arith.constant 0 : i32
      %dma_wait3A_275 = arith.constant 0 : i32
      %dma_wait3A_276 = tpu.memref_slice %arg8[%dma_wait3A_273, %dma_wait3A_274, %dma_wait3A_275] : memref<2x16x125xi32, #tpu.memory_space<vmem>> -> memref<1x1x125xi32, #tpu.memory_space<vmem>>
      %dma_wait3A_277 = tpu.memref_squeeze %dma_wait3A_276 : memref<1x1x125xi32, #tpu.memory_space<vmem>> -> memref<125xi32, #tpu.memory_space<vmem>>
      %dma_wait3A_278 = arith.constant 0 : i32
      %dma_wait3A_279 = arith.constant 0 : i32
      %dma_wait3A_280 = tpu.memref_slice %arg2[%dma_wait3A_278, %dma_wait3A_279] : memref<10000x128xf32, #tpu.memory_space<hbm>> -> memref<10000x128xf32, #tpu.memory_space<hbm>>
      tpu.wait_indirect_dma semaphore(%arg13 : memref<!tpu.dma_semaphore, #tpu.memory_space<semaphore_mem>>) src(%dma_wait3A_280 : memref<10000x128xf32, #tpu.memory_space<hbm>>) dst(%arg10 : memref<125x128xf32, #tpu.memory_space<vmem>>)
      %dma_start3A_281 = arith.constant 6 : i32
      %dma_start3A_282 = arith.constant 0 : i32
      %dma_start3A_283 = tpu.memref_slice %arg9[%rem3A_88, %dma_start3A_281, %dma_start3A_282] : memref<2x16x125xi32, #tpu.memory_space<vmem>> -> memref<1x1x125xi32, #tpu.memory_space<vmem>>
      %dma_start3A_284 = tpu.memref_squeeze %dma_start3A_283 : memref<1x1x125xi32, #tpu.memory_space<vmem>> -> memref<125xi32, #tpu.memory_space<vmem>>
      %dma_start3A_285 = arith.constant 0 : i32
      %dma_start3A_286 = arith.constant 0 : i32
      %dma_start3A_287 = tpu.memref_slice %arg7[%dma_start3A_285, %dma_start3A_286] : memref<10112x128xf32, #tpu.memory_space<vmem_shared>> -> memref<10112x128xf32, #tpu.memory_space<vmem_shared>>
      tpu.enqueue_indirect_dma source(%arg10 : memref<125x128xf32, #tpu.memory_space<vmem>>) target(%dma_start3A_287 : memref<10112x128xf32, #tpu.memory_space<vmem_shared>>) offsets(%dma_start3A_284 : memref<125xi32, #tpu.memory_space<vmem>>) semaphore(%arg15 : memref<!tpu.dma_semaphore, #tpu.memory_space<semaphore_mem>>) {add = true}
      %dma_wait3A_288 = arith.constant 0 : i32
      %dma_wait3A_289 = arith.constant 0 : i32
      %dma_wait3A_290 = arith.constant 0 : i32
      %dma_wait3A_291 = tpu.memref_slice %arg9[%dma_wait3A_288, %dma_wait3A_289, %dma_wait3A_290] : memref<2x16x125xi32, #tpu.memory_space<vmem>> -> memref<1x1x125xi32, #tpu.memory_space<vmem>>
      %dma_wait3A_292 = tpu.memref_squeeze %dma_wait3A_291 : memref<1x1x125xi32, #tpu.memory_space<vmem>> -> memref<125xi32, #tpu.memory_space<vmem>>
      %dma_wait3A_293 = arith.constant 0 : i32
      %dma_wait3A_294 = arith.constant 0 : i32
      %dma_wait3A_295 = tpu.memref_slice %arg7[%dma_wait3A_293, %dma_wait3A_294] : memref<10112x128xf32, #tpu.memory_space<vmem_shared>> -> memref<10112x128xf32, #tpu.memory_space<vmem_shared>>
      tpu.wait_indirect_dma semaphore(%arg15 : memref<!tpu.dma_semaphore, #tpu.memory_space<semaphore_mem>>) src(%arg10 : memref<125x128xf32, #tpu.memory_space<vmem>>) dst(%dma_wait3A_295 : memref<10112x128xf32, #tpu.memory_space<vmem_shared>>)
      %dma_start3A_296 = arith.constant 8 : i32
      %dma_start3A_297 = arith.constant 0 : i32
      %dma_start3A_298 = tpu.memref_slice %arg8[%rem3A_88, %dma_start3A_296, %dma_start3A_297] : memref<2x16x125xi32, #tpu.memory_space<vmem>> -> memref<1x1x125xi32, #tpu.memory_space<vmem>>
      %dma_start3A_299 = tpu.memref_squeeze %dma_start3A_298 : memref<1x1x125xi32, #tpu.memory_space<vmem>> -> memref<125xi32, #tpu.memory_space<vmem>>
      %dma_start3A_300 = arith.constant 0 : i32
      %dma_start3A_301 = arith.constant 0 : i32
      %dma_start3A_302 = tpu.memref_slice %arg2[%dma_start3A_300, %dma_start3A_301] : memref<10000x128xf32, #tpu.memory_space<hbm>> -> memref<10000x128xf32, #tpu.memory_space<hbm>>
      tpu.enqueue_indirect_dma source(%dma_start3A_302 : memref<10000x128xf32, #tpu.memory_space<hbm>>) target(%arg10 : memref<125x128xf32, #tpu.memory_space<vmem>>) offsets(%dma_start3A_299 : memref<125xi32, #tpu.memory_space<vmem>>) semaphore(%arg13 : memref<!tpu.dma_semaphore, #tpu.memory_space<semaphore_mem>>)
      %dma_wait3A_303 = arith.constant 0 : i32
      %dma_wait3A_304 = arith.constant 0 : i32
      %dma_wait3A_305 = arith.constant 0 : i32
      %dma_wait3A_306 = tpu.memref_slice %arg8[%dma_wait3A_303, %dma_wait3A_304, %dma_wait3A_305] : memref<2x16x125xi32, #tpu.memory_space<vmem>> -> memref<1x1x125xi32, #tpu.memory_space<vmem>>
      %dma_wait3A_307 = tpu.memref_squeeze %dma_wait3A_306 : memref<1x1x125xi32, #tpu.memory_space<vmem>> -> memref<125xi32, #tpu.memory_space<vmem>>
      %dma_wait3A_308 = arith.constant 0 : i32
      %dma_wait3A_309 = arith.constant 0 : i32
      %dma_wait3A_310 = tpu.memref_slice %arg2[%dma_wait3A_308, %dma_wait3A_309] : memref<10000x128xf32, #tpu.memory_space<hbm>> -> memref<10000x128xf32, #tpu.memory_space<hbm>>
      tpu.wait_indirect_dma semaphore(%arg14 : memref<!tpu.dma_semaphore, #tpu.memory_space<semaphore_mem>>) src(%dma_wait3A_310 : memref<10000x128xf32, #tpu.memory_space<hbm>>) dst(%arg11 : memref<125x128xf32, #tpu.memory_space<vmem>>)
      %dma_start3A_311 = arith.constant 7 : i32
      %dma_start3A_312 = arith.constant 0 : i32
      %dma_start3A_313 = tpu.memref_slice %arg9[%rem3A_88, %dma_start3A_311, %dma_start3A_312] : memref<2x16x125xi32, #tpu.memory_space<vmem>> -> memref<1x1x125xi32, #tpu.memory_space<vmem>>
      %dma_start3A_314 = tpu.memref_squeeze %dma_start3A_313 : memref<1x1x125xi32, #tpu.memory_space<vmem>> -> memref<125xi32, #tpu.memory_space<vmem>>
      %dma_start3A_315 = arith.constant 0 : i32
      %dma_start3A_316 = arith.constant 0 : i32
      %dma_start3A_317 = tpu.memref_slice %arg7[%dma_start3A_315, %dma_start3A_316] : memref<10112x128xf32, #tpu.memory_space<vmem_shared>> -> memref<10112x128xf32, #tpu.memory_space<vmem_shared>>
      tpu.enqueue_indirect_dma source(%arg11 : memref<125x128xf32, #tpu.memory_space<vmem>>) target(%dma_start3A_317 : memref<10112x128xf32, #tpu.memory_space<vmem_shared>>) offsets(%dma_start3A_314 : memref<125xi32, #tpu.memory_space<vmem>>) semaphore(%arg16 : memref<!tpu.dma_semaphore, #tpu.memory_space<semaphore_mem>>) {add = true}
      %dma_wait3A_318 = arith.constant 0 : i32
      %dma_wait3A_319 = arith.constant 0 : i32
      %dma_wait3A_320 = arith.constant 0 : i32
      %dma_wait3A_321 = tpu.memref_slice %arg9[%dma_wait3A_318, %dma_wait3A_319, %dma_wait3A_320] : memref<2x16x125xi32, #tpu.memory_space<vmem>> -> memref<1x1x125xi32, #tpu.memory_space<vmem>>
      %dma_wait3A_322 = tpu.memref_squeeze %dma_wait3A_321 : memref<1x1x125xi32, #tpu.memory_space<vmem>> -> memref<125xi32, #tpu.memory_space<vmem>>
      %dma_wait3A_323 = arith.constant 0 : i32
      %dma_wait3A_324 = arith.constant 0 : i32
      %dma_wait3A_325 = tpu.memref_slice %arg7[%dma_wait3A_323, %dma_wait3A_324] : memref<10112x128xf32, #tpu.memory_space<vmem_shared>> -> memref<10112x128xf32, #tpu.memory_space<vmem_shared>>
      tpu.wait_indirect_dma semaphore(%arg16 : memref<!tpu.dma_semaphore, #tpu.memory_space<semaphore_mem>>) src(%arg11 : memref<125x128xf32, #tpu.memory_space<vmem>>) dst(%dma_wait3A_325 : memref<10112x128xf32, #tpu.memory_space<vmem_shared>>)
      %dma_start3A_326 = arith.constant 9 : i32
      %dma_start3A_327 = arith.constant 0 : i32
      %dma_start3A_328 = tpu.memref_slice %arg8[%rem3A_88, %dma_start3A_326, %dma_start3A_327] : memref<2x16x125xi32, #tpu.memory_space<vmem>> -> memref<1x1x125xi32, #tpu.memory_space<vmem>>
      %dma_start3A_329 = tpu.memref_squeeze %dma_start3A_328 : memref<1x1x125xi32, #tpu.memory_space<vmem>> -> memref<125xi32, #tpu.memory_space<vmem>>
      %dma_start3A_330 = arith.constant 0 : i32
      %dma_start3A_331 = arith.constant 0 : i32
      %dma_start3A_332 = tpu.memref_slice %arg2[%dma_start3A_330, %dma_start3A_331] : memref<10000x128xf32, #tpu.memory_space<hbm>> -> memref<10000x128xf32, #tpu.memory_space<hbm>>
      tpu.enqueue_indirect_dma source(%dma_start3A_332 : memref<10000x128xf32, #tpu.memory_space<hbm>>) target(%arg11 : memref<125x128xf32, #tpu.memory_space<vmem>>) offsets(%dma_start3A_329 : memref<125xi32, #tpu.memory_space<vmem>>) semaphore(%arg14 : memref<!tpu.dma_semaphore, #tpu.memory_space<semaphore_mem>>)
      %dma_wait3A_333 = arith.constant 0 : i32
      %dma_wait3A_334 = arith.constant 0 : i32
      %dma_wait3A_335 = arith.constant 0 : i32
      %dma_wait3A_336 = tpu.memref_slice %arg8[%dma_wait3A_333, %dma_wait3A_334, %dma_wait3A_335] : memref<2x16x125xi32, #tpu.memory_space<vmem>> -> memref<1x1x125xi32, #tpu.memory_space<vmem>>
      %dma_wait3A_337 = tpu.memref_squeeze %dma_wait3A_336 : memref<1x1x125xi32, #tpu.memory_space<vmem>> -> memref<125xi32, #tpu.memory_space<vmem>>
      %dma_wait3A_338 = arith.constant 0 : i32
      %dma_wait3A_339 = arith.constant 0 : i32
      %dma_wait3A_340 = tpu.memref_slice %arg2[%dma_wait3A_338, %dma_wait3A_339] : memref<10000x128xf32, #tpu.memory_space<hbm>> -> memref<10000x128xf32, #tpu.memory_space<hbm>>
      tpu.wait_indirect_dma semaphore(%arg13 : memref<!tpu.dma_semaphore, #tpu.memory_space<semaphore_mem>>) src(%dma_wait3A_340 : memref<10000x128xf32, #tpu.memory_space<hbm>>) dst(%arg10 : memref<125x128xf32, #tpu.memory_space<vmem>>)
      %dma_start3A_341 = arith.constant 8 : i32
      %dma_start3A_342 = arith.constant 0 : i32
      %dma_start3A_343 = tpu.memref_slice %arg9[%rem3A_88, %dma_start3A_341, %dma_start3A_342] : memref<2x16x125xi32, #tpu.memory_space<vmem>> -> memref<1x1x125xi32, #tpu.memory_space<vmem>>
      %dma_start3A_344 = tpu.memref_squeeze %dma_start3A_343 : memref<1x1x125xi32, #tpu.memory_space<vmem>> -> memref<125xi32, #tpu.memory_space<vmem>>
      %dma_start3A_345 = arith.constant 0 : i32
      %dma_start3A_346 = arith.constant 0 : i32
      %dma_start3A_347 = tpu.memref_slice %arg7[%dma_start3A_345, %dma_start3A_346] : memref<10112x128xf32, #tpu.memory_space<vmem_shared>> -> memref<10112x128xf32, #tpu.memory_space<vmem_shared>>
      tpu.enqueue_indirect_dma source(%arg10 : memref<125x128xf32, #tpu.memory_space<vmem>>) target(%dma_start3A_347 : memref<10112x128xf32, #tpu.memory_space<vmem_shared>>) offsets(%dma_start3A_344 : memref<125xi32, #tpu.memory_space<vmem>>) semaphore(%arg15 : memref<!tpu.dma_semaphore, #tpu.memory_space<semaphore_mem>>) {add = true}
      %dma_wait3A_348 = arith.constant 0 : i32
      %dma_wait3A_349 = arith.constant 0 : i32
      %dma_wait3A_350 = arith.constant 0 : i32
      %dma_wait3A_351 = tpu.memref_slice %arg9[%dma_wait3A_348, %dma_wait3A_349, %dma_wait3A_350] : memref<2x16x125xi32, #tpu.memory_space<vmem>> -> memref<1x1x125xi32, #tpu.memory_space<vmem>>
      %dma_wait3A_352 = tpu.memref_squeeze %dma_wait3A_351 : memref<1x1x125xi32, #tpu.memory_space<vmem>> -> memref<125xi32, #tpu.memory_space<vmem>>
      %dma_wait3A_353 = arith.constant 0 : i32
      %dma_wait3A_354 = arith.constant 0 : i32
      %dma_wait3A_355 = tpu.memref_slice %arg7[%dma_wait3A_353, %dma_wait3A_354] : memref<10112x128xf32, #tpu.memory_space<vmem_shared>> -> memref<10112x128xf32, #tpu.memory_space<vmem_shared>>
      tpu.wait_indirect_dma semaphore(%arg15 : memref<!tpu.dma_semaphore, #tpu.memory_space<semaphore_mem>>) src(%arg10 : memref<125x128xf32, #tpu.memory_space<vmem>>) dst(%dma_wait3A_355 : memref<10112x128xf32, #tpu.memory_space<vmem_shared>>)
      %dma_start3A_356 = arith.constant 10 : i32
      %dma_start3A_357 = arith.constant 0 : i32
      %dma_start3A_358 = tpu.memref_slice %arg8[%rem3A_88, %dma_start3A_356, %dma_start3A_357] : memref<2x16x125xi32, #tpu.memory_space<vmem>> -> memref<1x1x125xi32, #tpu.memory_space<vmem>>
      %dma_start3A_359 = tpu.memref_squeeze %dma_start3A_358 : memref<1x1x125xi32, #tpu.memory_space<vmem>> -> memref<125xi32, #tpu.memory_space<vmem>>
      %dma_start3A_360 = arith.constant 0 : i32
      %dma_start3A_361 = arith.constant 0 : i32
      %dma_start3A_362 = tpu.memref_slice %arg2[%dma_start3A_360, %dma_start3A_361] : memref<10000x128xf32, #tpu.memory_space<hbm>> -> memref<10000x128xf32, #tpu.memory_space<hbm>>
      tpu.enqueue_indirect_dma source(%dma_start3A_362 : memref<10000x128xf32, #tpu.memory_space<hbm>>) target(%arg10 : memref<125x128xf32, #tpu.memory_space<vmem>>) offsets(%dma_start3A_359 : memref<125xi32, #tpu.memory_space<vmem>>) semaphore(%arg13 : memref<!tpu.dma_semaphore, #tpu.memory_space<semaphore_mem>>)
      %dma_wait3A_363 = arith.constant 0 : i32
      %dma_wait3A_364 = arith.constant 0 : i32
      %dma_wait3A_365 = arith.constant 0 : i32
      %dma_wait3A_366 = tpu.memref_slice %arg8[%dma_wait3A_363, %dma_wait3A_364, %dma_wait3A_365] : memref<2x16x125xi32, #tpu.memory_space<vmem>> -> memref<1x1x125xi32, #tpu.memory_space<vmem>>
      %dma_wait3A_367 = tpu.memref_squeeze %dma_wait3A_366 : memref<1x1x125xi32, #tpu.memory_space<vmem>> -> memref<125xi32, #tpu.memory_space<vmem>>
      %dma_wait3A_368 = arith.constant 0 : i32
      %dma_wait3A_369 = arith.constant 0 : i32
      %dma_wait3A_370 = tpu.memref_slice %arg2[%dma_wait3A_368, %dma_wait3A_369] : memref<10000x128xf32, #tpu.memory_space<hbm>> -> memref<10000x128xf32, #tpu.memory_space<hbm>>
      tpu.wait_indirect_dma semaphore(%arg14 : memref<!tpu.dma_semaphore, #tpu.memory_space<semaphore_mem>>) src(%dma_wait3A_370 : memref<10000x128xf32, #tpu.memory_space<hbm>>) dst(%arg11 : memref<125x128xf32, #tpu.memory_space<vmem>>)
      %dma_start3A_371 = arith.constant 9 : i32
      %dma_start3A_372 = arith.constant 0 : i32
      %dma_start3A_373 = tpu.memref_slice %arg9[%rem3A_88, %dma_start3A_371, %dma_start3A_372] : memref<2x16x125xi32, #tpu.memory_space<vmem>> -> memref<1x1x125xi32, #tpu.memory_space<vmem>>
      %dma_start3A_374 = tpu.memref_squeeze %dma_start3A_373 : memref<1x1x125xi32, #tpu.memory_space<vmem>> -> memref<125xi32, #tpu.memory_space<vmem>>
      %dma_start3A_375 = arith.constant 0 : i32
      %dma_start3A_376 = arith.constant 0 : i32
      %dma_start3A_377 = tpu.memref_slice %arg7[%dma_start3A_375, %dma_start3A_376] : memref<10112x128xf32, #tpu.memory_space<vmem_shared>> -> memref<10112x128xf32, #tpu.memory_space<vmem_shared>>
      tpu.enqueue_indirect_dma source(%arg11 : memref<125x128xf32, #tpu.memory_space<vmem>>) target(%dma_start3A_377 : memref<10112x128xf32, #tpu.memory_space<vmem_shared>>) offsets(%dma_start3A_374 : memref<125xi32, #tpu.memory_space<vmem>>) semaphore(%arg16 : memref<!tpu.dma_semaphore, #tpu.memory_space<semaphore_mem>>) {add = true}
      %dma_wait3A_378 = arith.constant 0 : i32
      %dma_wait3A_379 = arith.constant 0 : i32
      %dma_wait3A_380 = arith.constant 0 : i32
      %dma_wait3A_381 = tpu.memref_slice %arg9[%dma_wait3A_378, %dma_wait3A_379, %dma_wait3A_380] : memref<2x16x125xi32, #tpu.memory_space<vmem>> -> memref<1x1x125xi32, #tpu.memory_space<vmem>>
      %dma_wait3A_382 = tpu.memref_squeeze %dma_wait3A_381 : memref<1x1x125xi32, #tpu.memory_space<vmem>> -> memref<125xi32, #tpu.memory_space<vmem>>
      %dma_wait3A_383 = arith.constant 0 : i32
      %dma_wait3A_384 = arith.constant 0 : i32
      %dma_wait3A_385 = tpu.memref_slice %arg7[%dma_wait3A_383, %dma_wait3A_384] : memref<10112x128xf32, #tpu.memory_space<vmem_shared>> -> memref<10112x128xf32, #tpu.memory_space<vmem_shared>>
      tpu.wait_indirect_dma semaphore(%arg16 : memref<!tpu.dma_semaphore, #tpu.memory_space<semaphore_mem>>) src(%arg11 : memref<125x128xf32, #tpu.memory_space<vmem>>) dst(%dma_wait3A_385 : memref<10112x128xf32, #tpu.memory_space<vmem_shared>>)
      %dma_start3A_386 = arith.constant 11 : i32
      %dma_start3A_387 = arith.constant 0 : i32
      %dma_start3A_388 = tpu.memref_slice %arg8[%rem3A_88, %dma_start3A_386, %dma_start3A_387] : memref<2x16x125xi32, #tpu.memory_space<vmem>> -> memref<1x1x125xi32, #tpu.memory_space<vmem>>
      %dma_start3A_389 = tpu.memref_squeeze %dma_start3A_388 : memref<1x1x125xi32, #tpu.memory_space<vmem>> -> memref<125xi32, #tpu.memory_space<vmem>>
      %dma_start3A_390 = arith.constant 0 : i32
      %dma_start3A_391 = arith.constant 0 : i32
      %dma_start3A_392 = tpu.memref_slice %arg2[%dma_start3A_390, %dma_start3A_391] : memref<10000x128xf32, #tpu.memory_space<hbm>> -> memref<10000x128xf32, #tpu.memory_space<hbm>>
      tpu.enqueue_indirect_dma source(%dma_start3A_392 : memref<10000x128xf32, #tpu.memory_space<hbm>>) target(%arg11 : memref<125x128xf32, #tpu.memory_space<vmem>>) offsets(%dma_start3A_389 : memref<125xi32, #tpu.memory_space<vmem>>) semaphore(%arg14 : memref<!tpu.dma_semaphore, #tpu.memory_space<semaphore_mem>>)
      %dma_wait3A_393 = arith.constant 0 : i32
      %dma_wait3A_394 = arith.constant 0 : i32
      %dma_wait3A_395 = arith.constant 0 : i32
      %dma_wait3A_396 = tpu.memref_slice %arg8[%dma_wait3A_393, %dma_wait3A_394, %dma_wait3A_395] : memref<2x16x125xi32, #tpu.memory_space<vmem>> -> memref<1x1x125xi32, #tpu.memory_space<vmem>>
      %dma_wait3A_397 = tpu.memref_squeeze %dma_wait3A_396 : memref<1x1x125xi32, #tpu.memory_space<vmem>> -> memref<125xi32, #tpu.memory_space<vmem>>
      %dma_wait3A_398 = arith.constant 0 : i32
      %dma_wait3A_399 = arith.constant 0 : i32
      %dma_wait3A_400 = tpu.memref_slice %arg2[%dma_wait3A_398, %dma_wait3A_399] : memref<10000x128xf32, #tpu.memory_space<hbm>> -> memref<10000x128xf32, #tpu.memory_space<hbm>>
      tpu.wait_indirect_dma semaphore(%arg13 : memref<!tpu.dma_semaphore, #tpu.memory_space<semaphore_mem>>) src(%dma_wait3A_400 : memref<10000x128xf32, #tpu.memory_space<hbm>>) dst(%arg10 : memref<125x128xf32, #tpu.memory_space<vmem>>)
      %dma_start3A_401 = arith.constant 10 : i32
      %dma_start3A_402 = arith.constant 0 : i32
      %dma_start3A_403 = tpu.memref_slice %arg9[%rem3A_88, %dma_start3A_401, %dma_start3A_402] : memref<2x16x125xi32, #tpu.memory_space<vmem>> -> memref<1x1x125xi32, #tpu.memory_space<vmem>>
      %dma_start3A_404 = tpu.memref_squeeze %dma_start3A_403 : memref<1x1x125xi32, #tpu.memory_space<vmem>> -> memref<125xi32, #tpu.memory_space<vmem>>
      %dma_start3A_405 = arith.constant 0 : i32
      %dma_start3A_406 = arith.constant 0 : i32
      %dma_start3A_407 = tpu.memref_slice %arg7[%dma_start3A_405, %dma_start3A_406] : memref<10112x128xf32, #tpu.memory_space<vmem_shared>> -> memref<10112x128xf32, #tpu.memory_space<vmem_shared>>
      tpu.enqueue_indirect_dma source(%arg10 : memref<125x128xf32, #tpu.memory_space<vmem>>) target(%dma_start3A_407 : memref<10112x128xf32, #tpu.memory_space<vmem_shared>>) offsets(%dma_start3A_404 : memref<125xi32, #tpu.memory_space<vmem>>) semaphore(%arg15 : memref<!tpu.dma_semaphore, #tpu.memory_space<semaphore_mem>>) {add = true}
      %dma_wait3A_408 = arith.constant 0 : i32
      %dma_wait3A_409 = arith.constant 0 : i32
      %dma_wait3A_410 = arith.constant 0 : i32
      %dma_wait3A_411 = tpu.memref_slice %arg9[%dma_wait3A_408, %dma_wait3A_409, %dma_wait3A_410] : memref<2x16x125xi32, #tpu.memory_space<vmem>> -> memref<1x1x125xi32, #tpu.memory_space<vmem>>
      %dma_wait3A_412 = tpu.memref_squeeze %dma_wait3A_411 : memref<1x1x125xi32, #tpu.memory_space<vmem>> -> memref<125xi32, #tpu.memory_space<vmem>>
      %dma_wait3A_413 = arith.constant 0 : i32
      %dma_wait3A_414 = arith.constant 0 : i32
      %dma_wait3A_415 = tpu.memref_slice %arg7[%dma_wait3A_413, %dma_wait3A_414] : memref<10112x128xf32, #tpu.memory_space<vmem_shared>> -> memref<10112x128xf32, #tpu.memory_space<vmem_shared>>
      tpu.wait_indirect_dma semaphore(%arg15 : memref<!tpu.dma_semaphore, #tpu.memory_space<semaphore_mem>>) src(%arg10 : memref<125x128xf32, #tpu.memory_space<vmem>>) dst(%dma_wait3A_415 : memref<10112x128xf32, #tpu.memory_space<vmem_shared>>)
      %dma_start3A_416 = arith.constant 12 : i32
      %dma_start3A_417 = arith.constant 0 : i32
      %dma_start3A_418 = tpu.memref_slice %arg8[%rem3A_88, %dma_start3A_416, %dma_start3A_417] : memref<2x16x125xi32, #tpu.memory_space<vmem>> -> memref<1x1x125xi32, #tpu.memory_space<vmem>>
      %dma_start3A_419 = tpu.memref_squeeze %dma_start3A_418 : memref<1x1x125xi32, #tpu.memory_space<vmem>> -> memref<125xi32, #tpu.memory_space<vmem>>
      %dma_start3A_420 = arith.constant 0 : i32
      %dma_start3A_421 = arith.constant 0 : i32
      %dma_start3A_422 = tpu.memref_slice %arg2[%dma_start3A_420, %dma_start3A_421] : memref<10000x128xf32, #tpu.memory_space<hbm>> -> memref<10000x128xf32, #tpu.memory_space<hbm>>
      tpu.enqueue_indirect_dma source(%dma_start3A_422 : memref<10000x128xf32, #tpu.memory_space<hbm>>) target(%arg10 : memref<125x128xf32, #tpu.memory_space<vmem>>) offsets(%dma_start3A_419 : memref<125xi32, #tpu.memory_space<vmem>>) semaphore(%arg13 : memref<!tpu.dma_semaphore, #tpu.memory_space<semaphore_mem>>)
      %dma_wait3A_423 = arith.constant 0 : i32
      %dma_wait3A_424 = arith.constant 0 : i32
      %dma_wait3A_425 = arith.constant 0 : i32
      %dma_wait3A_426 = tpu.memref_slice %arg8[%dma_wait3A_423, %dma_wait3A_424, %dma_wait3A_425] : memref<2x16x125xi32, #tpu.memory_space<vmem>> -> memref<1x1x125xi32, #tpu.memory_space<vmem>>
      %dma_wait3A_427 = tpu.memref_squeeze %dma_wait3A_426 : memref<1x1x125xi32, #tpu.memory_space<vmem>> -> memref<125xi32, #tpu.memory_space<vmem>>
      %dma_wait3A_428 = arith.constant 0 : i32
      %dma_wait3A_429 = arith.constant 0 : i32
      %dma_wait3A_430 = tpu.memref_slice %arg2[%dma_wait3A_428, %dma_wait3A_429] : memref<10000x128xf32, #tpu.memory_space<hbm>> -> memref<10000x128xf32, #tpu.memory_space<hbm>>
      tpu.wait_indirect_dma semaphore(%arg14 : memref<!tpu.dma_semaphore, #tpu.memory_space<semaphore_mem>>) src(%dma_wait3A_430 : memref<10000x128xf32, #tpu.memory_space<hbm>>) dst(%arg11 : memref<125x128xf32, #tpu.memory_space<vmem>>)
      %dma_start3A_431 = arith.constant 11 : i32
      %dma_start3A_432 = arith.constant 0 : i32
      %dma_start3A_433 = tpu.memref_slice %arg9[%rem3A_88, %dma_start3A_431, %dma_start3A_432] : memref<2x16x125xi32, #tpu.memory_space<vmem>> -> memref<1x1x125xi32, #tpu.memory_space<vmem>>
      %dma_start3A_434 = tpu.memref_squeeze %dma_start3A_433 : memref<1x1x125xi32, #tpu.memory_space<vmem>> -> memref<125xi32, #tpu.memory_space<vmem>>
      %dma_start3A_435 = arith.constant 0 : i32
      %dma_start3A_436 = arith.constant 0 : i32
      %dma_start3A_437 = tpu.memref_slice %arg7[%dma_start3A_435, %dma_start3A_436] : memref<10112x128xf32, #tpu.memory_space<vmem_shared>> -> memref<10112x128xf32, #tpu.memory_space<vmem_shared>>
      tpu.enqueue_indirect_dma source(%arg11 : memref<125x128xf32, #tpu.memory_space<vmem>>) target(%dma_start3A_437 : memref<10112x128xf32, #tpu.memory_space<vmem_shared>>) offsets(%dma_start3A_434 : memref<125xi32, #tpu.memory_space<vmem>>) semaphore(%arg16 : memref<!tpu.dma_semaphore, #tpu.memory_space<semaphore_mem>>) {add = true}
      %dma_wait3A_438 = arith.constant 0 : i32
      %dma_wait3A_439 = arith.constant 0 : i32
      %dma_wait3A_440 = arith.constant 0 : i32
      %dma_wait3A_441 = tpu.memref_slice %arg9[%dma_wait3A_438, %dma_wait3A_439, %dma_wait3A_440] : memref<2x16x125xi32, #tpu.memory_space<vmem>> -> memref<1x1x125xi32, #tpu.memory_space<vmem>>
      %dma_wait3A_442 = tpu.memref_squeeze %dma_wait3A_441 : memref<1x1x125xi32, #tpu.memory_space<vmem>> -> memref<125xi32, #tpu.memory_space<vmem>>
      %dma_wait3A_443 = arith.constant 0 : i32
      %dma_wait3A_444 = arith.constant 0 : i32
      %dma_wait3A_445 = tpu.memref_slice %arg7[%dma_wait3A_443, %dma_wait3A_444] : memref<10112x128xf32, #tpu.memory_space<vmem_shared>> -> memref<10112x128xf32, #tpu.memory_space<vmem_shared>>
      tpu.wait_indirect_dma semaphore(%arg16 : memref<!tpu.dma_semaphore, #tpu.memory_space<semaphore_mem>>) src(%arg11 : memref<125x128xf32, #tpu.memory_space<vmem>>) dst(%dma_wait3A_445 : memref<10112x128xf32, #tpu.memory_space<vmem_shared>>)
      %dma_start3A_446 = arith.constant 13 : i32
      %dma_start3A_447 = arith.constant 0 : i32
      %dma_start3A_448 = tpu.memref_slice %arg8[%rem3A_88, %dma_start3A_446, %dma_start3A_447] : memref<2x16x125xi32, #tpu.memory_space<vmem>> -> memref<1x1x125xi32, #tpu.memory_space<vmem>>
      %dma_start3A_449 = tpu.memref_squeeze %dma_start3A_448 : memref<1x1x125xi32, #tpu.memory_space<vmem>> -> memref<125xi32, #tpu.memory_space<vmem>>
      %dma_start3A_450 = arith.constant 0 : i32
      %dma_start3A_451 = arith.constant 0 : i32
      %dma_start3A_452 = tpu.memref_slice %arg2[%dma_start3A_450, %dma_start3A_451] : memref<10000x128xf32, #tpu.memory_space<hbm>> -> memref<10000x128xf32, #tpu.memory_space<hbm>>
      tpu.enqueue_indirect_dma source(%dma_start3A_452 : memref<10000x128xf32, #tpu.memory_space<hbm>>) target(%arg11 : memref<125x128xf32, #tpu.memory_space<vmem>>) offsets(%dma_start3A_449 : memref<125xi32, #tpu.memory_space<vmem>>) semaphore(%arg14 : memref<!tpu.dma_semaphore, #tpu.memory_space<semaphore_mem>>)
      %dma_wait3A_453 = arith.constant 0 : i32
      %dma_wait3A_454 = arith.constant 0 : i32
      %dma_wait3A_455 = arith.constant 0 : i32
      %dma_wait3A_456 = tpu.memref_slice %arg8[%dma_wait3A_453, %dma_wait3A_454, %dma_wait3A_455] : memref<2x16x125xi32, #tpu.memory_space<vmem>> -> memref<1x1x125xi32, #tpu.memory_space<vmem>>
      %dma_wait3A_457 = tpu.memref_squeeze %dma_wait3A_456 : memref<1x1x125xi32, #tpu.memory_space<vmem>> -> memref<125xi32, #tpu.memory_space<vmem>>
      %dma_wait3A_458 = arith.constant 0 : i32
      %dma_wait3A_459 = arith.constant 0 : i32
      %dma_wait3A_460 = tpu.memref_slice %arg2[%dma_wait3A_458, %dma_wait3A_459] : memref<10000x128xf32, #tpu.memory_space<hbm>> -> memref<10000x128xf32, #tpu.memory_space<hbm>>
      tpu.wait_indirect_dma semaphore(%arg13 : memref<!tpu.dma_semaphore, #tpu.memory_space<semaphore_mem>>) src(%dma_wait3A_460 : memref<10000x128xf32, #tpu.memory_space<hbm>>) dst(%arg10 : memref<125x128xf32, #tpu.memory_space<vmem>>)
      %dma_start3A_461 = arith.constant 12 : i32
      %dma_start3A_462 = arith.constant 0 : i32
      %dma_start3A_463 = tpu.memref_slice %arg9[%rem3A_88, %dma_start3A_461, %dma_start3A_462] : memref<2x16x125xi32, #tpu.memory_space<vmem>> -> memref<1x1x125xi32, #tpu.memory_space<vmem>>
      %dma_start3A_464 = tpu.memref_squeeze %dma_start3A_463 : memref<1x1x125xi32, #tpu.memory_space<vmem>> -> memref<125xi32, #tpu.memory_space<vmem>>
      %dma_start3A_465 = arith.constant 0 : i32
      %dma_start3A_466 = arith.constant 0 : i32
      %dma_start3A_467 = tpu.memref_slice %arg7[%dma_start3A_465, %dma_start3A_466] : memref<10112x128xf32, #tpu.memory_space<vmem_shared>> -> memref<10112x128xf32, #tpu.memory_space<vmem_shared>>
      tpu.enqueue_indirect_dma source(%arg10 : memref<125x128xf32, #tpu.memory_space<vmem>>) target(%dma_start3A_467 : memref<10112x128xf32, #tpu.memory_space<vmem_shared>>) offsets(%dma_start3A_464 : memref<125xi32, #tpu.memory_space<vmem>>) semaphore(%arg15 : memref<!tpu.dma_semaphore, #tpu.memory_space<semaphore_mem>>) {add = true}
      %dma_wait3A_468 = arith.constant 0 : i32
      %dma_wait3A_469 = arith.constant 0 : i32
      %dma_wait3A_470 = arith.constant 0 : i32
      %dma_wait3A_471 = tpu.memref_slice %arg9[%dma_wait3A_468, %dma_wait3A_469, %dma_wait3A_470] : memref<2x16x125xi32, #tpu.memory_space<vmem>> -> memref<1x1x125xi32, #tpu.memory_space<vmem>>
      %dma_wait3A_472 = tpu.memref_squeeze %dma_wait3A_471 : memref<1x1x125xi32, #tpu.memory_space<vmem>> -> memref<125xi32, #tpu.memory_space<vmem>>
      %dma_wait3A_473 = arith.constant 0 : i32
      %dma_wait3A_474 = arith.constant 0 : i32
      %dma_wait3A_475 = tpu.memref_slice %arg7[%dma_wait3A_473, %dma_wait3A_474] : memref<10112x128xf32, #tpu.memory_space<vmem_shared>> -> memref<10112x128xf32, #tpu.memory_space<vmem_shared>>
      tpu.wait_indirect_dma semaphore(%arg15 : memref<!tpu.dma_semaphore, #tpu.memory_space<semaphore_mem>>) src(%arg10 : memref<125x128xf32, #tpu.memory_space<vmem>>) dst(%dma_wait3A_475 : memref<10112x128xf32, #tpu.memory_space<vmem_shared>>)
      %dma_start3A_476 = arith.constant 14 : i32
      %dma_start3A_477 = arith.constant 0 : i32
      %dma_start3A_478 = tpu.memref_slice %arg8[%rem3A_88, %dma_start3A_476, %dma_start3A_477] : memref<2x16x125xi32, #tpu.memory_space<vmem>> -> memref<1x1x125xi32, #tpu.memory_space<vmem>>
      %dma_start3A_479 = tpu.memref_squeeze %dma_start3A_478 : memref<1x1x125xi32, #tpu.memory_space<vmem>> -> memref<125xi32, #tpu.memory_space<vmem>>
      %dma_start3A_480 = arith.constant 0 : i32
      %dma_start3A_481 = arith.constant 0 : i32
      %dma_start3A_482 = tpu.memref_slice %arg2[%dma_start3A_480, %dma_start3A_481] : memref<10000x128xf32, #tpu.memory_space<hbm>> -> memref<10000x128xf32, #tpu.memory_space<hbm>>
      tpu.enqueue_indirect_dma source(%dma_start3A_482 : memref<10000x128xf32, #tpu.memory_space<hbm>>) target(%arg10 : memref<125x128xf32, #tpu.memory_space<vmem>>) offsets(%dma_start3A_479 : memref<125xi32, #tpu.memory_space<vmem>>) semaphore(%arg13 : memref<!tpu.dma_semaphore, #tpu.memory_space<semaphore_mem>>)
      %dma_wait3A_483 = arith.constant 0 : i32
      %dma_wait3A_484 = arith.constant 0 : i32
      %dma_wait3A_485 = arith.constant 0 : i32
      %dma_wait3A_486 = tpu.memref_slice %arg8[%dma_wait3A_483, %dma_wait3A_484, %dma_wait3A_485] : memref<2x16x125xi32, #tpu.memory_space<vmem>> -> memref<1x1x125xi32, #tpu.memory_space<vmem>>
      %dma_wait3A_487 = tpu.memref_squeeze %dma_wait3A_486 : memref<1x1x125xi32, #tpu.memory_space<vmem>> -> memref<125xi32, #tpu.memory_space<vmem>>
      %dma_wait3A_488 = arith.constant 0 : i32
      %dma_wait3A_489 = arith.constant 0 : i32
      %dma_wait3A_490 = tpu.memref_slice %arg2[%dma_wait3A_488, %dma_wait3A_489] : memref<10000x128xf32, #tpu.memory_space<hbm>> -> memref<10000x128xf32, #tpu.memory_space<hbm>>
      tpu.wait_indirect_dma semaphore(%arg14 : memref<!tpu.dma_semaphore, #tpu.memory_space<semaphore_mem>>) src(%dma_wait3A_490 : memref<10000x128xf32, #tpu.memory_space<hbm>>) dst(%arg11 : memref<125x128xf32, #tpu.memory_space<vmem>>)
      %dma_start3A_491 = arith.constant 13 : i32
      %dma_start3A_492 = arith.constant 0 : i32
      %dma_start3A_493 = tpu.memref_slice %arg9[%rem3A_88, %dma_start3A_491, %dma_start3A_492] : memref<2x16x125xi32, #tpu.memory_space<vmem>> -> memref<1x1x125xi32, #tpu.memory_space<vmem>>
      %dma_start3A_494 = tpu.memref_squeeze %dma_start3A_493 : memref<1x1x125xi32, #tpu.memory_space<vmem>> -> memref<125xi32, #tpu.memory_space<vmem>>
      %dma_start3A_495 = arith.constant 0 : i32
      %dma_start3A_496 = arith.constant 0 : i32
      %dma_start3A_497 = tpu.memref_slice %arg7[%dma_start3A_495, %dma_start3A_496] : memref<10112x128xf32, #tpu.memory_space<vmem_shared>> -> memref<10112x128xf32, #tpu.memory_space<vmem_shared>>
      tpu.enqueue_indirect_dma source(%arg11 : memref<125x128xf32, #tpu.memory_space<vmem>>) target(%dma_start3A_497 : memref<10112x128xf32, #tpu.memory_space<vmem_shared>>) offsets(%dma_start3A_494 : memref<125xi32, #tpu.memory_space<vmem>>) semaphore(%arg16 : memref<!tpu.dma_semaphore, #tpu.memory_space<semaphore_mem>>) {add = true}
      %dma_wait3A_498 = arith.constant 0 : i32
      %dma_wait3A_499 = arith.constant 0 : i32
      %dma_wait3A_500 = arith.constant 0 : i32
      %dma_wait3A_501 = tpu.memref_slice %arg9[%dma_wait3A_498, %dma_wait3A_499, %dma_wait3A_500] : memref<2x16x125xi32, #tpu.memory_space<vmem>> -> memref<1x1x125xi32, #tpu.memory_space<vmem>>
      %dma_wait3A_502 = tpu.memref_squeeze %dma_wait3A_501 : memref<1x1x125xi32, #tpu.memory_space<vmem>> -> memref<125xi32, #tpu.memory_space<vmem>>
      %dma_wait3A_503 = arith.constant 0 : i32
      %dma_wait3A_504 = arith.constant 0 : i32
      %dma_wait3A_505 = tpu.memref_slice %arg7[%dma_wait3A_503, %dma_wait3A_504] : memref<10112x128xf32, #tpu.memory_space<vmem_shared>> -> memref<10112x128xf32, #tpu.memory_space<vmem_shared>>
      tpu.wait_indirect_dma semaphore(%arg16 : memref<!tpu.dma_semaphore, #tpu.memory_space<semaphore_mem>>) src(%arg11 : memref<125x128xf32, #tpu.memory_space<vmem>>) dst(%dma_wait3A_505 : memref<10112x128xf32, #tpu.memory_space<vmem_shared>>)
      %dma_start3A_506 = arith.constant 15 : i32
      %dma_start3A_507 = arith.constant 0 : i32
      %dma_start3A_508 = tpu.memref_slice %arg8[%rem3A_88, %dma_start3A_506, %dma_start3A_507] : memref<2x16x125xi32, #tpu.memory_space<vmem>> -> memref<1x1x125xi32, #tpu.memory_space<vmem>>
      %dma_start3A_509 = tpu.memref_squeeze %dma_start3A_508 : memref<1x1x125xi32, #tpu.memory_space<vmem>> -> memref<125xi32, #tpu.memory_space<vmem>>
      %dma_start3A_510 = arith.constant 0 : i32
      %dma_start3A_511 = arith.constant 0 : i32
      %dma_start3A_512 = tpu.memref_slice %arg2[%dma_start3A_510, %dma_start3A_511] : memref<10000x128xf32, #tpu.memory_space<hbm>> -> memref<10000x128xf32, #tpu.memory_space<hbm>>
      tpu.enqueue_indirect_dma source(%dma_start3A_512 : memref<10000x128xf32, #tpu.memory_space<hbm>>) target(%arg11 : memref<125x128xf32, #tpu.memory_space<vmem>>) offsets(%dma_start3A_509 : memref<125xi32, #tpu.memory_space<vmem>>) semaphore(%arg14 : memref<!tpu.dma_semaphore, #tpu.memory_space<semaphore_mem>>)
      %dma_wait3A_513 = arith.constant 0 : i32
      %dma_wait3A_514 = arith.constant 0 : i32
      %dma_wait3A_515 = arith.constant 0 : i32
      %dma_wait3A_516 = tpu.memref_slice %arg8[%dma_wait3A_513, %dma_wait3A_514, %dma_wait3A_515] : memref<2x16x125xi32, #tpu.memory_space<vmem>> -> memref<1x1x125xi32, #tpu.memory_space<vmem>>
      %dma_wait3A_517 = tpu.memref_squeeze %dma_wait3A_516 : memref<1x1x125xi32, #tpu.memory_space<vmem>> -> memref<125xi32, #tpu.memory_space<vmem>>
      %dma_wait3A_518 = arith.constant 0 : i32
      %dma_wait3A_519 = arith.constant 0 : i32
      %dma_wait3A_520 = tpu.memref_slice %arg2[%dma_wait3A_518, %dma_wait3A_519] : memref<10000x128xf32, #tpu.memory_space<hbm>> -> memref<10000x128xf32, #tpu.memory_space<hbm>>
      tpu.wait_indirect_dma semaphore(%arg13 : memref<!tpu.dma_semaphore, #tpu.memory_space<semaphore_mem>>) src(%dma_wait3A_520 : memref<10000x128xf32, #tpu.memory_space<hbm>>) dst(%arg10 : memref<125x128xf32, #tpu.memory_space<vmem>>)
      %dma_start3A_521 = arith.constant 14 : i32
      %dma_start3A_522 = arith.constant 0 : i32
      %dma_start3A_523 = tpu.memref_slice %arg9[%rem3A_88, %dma_start3A_521, %dma_start3A_522] : memref<2x16x125xi32, #tpu.memory_space<vmem>> -> memref<1x1x125xi32, #tpu.memory_space<vmem>>
      %dma_start3A_524 = tpu.memref_squeeze %dma_start3A_523 : memref<1x1x125xi32, #tpu.memory_space<vmem>> -> memref<125xi32, #tpu.memory_space<vmem>>
      %dma_start3A_525 = arith.constant 0 : i32
      %dma_start3A_526 = arith.constant 0 : i32
      %dma_start3A_527 = tpu.memref_slice %arg7[%dma_start3A_525, %dma_start3A_526] : memref<10112x128xf32, #tpu.memory_space<vmem_shared>> -> memref<10112x128xf32, #tpu.memory_space<vmem_shared>>
      tpu.enqueue_indirect_dma source(%arg10 : memref<125x128xf32, #tpu.memory_space<vmem>>) target(%dma_start3A_527 : memref<10112x128xf32, #tpu.memory_space<vmem_shared>>) offsets(%dma_start3A_524 : memref<125xi32, #tpu.memory_space<vmem>>) semaphore(%arg15 : memref<!tpu.dma_semaphore, #tpu.memory_space<semaphore_mem>>) {add = true}
      %dma_wait3A_528 = arith.constant 0 : i32
      %dma_wait3A_529 = arith.constant 0 : i32
      %dma_wait3A_530 = arith.constant 0 : i32
      %dma_wait3A_531 = tpu.memref_slice %arg8[%dma_wait3A_528, %dma_wait3A_529, %dma_wait3A_530] : memref<2x16x125xi32, #tpu.memory_space<vmem>> -> memref<1x1x125xi32, #tpu.memory_space<vmem>>
      %dma_wait3A_532 = tpu.memref_squeeze %dma_wait3A_531 : memref<1x1x125xi32, #tpu.memory_space<vmem>> -> memref<125xi32, #tpu.memory_space<vmem>>
      %dma_wait3A_533 = arith.constant 0 : i32
      %dma_wait3A_534 = arith.constant 0 : i32
      %dma_wait3A_535 = tpu.memref_slice %arg2[%dma_wait3A_533, %dma_wait3A_534] : memref<10000x128xf32, #tpu.memory_space<hbm>> -> memref<10000x128xf32, #tpu.memory_space<hbm>>
      tpu.wait_indirect_dma semaphore(%arg14 : memref<!tpu.dma_semaphore, #tpu.memory_space<semaphore_mem>>) src(%dma_wait3A_535 : memref<10000x128xf32, #tpu.memory_space<hbm>>) dst(%arg11 : memref<125x128xf32, #tpu.memory_space<vmem>>)
      %dma_start3A_536 = arith.constant 15 : i32
      %dma_start3A_537 = arith.constant 0 : i32
      %dma_start3A_538 = tpu.memref_slice %arg9[%rem3A_88, %dma_start3A_536, %dma_start3A_537] : memref<2x16x125xi32, #tpu.memory_space<vmem>> -> memref<1x1x125xi32, #tpu.memory_space<vmem>>
      %dma_start3A_539 = tpu.memref_squeeze %dma_start3A_538 : memref<1x1x125xi32, #tpu.memory_space<vmem>> -> memref<125xi32, #tpu.memory_space<vmem>>
      %dma_start3A_540 = arith.constant 0 : i32
      %dma_start3A_541 = arith.constant 0 : i32
      %dma_start3A_542 = tpu.memref_slice %arg7[%dma_start3A_540, %dma_start3A_541] : memref<10112x128xf32, #tpu.memory_space<vmem_shared>> -> memref<10112x128xf32, #tpu.memory_space<vmem_shared>>
      tpu.enqueue_indirect_dma source(%arg11 : memref<125x128xf32, #tpu.memory_space<vmem>>) target(%dma_start3A_542 : memref<10112x128xf32, #tpu.memory_space<vmem_shared>>) offsets(%dma_start3A_539 : memref<125xi32, #tpu.memory_space<vmem>>) semaphore(%arg16 : memref<!tpu.dma_semaphore, #tpu.memory_space<semaphore_mem>>) {add = true}
      %add3A_543 = arith.constant 1 : i32
      %add3A_544 = arith.addi %scan3A_87, %add3A_543 : i32
      %lt3A_545 = arith.constant 5 : i32
      %lt3A_546 = arith.cmpi slt, %add3A_544, %lt3A_545 : i32
      %convert_element_type3A_547 = arith.extui %lt3A_546 : i1 to i32
      %cond3A_548 = arith.constant 0 : i32
      %cond3A_549 = arith.cmpi ne, %convert_element_type3A_547, %cond3A_548 : i32
      scf.if %cond3A_549 {
        %sub3A = arith.constant 1 : i32
        %sub3A_556 = arith.subi %sub3A, %rem3A_88 : i32
        %dma_wait3A_557 = arith.constant 0 : i32
        %dma_wait3A_558 = arith.constant 0 : i32
        %dma_wait3A_559 = tpu.memref_slice %arg8[%sub3A_556, %dma_wait3A_557, %dma_wait3A_558] : memref<2x16x125xi32, #tpu.memory_space<vmem>> -> memref<1x16x125xi32, #tpu.memory_space<vmem>>
        %dma_wait3A_560 = tpu.memref_squeeze %dma_wait3A_559 : memref<1x16x125xi32, #tpu.memory_space<vmem>> -> memref<16x125xi32, #tpu.memory_space<vmem>>
        %dma_wait3A_561 = arith.constant 0 : i32
        %dma_wait3A_562 = arith.constant 0 : i32
        %dma_wait3A_563 = tpu.memref_slice %arg3[%dma_wait3A_561, %dma_wait3A_562] : memref<2560x125xi32, #tpu.memory_space<hbm>> -> memref<16x125xi32, #tpu.memory_space<hbm>>
        %dma_wait3A_564 = arith.constant 0 : i32
        %dma_wait3A_565 = arith.constant 0 : i32
        %dma_wait3A_566 = tpu.memref_slice %arg8[%sub3A_556, %dma_wait3A_564, %dma_wait3A_565] : memref<2x16x125xi32, #tpu.memory_space<vmem>> -> memref<1x16x125xi32, #tpu.memory_space<vmem>>
        %dma_wait3A_567 = tpu.memref_squeeze %dma_wait3A_566 : memref<1x16x125xi32, #tpu.memory_space<vmem>> -> memref<16x125xi32, #tpu.memory_space<vmem>>
        %dma_wait3A_568 = arith.constant 0 : i32
        %dma_wait3A_569 = arith.constant 0 : i32
        %dma_wait3A_570 = tpu.memref_slice %arg3[%dma_wait3A_568, %dma_wait3A_569] : memref<2560x125xi32, #tpu.memory_space<hbm>> -> memref<16x125xi32, #tpu.memory_space<hbm>>
        tpu.wait_dma2 semaphore(%arg12 : memref<!tpu.dma_semaphore, #tpu.memory_space<semaphore_mem>>) src(%dma_wait3A_570 : memref<16x125xi32, #tpu.memory_space<hbm>>) dst(%dma_wait3A_567 : memref<16x125xi32, #tpu.memory_space<vmem>>)
        %dma_wait3A_571 = arith.constant 0 : i32
        %dma_wait3A_572 = arith.constant 0 : i32
        %dma_wait3A_573 = tpu.memref_slice %arg9[%sub3A_556, %dma_wait3A_571, %dma_wait3A_572] : memref<2x16x125xi32, #tpu.memory_space<vmem>> -> memref<1x16x125xi32, #tpu.memory_space<vmem>>
        %dma_wait3A_574 = tpu.memref_squeeze %dma_wait3A_573 : memref<1x16x125xi32, #tpu.memory_space<vmem>> -> memref<16x125xi32, #tpu.memory_space<vmem>>
        %dma_wait3A_575 = arith.constant 0 : i32
        %dma_wait3A_576 = arith.constant 0 : i32
        %dma_wait3A_577 = tpu.memref_slice %arg4[%dma_wait3A_575, %dma_wait3A_576] : memref<2560x125xi32, #tpu.memory_space<hbm>> -> memref<16x125xi32, #tpu.memory_space<hbm>>
        %dma_wait3A_578 = arith.constant 0 : i32
        %dma_wait3A_579 = arith.constant 0 : i32
        %dma_wait3A_580 = tpu.memref_slice %arg9[%sub3A_556, %dma_wait3A_578, %dma_wait3A_579] : memref<2x16x125xi32, #tpu.memory_space<vmem>> -> memref<1x16x125xi32, #tpu.memory_space<vmem>>
        %dma_wait3A_581 = tpu.memref_squeeze %dma_wait3A_580 : memref<1x16x125xi32, #tpu.memory_space<vmem>> -> memref<16x125xi32, #tpu.memory_space<vmem>>
        %dma_wait3A_582 = arith.constant 0 : i32
        %dma_wait3A_583 = arith.constant 0 : i32
        %dma_wait3A_584 = tpu.memref_slice %arg4[%dma_wait3A_582, %dma_wait3A_583] : memref<2560x125xi32, #tpu.memory_space<hbm>> -> memref<16x125xi32, #tpu.memory_space<hbm>>
        tpu.wait_dma2 semaphore(%arg12 : memref<!tpu.dma_semaphore, #tpu.memory_space<semaphore_mem>>) src(%dma_wait3A_584 : memref<16x125xi32, #tpu.memory_space<hbm>>) dst(%dma_wait3A_581 : memref<16x125xi32, #tpu.memory_space<vmem>>)
        %dma_wait3A_585 = arith.constant 0 : i32
        %dma_wait3A_586 = arith.constant 0 : i32
        %dma_wait3A_587 = arith.constant 0 : i32
        %dma_wait3A_588 = tpu.memref_slice %arg9[%dma_wait3A_585, %dma_wait3A_586, %dma_wait3A_587] : memref<2x16x125xi32, #tpu.memory_space<vmem>> -> memref<1x1x125xi32, #tpu.memory_space<vmem>>
        %dma_wait3A_589 = tpu.memref_squeeze %dma_wait3A_588 : memref<1x1x125xi32, #tpu.memory_space<vmem>> -> memref<125xi32, #tpu.memory_space<vmem>>
        %dma_wait3A_590 = arith.constant 0 : i32
        %dma_wait3A_591 = arith.constant 0 : i32
        %dma_wait3A_592 = tpu.memref_slice %arg7[%dma_wait3A_590, %dma_wait3A_591] : memref<10112x128xf32, #tpu.memory_space<vmem_shared>> -> memref<10112x128xf32, #tpu.memory_space<vmem_shared>>
        tpu.wait_indirect_dma semaphore(%arg15 : memref<!tpu.dma_semaphore, #tpu.memory_space<semaphore_mem>>) src(%arg10 : memref<125x128xf32, #tpu.memory_space<vmem>>) dst(%dma_wait3A_592 : memref<10112x128xf32, #tpu.memory_space<vmem_shared>>)
        %sub3A_593 = arith.constant 1 : i32
        %sub3A_594 = arith.subi %sub3A_593, %rem3A_88 : i32
        %dma_start3A_595 = arith.constant 0 : i32
        %dma_start3A_596 = arith.constant 0 : i32
        %dma_start3A_597 = tpu.memref_slice %arg8[%sub3A_594, %dma_start3A_595, %dma_start3A_596] : memref<2x16x125xi32, #tpu.memory_space<vmem>> -> memref<1x1x125xi32, #tpu.memory_space<vmem>>
        %dma_start3A_598 = tpu.memref_squeeze %dma_start3A_597 : memref<1x1x125xi32, #tpu.memory_space<vmem>> -> memref<125xi32, #tpu.memory_space<vmem>>
        %dma_start3A_599 = arith.constant 0 : i32
        %dma_start3A_600 = arith.constant 0 : i32
        %dma_start3A_601 = tpu.memref_slice %arg2[%dma_start3A_599, %dma_start3A_600] : memref<10000x128xf32, #tpu.memory_space<hbm>> -> memref<10000x128xf32, #tpu.memory_space<hbm>>
        tpu.enqueue_indirect_dma source(%dma_start3A_601 : memref<10000x128xf32, #tpu.memory_space<hbm>>) target(%arg10 : memref<125x128xf32, #tpu.memory_space<vmem>>) offsets(%dma_start3A_598 : memref<125xi32, #tpu.memory_space<vmem>>) semaphore(%arg13 : memref<!tpu.dma_semaphore, #tpu.memory_space<semaphore_mem>>)
        %dma_wait3A_602 = arith.constant 0 : i32
        %dma_wait3A_603 = arith.constant 0 : i32
        %dma_wait3A_604 = arith.constant 0 : i32
        %dma_wait3A_605 = tpu.memref_slice %arg9[%dma_wait3A_602, %dma_wait3A_603, %dma_wait3A_604] : memref<2x16x125xi32, #tpu.memory_space<vmem>> -> memref<1x1x125xi32, #tpu.memory_space<vmem>>
        %dma_wait3A_606 = tpu.memref_squeeze %dma_wait3A_605 : memref<1x1x125xi32, #tpu.memory_space<vmem>> -> memref<125xi32, #tpu.memory_space<vmem>>
        %dma_wait3A_607 = arith.constant 0 : i32
        %dma_wait3A_608 = arith.constant 0 : i32
        %dma_wait3A_609 = tpu.memref_slice %arg7[%dma_wait3A_607, %dma_wait3A_608] : memref<10112x128xf32, #tpu.memory_space<vmem_shared>> -> memref<10112x128xf32, #tpu.memory_space<vmem_shared>>
        tpu.wait_indirect_dma semaphore(%arg16 : memref<!tpu.dma_semaphore, #tpu.memory_space<semaphore_mem>>) src(%arg11 : memref<125x128xf32, #tpu.memory_space<vmem>>) dst(%dma_wait3A_609 : memref<10112x128xf32, #tpu.memory_space<vmem_shared>>)
        %sub3A_610 = arith.constant 1 : i32
        %sub3A_611 = arith.subi %sub3A_610, %rem3A_88 : i32
        %dma_start3A_612 = arith.constant 1 : i32
        %dma_start3A_613 = arith.constant 0 : i32
        %dma_start3A_614 = tpu.memref_slice %arg8[%sub3A_611, %dma_start3A_612, %dma_start3A_613] : memref<2x16x125xi32, #tpu.memory_space<vmem>> -> memref<1x1x125xi32, #tpu.memory_space<vmem>>
        %dma_start3A_615 = tpu.memref_squeeze %dma_start3A_614 : memref<1x1x125xi32, #tpu.memory_space<vmem>> -> memref<125xi32, #tpu.memory_space<vmem>>
        %dma_start3A_616 = arith.constant 0 : i32
        %dma_start3A_617 = arith.constant 0 : i32
        %dma_start3A_618 = tpu.memref_slice %arg2[%dma_start3A_616, %dma_start3A_617] : memref<10000x128xf32, #tpu.memory_space<hbm>> -> memref<10000x128xf32, #tpu.memory_space<hbm>>
        tpu.enqueue_indirect_dma source(%dma_start3A_618 : memref<10000x128xf32, #tpu.memory_space<hbm>>) target(%arg11 : memref<125x128xf32, #tpu.memory_space<vmem>>) offsets(%dma_start3A_615 : memref<125xi32, #tpu.memory_space<vmem>>) semaphore(%arg14 : memref<!tpu.dma_semaphore, #tpu.memory_space<semaphore_mem>>)
      } else {
      }
      %add3A_550 = arith.constant 1 : i32
      %add3A_551 = arith.addi %scan3A_87, %add3A_550 : i32
      %ge3A = arith.constant 5 : i32
      %ge3A_552 = arith.cmpi sge, %add3A_551, %ge3A : i32
      %convert_element_type3A_553 = arith.extui %ge3A_552 : i1 to i32
      %cond3A_554 = arith.constant 0 : i32
      %cond3A_555 = arith.cmpi ne, %convert_element_type3A_553, %cond3A_554 : i32
      scf.if %cond3A_555 {
        %dma_wait3A_556 = arith.constant 0 : i32
        %dma_wait3A_557 = arith.constant 0 : i32
        %dma_wait3A_558 = arith.constant 0 : i32
        %dma_wait3A_559 = tpu.memref_slice %arg9[%dma_wait3A_556, %dma_wait3A_557, %dma_wait3A_558] : memref<2x16x125xi32, #tpu.memory_space<vmem>> -> memref<1x1x125xi32, #tpu.memory_space<vmem>>
        %dma_wait3A_560 = tpu.memref_squeeze %dma_wait3A_559 : memref<1x1x125xi32, #tpu.memory_space<vmem>> -> memref<125xi32, #tpu.memory_space<vmem>>
        %dma_wait3A_561 = arith.constant 0 : i32
        %dma_wait3A_562 = arith.constant 0 : i32
        %dma_wait3A_563 = tpu.memref_slice %arg7[%dma_wait3A_561, %dma_wait3A_562] : memref<10112x128xf32, #tpu.memory_space<vmem_shared>> -> memref<10112x128xf32, #tpu.memory_space<vmem_shared>>
        tpu.wait_indirect_dma semaphore(%arg15 : memref<!tpu.dma_semaphore, #tpu.memory_space<semaphore_mem>>) src(%arg10 : memref<125x128xf32, #tpu.memory_space<vmem>>) dst(%dma_wait3A_563 : memref<10112x128xf32, #tpu.memory_space<vmem_shared>>)
        %dma_wait3A_564 = arith.constant 0 : i32
        %dma_wait3A_565 = arith.constant 0 : i32
        %dma_wait3A_566 = arith.constant 0 : i32
        %dma_wait3A_567 = tpu.memref_slice %arg9[%dma_wait3A_564, %dma_wait3A_565, %dma_wait3A_566] : memref<2x16x125xi32, #tpu.memory_space<vmem>> -> memref<1x1x125xi32, #tpu.memory_space<vmem>>
        %dma_wait3A_568 = tpu.memref_squeeze %dma_wait3A_567 : memref<1x1x125xi32, #tpu.memory_space<vmem>> -> memref<125xi32, #tpu.memory_space<vmem>>
        %dma_wait3A_569 = arith.constant 0 : i32
        %dma_wait3A_570 = arith.constant 0 : i32
        %dma_wait3A_571 = tpu.memref_slice %arg7[%dma_wait3A_569, %dma_wait3A_570] : memref<10112x128xf32, #tpu.memory_space<vmem_shared>> -> memref<10112x128xf32, #tpu.memory_space<vmem_shared>>
        tpu.wait_indirect_dma semaphore(%arg16 : memref<!tpu.dma_semaphore, #tpu.memory_space<semaphore_mem>>) src(%arg11 : memref<125x128xf32, #tpu.memory_space<vmem>>) dst(%dma_wait3A_571 : memref<10112x128xf32, #tpu.memory_space<vmem_shared>>)
      } else {
      }
    }
    %scan3A_81 = arith.constant 5 : i32
    %barrier3A_82 = arith.constant 0 : index
    tpu.barrier barrier_id(%barrier3A_82)
    %mul3A_83 = arith.constant 632 : i32
    %mul3A_84 = arith.muli %arg1, %mul3A_83 : i32
    %mul3A_85 = arith.constant 632 : i32
    %mul3A_86 = arith.muli %arg1, %mul3A_85 : i32
    "tpu.region"() ({
      %run_scoped3A = tpu.sem_alloc : memref<!tpu.dma_semaphore, #tpu.memory_space<semaphore_mem>>
      %dma_start3A_87 = arith.constant 0 : i32
      %dma_start3A_88 = tpu.memref_slice %arg6[%arg0, %mul3A_86, %dma_start3A_87] : memref<2x10112x128xf32, #tpu.memory_space<hbm>> -> memref<1x632x128xf32, #tpu.memory_space<hbm>>
      %dma_start3A_89 = tpu.memref_squeeze %dma_start3A_88 : memref<1x632x128xf32, #tpu.memory_space<hbm>> -> memref<632x128xf32, #tpu.memory_space<hbm>>
      %dma_start3A_90 = arith.constant 0 : i32
      %dma_start3A_91 = tpu.memref_slice %arg7[%mul3A_84, %dma_start3A_90] : memref<10112x128xf32, #tpu.memory_space<vmem_shared>> -> memref<632x128xf32, #tpu.memory_space<vmem_shared>>
      tpu.enqueue_dma source(%dma_start3A_91 : memref<632x128xf32, #tpu.memory_space<vmem_shared>>) target(%dma_start3A_89 : memref<632x128xf32, #tpu.memory_space<hbm>>) target_semaphore(%run_scoped3A : memref<!tpu.dma_semaphore, #tpu.memory_space<semaphore_mem>>)
      %dma_wait3A_92 = arith.constant 0 : i32
      %dma_wait3A_93 = tpu.memref_slice %arg6[%arg0, %mul3A_86, %dma_wait3A_92] : memref<2x10112x128xf32, #tpu.memory_space<hbm>> -> memref<1x632x128xf32, #tpu.memory_space<hbm>>
      %dma_wait3A_94 = tpu.memref_squeeze %dma_wait3A_93 : memref<1x632x128xf32, #tpu.memory_space<hbm>> -> memref<632x128xf32, #tpu.memory_space<hbm>>
      %dma_wait3A_95 = arith.constant 0 : i32
      %dma_wait3A_96 = tpu.memref_slice %arg7[%mul3A_84, %dma_wait3A_95] : memref<10112x128xf32, #tpu.memory_space<vmem_shared>> -> memref<632x128xf32, #tpu.memory_space<vmem_shared>>
      tpu.wait_dma2 semaphore(%run_scoped3A : memref<!tpu.dma_semaphore, #tpu.memory_space<semaphore_mem>>) src(%dma_wait3A_96 : memref<632x128xf32, #tpu.memory_space<vmem_shared>>) dst(%dma_wait3A_94 : memref<632x128xf32, #tpu.memory_space<hbm>>)
      tpu.yield
    }) : () -> ()
    return
  }
}

#map = affine_map<(d0, d1) -> (0, 0)>
#map1 = affine_map<(d0, d1) -> (0, 0, 0)>
module attributes {stable_mosaic.version = 14 : i64} {
  func.func @_sc_agg_body(%arg0: i32, %arg1: i32, %arg2: memref<10000x128xf32, #tpu.memory_space<hbm>>, %arg3: memref<2560x125xi32, #tpu.memory_space<hbm>>, %arg4: memref<2560x125xi32, #tpu.memory_space<hbm>>, %arg5: memref<632x128xf32, #tpu.memory_space<hbm>>, %arg6: memref<2x10112x128xf32, #tpu.memory_space<hbm>>, %arg7: memref<10112x128xf32, #tpu.memory_space<vmem_shared>>, %arg8: memref<2x16x125xi32, #tpu.memory_space<vmem>>, %arg9: memref<2x16x125xi32, #tpu.memory_space<vmem>>, %arg10: memref<125x128xf32, #tpu.memory_space<vmem>>, %arg11: memref<125x128xf32, #tpu.memory_space<vmem>>, %arg12: memref<!tpu.dma_semaphore, #tpu.memory_space<semaphore_mem>>, %arg13: memref<!tpu.dma_semaphore, #tpu.memory_space<semaphore_mem>>, %arg14: memref<!tpu.dma_semaphore, #tpu.memory_space<semaphore_mem>>, %arg15: memref<!tpu.dma_semaphore, #tpu.memory_space<semaphore_mem>>, %arg16: memref<!tpu.dma_semaphore, #tpu.memory_space<semaphore_mem>>) attributes {dimension_semantics = [#tpu.dimension_semantics<core_parallel>, #tpu.dimension_semantics<subcore_parallel>], iteration_bounds = array<i64: 2, 16>, scalar_prefetch = 0 : i64, scratch_operands = 10 : i64, tpu.core_type = #tpu.core_type<sc_vector_subcore>, window_params = [{transform_indices = #map}, {transform_indices = #map}, {transform_indices = #map}, {transform_indices = #map}, {transform_indices = #map1}]} {
    %mul3A = arith.constant 16 : i32
    %mul3A_0 = arith.muli %arg0, %mul3A : i32
    %add3A = arith.addi %mul3A_0, %arg1 : i32
    %mul3A_1 = arith.constant 80 : i32
    %mul3A_2 = arith.muli %add3A, %mul3A_1 : i32
    %mul3A_3 = arith.constant 632 : i32
    %mul3A_4 = arith.muli %arg1, %mul3A_3 : i32
    "tpu.region"() ({
      %run_scoped3A = tpu.sem_alloc : memref<!tpu.dma_semaphore, #tpu.memory_space<semaphore_mem>>
      %dma_start3A_87 = arith.constant 0 : i32
      %dma_start3A_88 = tpu.memref_slice %arg7[%mul3A_4, %dma_start3A_87] : memref<10112x128xf32, #tpu.memory_space<vmem_shared>> -> memref<632x128xf32, #tpu.memory_space<vmem_shared>>
      tpu.enqueue_dma source(%arg5 : memref<632x128xf32, #tpu.memory_space<hbm>>) target(%dma_start3A_88 : memref<632x128xf32, #tpu.memory_space<vmem_shared>>) target_semaphore(%run_scoped3A : memref<!tpu.dma_semaphore, #tpu.memory_space<semaphore_mem>>)
      %dma_wait3A_89 = arith.constant 0 : i32
      %dma_wait3A_90 = tpu.memref_slice %arg7[%mul3A_4, %dma_wait3A_89] : memref<10112x128xf32, #tpu.memory_space<vmem_shared>> -> memref<632x128xf32, #tpu.memory_space<vmem_shared>>
      tpu.wait_dma2 semaphore(%run_scoped3A : memref<!tpu.dma_semaphore, #tpu.memory_space<semaphore_mem>>) src(%arg5 : memref<632x128xf32, #tpu.memory_space<hbm>>) dst(%dma_wait3A_90 : memref<632x128xf32, #tpu.memory_space<vmem_shared>>)
      tpu.yield
    }) : () -> ()
    %add3A_5 = arith.constant 0 : i32
    %add3A_6 = arith.addi %mul3A_2, %add3A_5 : i32
    %dma_start3A = arith.constant 0 : i32
    %dma_start3A_7 = arith.constant 0 : i32
    %dma_start3A_8 = arith.constant 0 : i32
    %dma_start3A_9 = tpu.memref_slice %arg8[%dma_start3A, %dma_start3A_7, %dma_start3A_8] : memref<2x16x125xi32, #tpu.memory_space<vmem>> -> memref<1x16x125xi32, #tpu.memory_space<vmem>>
    %dma_start3A_10 = tpu.memref_squeeze %dma_start3A_9 : memref<1x16x125xi32, #tpu.memory_space<vmem>> -> memref<16x125xi32, #tpu.memory_space<vmem>>
    %dma_start3A_11 = arith.constant 0 : i32
    %dma_start3A_12 = tpu.memref_slice %arg3[%add3A_6, %dma_start3A_11] : memref<2560x125xi32, #tpu.memory_space<hbm>> -> memref<16x125xi32, #tpu.memory_space<hbm>>
    %dma_start3A_13 = arith.constant 0 : i32
    %dma_start3A_14 = arith.constant 0 : i32
    %dma_start3A_15 = tpu.memref_slice %arg8[%dma_start3A, %dma_start3A_13, %dma_start3A_14] : memref<2x16x125xi32, #tpu.memory_space<vmem>> -> memref<1x16x125xi32, #tpu.memory_space<vmem>>
    %dma_start3A_16 = tpu.memref_squeeze %dma_start3A_15 : memref<1x16x125xi32, #tpu.memory_space<vmem>> -> memref<16x125xi32, #tpu.memory_space<vmem>>
    %dma_start3A_17 = arith.constant 0 : i32
    %dma_start3A_18 = tpu.memref_slice %arg3[%add3A_6, %dma_start3A_17] : memref<2560x125xi32, #tpu.memory_space<hbm>> -> memref<16x125xi32, #tpu.memory_space<hbm>>
    tpu.enqueue_dma source(%dma_start3A_18 : memref<16x125xi32, #tpu.memory_space<hbm>>) target(%dma_start3A_16 : memref<16x125xi32, #tpu.memory_space<vmem>>) target_semaphore(%arg12 : memref<!tpu.dma_semaphore, #tpu.memory_space<semaphore_mem>>)
    %dma_start3A_19 = arith.constant 0 : i32
    %dma_start3A_20 = arith.constant 0 : i32
    %dma_start3A_21 = arith.constant 0 : i32
    %dma_start3A_22 = tpu.memref_slice %arg9[%dma_start3A_19, %dma_start3A_20, %dma_start3A_21] : memref<2x16x125xi32, #tpu.memory_space<vmem>> -> memref<1x16x125xi32, #tpu.memory_space<vmem>>
    %dma_start3A_23 = tpu.memref_squeeze %dma_start3A_22 : memref<1x16x125xi32, #tpu.memory_space<vmem>> -> memref<16x125xi32, #tpu.memory_space<vmem>>
    %dma_start3A_24 = arith.constant 0 : i32
    %dma_start3A_25 = tpu.memref_slice %arg4[%add3A_6, %dma_start3A_24] : memref<2560x125xi32, #tpu.memory_space<hbm>> -> memref<16x125xi32, #tpu.memory_space<hbm>>
    %dma_start3A_26 = arith.constant 0 : i32
    %dma_start3A_27 = arith.constant 0 : i32
    %dma_start3A_28 = tpu.memref_slice %arg9[%dma_start3A_19, %dma_start3A_26, %dma_start3A_27] : memref<2x16x125xi32, #tpu.memory_space<vmem>> -> memref<1x16x125xi32, #tpu.memory_space<vmem>>
    %dma_start3A_29 = tpu.memref_squeeze %dma_start3A_28 : memref<1x16x125xi32, #tpu.memory_space<vmem>> -> memref<16x125xi32, #tpu.memory_space<vmem>>
    %dma_start3A_30 = arith.constant 0 : i32
    %dma_start3A_31 = tpu.memref_slice %arg4[%add3A_6, %dma_start3A_30] : memref<2560x125xi32, #tpu.memory_space<hbm>> -> memref<16x125xi32, #tpu.memory_space<hbm>>
    tpu.enqueue_dma source(%dma_start3A_31 : memref<16x125xi32, #tpu.memory_space<hbm>>) target(%dma_start3A_29 : memref<16x125xi32, #tpu.memory_space<vmem>>) target_semaphore(%arg12 : memref<!tpu.dma_semaphore, #tpu.memory_space<semaphore_mem>>)
    %barrier3A = arith.constant 0 : index
    tpu.barrier barrier_id(%barrier3A)
    %dma_wait3A = arith.constant 0 : i32
    %dma_wait3A_32 = arith.constant 0 : i32
    %dma_wait3A_33 = arith.constant 0 : i32
    %dma_wait3A_34 = tpu.memref_slice %arg8[%dma_wait3A, %dma_wait3A_32, %dma_wait3A_33] : memref<2x16x125xi32, #tpu.memory_space<vmem>> -> memref<1x16x125xi32, #tpu.memory_space<vmem>>
    %dma_wait3A_35 = tpu.memref_squeeze %dma_wait3A_34 : memref<1x16x125xi32, #tpu.memory_space<vmem>> -> memref<16x125xi32, #tpu.memory_space<vmem>>
    %dma_wait3A_36 = arith.constant 0 : i32
    %dma_wait3A_37 = arith.constant 0 : i32
    %dma_wait3A_38 = tpu.memref_slice %arg3[%dma_wait3A_36, %dma_wait3A_37] : memref<2560x125xi32, #tpu.memory_space<hbm>> -> memref<16x125xi32, #tpu.memory_space<hbm>>
    %dma_wait3A_39 = arith.constant 0 : i32
    %dma_wait3A_40 = arith.constant 0 : i32
    %dma_wait3A_41 = tpu.memref_slice %arg8[%dma_wait3A, %dma_wait3A_39, %dma_wait3A_40] : memref<2x16x125xi32, #tpu.memory_space<vmem>> -> memref<1x16x125xi32, #tpu.memory_space<vmem>>
    %dma_wait3A_42 = tpu.memref_squeeze %dma_wait3A_41 : memref<1x16x125xi32, #tpu.memory_space<vmem>> -> memref<16x125xi32, #tpu.memory_space<vmem>>
    %dma_wait3A_43 = arith.constant 0 : i32
    %dma_wait3A_44 = arith.constant 0 : i32
    %dma_wait3A_45 = tpu.memref_slice %arg3[%dma_wait3A_43, %dma_wait3A_44] : memref<2560x125xi32, #tpu.memory_space<hbm>> -> memref<16x125xi32, #tpu.memory_space<hbm>>
    tpu.wait_dma2 semaphore(%arg12 : memref<!tpu.dma_semaphore, #tpu.memory_space<semaphore_mem>>) src(%dma_wait3A_45 : memref<16x125xi32, #tpu.memory_space<hbm>>) dst(%dma_wait3A_42 : memref<16x125xi32, #tpu.memory_space<vmem>>)
    %dma_wait3A_46 = arith.constant 0 : i32
    %dma_wait3A_47 = arith.constant 0 : i32
    %dma_wait3A_48 = arith.constant 0 : i32
    %dma_wait3A_49 = tpu.memref_slice %arg9[%dma_wait3A_46, %dma_wait3A_47, %dma_wait3A_48] : memref<2x16x125xi32, #tpu.memory_space<vmem>> -> memref<1x16x125xi32, #tpu.memory_space<vmem>>
    %dma_wait3A_50 = tpu.memref_squeeze %dma_wait3A_49 : memref<1x16x125xi32, #tpu.memory_space<vmem>> -> memref<16x125xi32, #tpu.memory_space<vmem>>
    %dma_wait3A_51 = arith.constant 0 : i32
    %dma_wait3A_52 = arith.constant 0 : i32
    %dma_wait3A_53 = tpu.memref_slice %arg4[%dma_wait3A_51, %dma_wait3A_52] : memref<2560x125xi32, #tpu.memory_space<hbm>> -> memref<16x125xi32, #tpu.memory_space<hbm>>
    %dma_wait3A_54 = arith.constant 0 : i32
    %dma_wait3A_55 = arith.constant 0 : i32
    %dma_wait3A_56 = tpu.memref_slice %arg9[%dma_wait3A_46, %dma_wait3A_54, %dma_wait3A_55] : memref<2x16x125xi32, #tpu.memory_space<vmem>> -> memref<1x16x125xi32, #tpu.memory_space<vmem>>
    %dma_wait3A_57 = tpu.memref_squeeze %dma_wait3A_56 : memref<1x16x125xi32, #tpu.memory_space<vmem>> -> memref<16x125xi32, #tpu.memory_space<vmem>>
    %dma_wait3A_58 = arith.constant 0 : i32
    %dma_wait3A_59 = arith.constant 0 : i32
    %dma_wait3A_60 = tpu.memref_slice %arg4[%dma_wait3A_58, %dma_wait3A_59] : memref<2560x125xi32, #tpu.memory_space<hbm>> -> memref<16x125xi32, #tpu.memory_space<hbm>>
    tpu.wait_dma2 semaphore(%arg12 : memref<!tpu.dma_semaphore, #tpu.memory_space<semaphore_mem>>) src(%dma_wait3A_60 : memref<16x125xi32, #tpu.memory_space<hbm>>) dst(%dma_wait3A_57 : memref<16x125xi32, #tpu.memory_space<vmem>>)
    %dma_start3A_61 = arith.constant 0 : i32
    %dma_start3A_62 = arith.constant 0 : i32
    %dma_start3A_63 = arith.constant 0 : i32
    %dma_start3A_64 = tpu.memref_slice %arg8[%dma_start3A_61, %dma_start3A_62, %dma_start3A_63] : memref<2x16x125xi32, #tpu.memory_space<vmem>> -> memref<1x1x125xi32, #tpu.memory_space<vmem>>
    %dma_start3A_65 = tpu.memref_squeeze %dma_start3A_64 : memref<1x1x125xi32, #tpu.memory_space<vmem>> -> memref<125xi32, #tpu.memory_space<vmem>>
    %dma_start3A_66 = arith.constant 0 : i32
    %dma_start3A_67 = arith.constant 0 : i32
    %dma_start3A_68 = tpu.memref_slice %arg2[%dma_start3A_66, %dma_start3A_67] : memref<10000x128xf32, #tpu.memory_space<hbm>> -> memref<10000x128xf32, #tpu.memory_space<hbm>>
    tpu.enqueue_indirect_dma source(%dma_start3A_68 : memref<10000x128xf32, #tpu.memory_space<hbm>>) target(%arg10 : memref<125x128xf32, #tpu.memory_space<vmem>>) offsets(%dma_start3A_65 : memref<125xi32, #tpu.memory_space<vmem>>) semaphore(%arg13 : memref<!tpu.dma_semaphore, #tpu.memory_space<semaphore_mem>>)
    %dma_start3A_69 = arith.constant 0 : i32
    %dma_start3A_70 = arith.constant 1 : i32
    %dma_start3A_71 = arith.constant 0 : i32
    %dma_start3A_72 = tpu.memref_slice %arg8[%dma_start3A_69, %dma_start3A_70, %dma_start3A_71] : memref<2x16x125xi32, #tpu.memory_space<vmem>> -> memref<1x1x125xi32, #tpu.memory_space<vmem>>
    %dma_start3A_73 = tpu.memref_squeeze %dma_start3A_72 : memref<1x1x125xi32, #tpu.memory_space<vmem>> -> memref<125xi32, #tpu.memory_space<vmem>>
    %dma_start3A_74 = arith.constant 0 : i32
    %dma_start3A_75 = arith.constant 0 : i32
    %dma_start3A_76 = tpu.memref_slice %arg2[%dma_start3A_74, %dma_start3A_75] : memref<10000x128xf32, #tpu.memory_space<hbm>> -> memref<10000x128xf32, #tpu.memory_space<hbm>>
    tpu.enqueue_indirect_dma source(%dma_start3A_76 : memref<10000x128xf32, #tpu.memory_space<hbm>>) target(%arg11 : memref<125x128xf32, #tpu.memory_space<vmem>>) offsets(%dma_start3A_73 : memref<125xi32, #tpu.memory_space<vmem>>) semaphore(%arg14 : memref<!tpu.dma_semaphore, #tpu.memory_space<semaphore_mem>>)
    %scan3A = arith.constant 0 : i32
    %scan3A_77 = arith.constant 0 : i32
    %scan3A_78 = arith.constant 5 : i32
    %scan3A_79 = arith.addi %scan3A_77, %scan3A_78 : i32
    %scan3A_80 = arith.constant 1 : i32
    scf.for %scan3A_87 = %scan3A_77 to %scan3A_79 step %scan3A_80  : i32 {
      %rem3A = arith.constant 2 : i32
      %rem3A_88 = arith.remsi %scan3A_87, %rem3A : i32
      %add3A_89 = arith.constant 1 : i32
      %add3A_90 = arith.addi %scan3A_87, %add3A_89 : i32
      %lt3A = arith.constant 5 : i32
      %lt3A_91 = arith.cmpi slt, %add3A_90, %lt3A : i32
      %convert_element_type3A = arith.extui %lt3A_91 : i1 to i32
      %cond3A = arith.constant 0 : i32
      %cond3A_92 = arith.cmpi ne, %convert_element_type3A, %cond3A : i32
      scf.if %cond3A_92 {
        %add3A_556 = arith.constant 1 : i32
        %add3A_557 = arith.addi %scan3A_87, %add3A_556 : i32
        %sub3A = arith.constant 1 : i32
        %sub3A_558 = arith.subi %sub3A, %rem3A_88 : i32
        %mul3A_559 = arith.constant 16 : i32
        %mul3A_560 = arith.muli %add3A_557, %mul3A_559 : i32
        %add3A_561 = arith.addi %mul3A_2, %mul3A_560 : i32
        %dma_start3A_562 = arith.constant 0 : i32
        %dma_start3A_563 = arith.constant 0 : i32
        %dma_start3A_564 = tpu.memref_slice %arg8[%sub3A_558, %dma_start3A_562, %dma_start3A_563] : memref<2x16x125xi32, #tpu.memory_space<vmem>> -> memref<1x16x125xi32, #tpu.memory_space<vmem>>
        %dma_start3A_565 = tpu.memref_squeeze %dma_start3A_564 : memref<1x16x125xi32, #tpu.memory_space<vmem>> -> memref<16x125xi32, #tpu.memory_space<vmem>>
        %dma_start3A_566 = arith.constant 0 : i32
        %dma_start3A_567 = tpu.memref_slice %arg3[%add3A_561, %dma_start3A_566] : memref<2560x125xi32, #tpu.memory_space<hbm>> -> memref<16x125xi32, #tpu.memory_space<hbm>>
        %dma_start3A_568 = arith.constant 0 : i32
        %dma_start3A_569 = arith.constant 0 : i32
        %dma_start3A_570 = tpu.memref_slice %arg8[%sub3A_558, %dma_start3A_568, %dma_start3A_569] : memref<2x16x125xi32, #tpu.memory_space<vmem>> -> memref<1x16x125xi32, #tpu.memory_space<vmem>>
        %dma_start3A_571 = tpu.memref_squeeze %dma_start3A_570 : memref<1x16x125xi32, #tpu.memory_space<vmem>> -> memref<16x125xi32, #tpu.memory_space<vmem>>
        %dma_start3A_572 = arith.constant 0 : i32
        %dma_start3A_573 = tpu.memref_slice %arg3[%add3A_561, %dma_start3A_572] : memref<2560x125xi32, #tpu.memory_space<hbm>> -> memref<16x125xi32, #tpu.memory_space<hbm>>
        tpu.enqueue_dma source(%dma_start3A_573 : memref<16x125xi32, #tpu.memory_space<hbm>>) target(%dma_start3A_571 : memref<16x125xi32, #tpu.memory_space<vmem>>) target_semaphore(%arg12 : memref<!tpu.dma_semaphore, #tpu.memory_space<semaphore_mem>>)
        %dma_start3A_574 = arith.constant 0 : i32
        %dma_start3A_575 = arith.constant 0 : i32
        %dma_start3A_576 = tpu.memref_slice %arg9[%sub3A_558, %dma_start3A_574, %dma_start3A_575] : memref<2x16x125xi32, #tpu.memory_space<vmem>> -> memref<1x16x125xi32, #tpu.memory_space<vmem>>
        %dma_start3A_577 = tpu.memref_squeeze %dma_start3A_576 : memref<1x16x125xi32, #tpu.memory_space<vmem>> -> memref<16x125xi32, #tpu.memory_space<vmem>>
        %dma_start3A_578 = arith.constant 0 : i32
        %dma_start3A_579 = tpu.memref_slice %arg4[%add3A_561, %dma_start3A_578] : memref<2560x125xi32, #tpu.memory_space<hbm>> -> memref<16x125xi32, #tpu.memory_space<hbm>>
        %dma_start3A_580 = arith.constant 0 : i32
        %dma_start3A_581 = arith.constant 0 : i32
        %dma_start3A_582 = tpu.memref_slice %arg9[%sub3A_558, %dma_start3A_580, %dma_start3A_581] : memref<2x16x125xi32, #tpu.memory_space<vmem>> -> memref<1x16x125xi32, #tpu.memory_space<vmem>>
        %dma_start3A_583 = tpu.memref_squeeze %dma_start3A_582 : memref<1x16x125xi32, #tpu.memory_space<vmem>> -> memref<16x125xi32, #tpu.memory_space<vmem>>
        %dma_start3A_584 = arith.constant 0 : i32
        %dma_start3A_585 = tpu.memref_slice %arg4[%add3A_561, %dma_start3A_584] : memref<2560x125xi32, #tpu.memory_space<hbm>> -> memref<16x125xi32, #tpu.memory_space<hbm>>
        tpu.enqueue_dma source(%dma_start3A_585 : memref<16x125xi32, #tpu.memory_space<hbm>>) target(%dma_start3A_583 : memref<16x125xi32, #tpu.memory_space<vmem>>) target_semaphore(%arg12 : memref<!tpu.dma_semaphore, #tpu.memory_space<semaphore_mem>>)
      } else {
      }
      %dma_wait3A_93 = arith.constant 0 : i32
      %dma_wait3A_94 = arith.constant 0 : i32
      %dma_wait3A_95 = arith.constant 0 : i32
      %dma_wait3A_96 = tpu.memref_slice %arg8[%dma_wait3A_93, %dma_wait3A_94, %dma_wait3A_95] : memref<2x16x125xi32, #tpu.memory_space<vmem>> -> memref<1x1x125xi32, #tpu.memory_space<vmem>>
      %dma_wait3A_97 = tpu.memref_squeeze %dma_wait3A_96 : memref<1x1x125xi32, #tpu.memory_space<vmem>> -> memref<125xi32, #tpu.memory_space<vmem>>
      %dma_wait3A_98 = arith.constant 0 : i32
      %dma_wait3A_99 = arith.constant 0 : i32
      %dma_wait3A_100 = tpu.memref_slice %arg2[%dma_wait3A_98, %dma_wait3A_99] : memref<10000x128xf32, #tpu.memory_space<hbm>> -> memref<10000x128xf32, #tpu.memory_space<hbm>>
      tpu.wait_indirect_dma semaphore(%arg13 : memref<!tpu.dma_semaphore, #tpu.memory_space<semaphore_mem>>) src(%dma_wait3A_100 : memref<10000x128xf32, #tpu.memory_space<hbm>>) dst(%arg10 : memref<125x128xf32, #tpu.memory_space<vmem>>)
      %dma_start3A_101 = arith.constant 0 : i32
      %dma_start3A_102 = arith.constant 0 : i32
      %dma_start3A_103 = tpu.memref_slice %arg9[%rem3A_88, %dma_start3A_101, %dma_start3A_102] : memref<2x16x125xi32, #tpu.memory_space<vmem>> -> memref<1x1x125xi32, #tpu.memory_space<vmem>>
      %dma_start3A_104 = tpu.memref_squeeze %dma_start3A_103 : memref<1x1x125xi32, #tpu.memory_space<vmem>> -> memref<125xi32, #tpu.memory_space<vmem>>
      %dma_start3A_105 = arith.constant 0 : i32
      %dma_start3A_106 = arith.constant 0 : i32
      %dma_start3A_107 = tpu.memref_slice %arg7[%dma_start3A_105, %dma_start3A_106] : memref<10112x128xf32, #tpu.memory_space<vmem_shared>> -> memref<10112x128xf32, #tpu.memory_space<vmem_shared>>
      tpu.enqueue_indirect_dma source(%arg10 : memref<125x128xf32, #tpu.memory_space<vmem>>) target(%dma_start3A_107 : memref<10112x128xf32, #tpu.memory_space<vmem_shared>>) offsets(%dma_start3A_104 : memref<125xi32, #tpu.memory_space<vmem>>) semaphore(%arg15 : memref<!tpu.dma_semaphore, #tpu.memory_space<semaphore_mem>>) {add = true}
      %dma_wait3A_108 = arith.constant 0 : i32
      %dma_wait3A_109 = arith.constant 0 : i32
      %dma_wait3A_110 = arith.constant 0 : i32
      %dma_wait3A_111 = tpu.memref_slice %arg9[%dma_wait3A_108, %dma_wait3A_109, %dma_wait3A_110] : memref<2x16x125xi32, #tpu.memory_space<vmem>> -> memref<1x1x125xi32, #tpu.memory_space<vmem>>
      %dma_wait3A_112 = tpu.memref_squeeze %dma_wait3A_111 : memref<1x1x125xi32, #tpu.memory_space<vmem>> -> memref<125xi32, #tpu.memory_space<vmem>>
      %dma_wait3A_113 = arith.constant 0 : i32
      %dma_wait3A_114 = arith.constant 0 : i32
      %dma_wait3A_115 = tpu.memref_slice %arg7[%dma_wait3A_113, %dma_wait3A_114] : memref<10112x128xf32, #tpu.memory_space<vmem_shared>> -> memref<10112x128xf32, #tpu.memory_space<vmem_shared>>
      tpu.wait_indirect_dma semaphore(%arg15 : memref<!tpu.dma_semaphore, #tpu.memory_space<semaphore_mem>>) src(%arg10 : memref<125x128xf32, #tpu.memory_space<vmem>>) dst(%dma_wait3A_115 : memref<10112x128xf32, #tpu.memory_space<vmem_shared>>)
      %dma_start3A_116 = arith.constant 2 : i32
      %dma_start3A_117 = arith.constant 0 : i32
      %dma_start3A_118 = tpu.memref_slice %arg8[%rem3A_88, %dma_start3A_116, %dma_start3A_117] : memref<2x16x125xi32, #tpu.memory_space<vmem>> -> memref<1x1x125xi32, #tpu.memory_space<vmem>>
      %dma_start3A_119 = tpu.memref_squeeze %dma_start3A_118 : memref<1x1x125xi32, #tpu.memory_space<vmem>> -> memref<125xi32, #tpu.memory_space<vmem>>
      %dma_start3A_120 = arith.constant 0 : i32
      %dma_start3A_121 = arith.constant 0 : i32
      %dma_start3A_122 = tpu.memref_slice %arg2[%dma_start3A_120, %dma_start3A_121] : memref<10000x128xf32, #tpu.memory_space<hbm>> -> memref<10000x128xf32, #tpu.memory_space<hbm>>
      tpu.enqueue_indirect_dma source(%dma_start3A_122 : memref<10000x128xf32, #tpu.memory_space<hbm>>) target(%arg10 : memref<125x128xf32, #tpu.memory_space<vmem>>) offsets(%dma_start3A_119 : memref<125xi32, #tpu.memory_space<vmem>>) semaphore(%arg13 : memref<!tpu.dma_semaphore, #tpu.memory_space<semaphore_mem>>)
      %dma_wait3A_123 = arith.constant 0 : i32
      %dma_wait3A_124 = arith.constant 0 : i32
      %dma_wait3A_125 = arith.constant 0 : i32
      %dma_wait3A_126 = tpu.memref_slice %arg8[%dma_wait3A_123, %dma_wait3A_124, %dma_wait3A_125] : memref<2x16x125xi32, #tpu.memory_space<vmem>> -> memref<1x1x125xi32, #tpu.memory_space<vmem>>
      %dma_wait3A_127 = tpu.memref_squeeze %dma_wait3A_126 : memref<1x1x125xi32, #tpu.memory_space<vmem>> -> memref<125xi32, #tpu.memory_space<vmem>>
      %dma_wait3A_128 = arith.constant 0 : i32
      %dma_wait3A_129 = arith.constant 0 : i32
      %dma_wait3A_130 = tpu.memref_slice %arg2[%dma_wait3A_128, %dma_wait3A_129] : memref<10000x128xf32, #tpu.memory_space<hbm>> -> memref<10000x128xf32, #tpu.memory_space<hbm>>
      tpu.wait_indirect_dma semaphore(%arg14 : memref<!tpu.dma_semaphore, #tpu.memory_space<semaphore_mem>>) src(%dma_wait3A_130 : memref<10000x128xf32, #tpu.memory_space<hbm>>) dst(%arg11 : memref<125x128xf32, #tpu.memory_space<vmem>>)
      %dma_start3A_131 = arith.constant 1 : i32
      %dma_start3A_132 = arith.constant 0 : i32
      %dma_start3A_133 = tpu.memref_slice %arg9[%rem3A_88, %dma_start3A_131, %dma_start3A_132] : memref<2x16x125xi32, #tpu.memory_space<vmem>> -> memref<1x1x125xi32, #tpu.memory_space<vmem>>
      %dma_start3A_134 = tpu.memref_squeeze %dma_start3A_133 : memref<1x1x125xi32, #tpu.memory_space<vmem>> -> memref<125xi32, #tpu.memory_space<vmem>>
      %dma_start3A_135 = arith.constant 0 : i32
      %dma_start3A_136 = arith.constant 0 : i32
      %dma_start3A_137 = tpu.memref_slice %arg7[%dma_start3A_135, %dma_start3A_136] : memref<10112x128xf32, #tpu.memory_space<vmem_shared>> -> memref<10112x128xf32, #tpu.memory_space<vmem_shared>>
      tpu.enqueue_indirect_dma source(%arg11 : memref<125x128xf32, #tpu.memory_space<vmem>>) target(%dma_start3A_137 : memref<10112x128xf32, #tpu.memory_space<vmem_shared>>) offsets(%dma_start3A_134 : memref<125xi32, #tpu.memory_space<vmem>>) semaphore(%arg16 : memref<!tpu.dma_semaphore, #tpu.memory_space<semaphore_mem>>) {add = true}
      %dma_wait3A_138 = arith.constant 0 : i32
      %dma_wait3A_139 = arith.constant 0 : i32
      %dma_wait3A_140 = arith.constant 0 : i32
      %dma_wait3A_141 = tpu.memref_slice %arg9[%dma_wait3A_138, %dma_wait3A_139, %dma_wait3A_140] : memref<2x16x125xi32, #tpu.memory_space<vmem>> -> memref<1x1x125xi32, #tpu.memory_space<vmem>>
      %dma_wait3A_142 = tpu.memref_squeeze %dma_wait3A_141 : memref<1x1x125xi32, #tpu.memory_space<vmem>> -> memref<125xi32, #tpu.memory_space<vmem>>
      %dma_wait3A_143 = arith.constant 0 : i32
      %dma_wait3A_144 = arith.constant 0 : i32
      %dma_wait3A_145 = tpu.memref_slice %arg7[%dma_wait3A_143, %dma_wait3A_144] : memref<10112x128xf32, #tpu.memory_space<vmem_shared>> -> memref<10112x128xf32, #tpu.memory_space<vmem_shared>>
      tpu.wait_indirect_dma semaphore(%arg16 : memref<!tpu.dma_semaphore, #tpu.memory_space<semaphore_mem>>) src(%arg11 : memref<125x128xf32, #tpu.memory_space<vmem>>) dst(%dma_wait3A_145 : memref<10112x128xf32, #tpu.memory_space<vmem_shared>>)
      %dma_start3A_146 = arith.constant 3 : i32
      %dma_start3A_147 = arith.constant 0 : i32
      %dma_start3A_148 = tpu.memref_slice %arg8[%rem3A_88, %dma_start3A_146, %dma_start3A_147] : memref<2x16x125xi32, #tpu.memory_space<vmem>> -> memref<1x1x125xi32, #tpu.memory_space<vmem>>
      %dma_start3A_149 = tpu.memref_squeeze %dma_start3A_148 : memref<1x1x125xi32, #tpu.memory_space<vmem>> -> memref<125xi32, #tpu.memory_space<vmem>>
      %dma_start3A_150 = arith.constant 0 : i32
      %dma_start3A_151 = arith.constant 0 : i32
      %dma_start3A_152 = tpu.memref_slice %arg2[%dma_start3A_150, %dma_start3A_151] : memref<10000x128xf32, #tpu.memory_space<hbm>> -> memref<10000x128xf32, #tpu.memory_space<hbm>>
      tpu.enqueue_indirect_dma source(%dma_start3A_152 : memref<10000x128xf32, #tpu.memory_space<hbm>>) target(%arg11 : memref<125x128xf32, #tpu.memory_space<vmem>>) offsets(%dma_start3A_149 : memref<125xi32, #tpu.memory_space<vmem>>) semaphore(%arg14 : memref<!tpu.dma_semaphore, #tpu.memory_space<semaphore_mem>>)
      %dma_wait3A_153 = arith.constant 0 : i32
      %dma_wait3A_154 = arith.constant 0 : i32
      %dma_wait3A_155 = arith.constant 0 : i32
      %dma_wait3A_156 = tpu.memref_slice %arg8[%dma_wait3A_153, %dma_wait3A_154, %dma_wait3A_155] : memref<2x16x125xi32, #tpu.memory_space<vmem>> -> memref<1x1x125xi32, #tpu.memory_space<vmem>>
      %dma_wait3A_157 = tpu.memref_squeeze %dma_wait3A_156 : memref<1x1x125xi32, #tpu.memory_space<vmem>> -> memref<125xi32, #tpu.memory_space<vmem>>
      %dma_wait3A_158 = arith.constant 0 : i32
      %dma_wait3A_159 = arith.constant 0 : i32
      %dma_wait3A_160 = tpu.memref_slice %arg2[%dma_wait3A_158, %dma_wait3A_159] : memref<10000x128xf32, #tpu.memory_space<hbm>> -> memref<10000x128xf32, #tpu.memory_space<hbm>>
      tpu.wait_indirect_dma semaphore(%arg13 : memref<!tpu.dma_semaphore, #tpu.memory_space<semaphore_mem>>) src(%dma_wait3A_160 : memref<10000x128xf32, #tpu.memory_space<hbm>>) dst(%arg10 : memref<125x128xf32, #tpu.memory_space<vmem>>)
      %dma_start3A_161 = arith.constant 2 : i32
      %dma_start3A_162 = arith.constant 0 : i32
      %dma_start3A_163 = tpu.memref_slice %arg9[%rem3A_88, %dma_start3A_161, %dma_start3A_162] : memref<2x16x125xi32, #tpu.memory_space<vmem>> -> memref<1x1x125xi32, #tpu.memory_space<vmem>>
      %dma_start3A_164 = tpu.memref_squeeze %dma_start3A_163 : memref<1x1x125xi32, #tpu.memory_space<vmem>> -> memref<125xi32, #tpu.memory_space<vmem>>
      %dma_start3A_165 = arith.constant 0 : i32
      %dma_start3A_166 = arith.constant 0 : i32
      %dma_start3A_167 = tpu.memref_slice %arg7[%dma_start3A_165, %dma_start3A_166] : memref<10112x128xf32, #tpu.memory_space<vmem_shared>> -> memref<10112x128xf32, #tpu.memory_space<vmem_shared>>
      tpu.enqueue_indirect_dma source(%arg10 : memref<125x128xf32, #tpu.memory_space<vmem>>) target(%dma_start3A_167 : memref<10112x128xf32, #tpu.memory_space<vmem_shared>>) offsets(%dma_start3A_164 : memref<125xi32, #tpu.memory_space<vmem>>) semaphore(%arg15 : memref<!tpu.dma_semaphore, #tpu.memory_space<semaphore_mem>>) {add = true}
      %dma_wait3A_168 = arith.constant 0 : i32
      %dma_wait3A_169 = arith.constant 0 : i32
      %dma_wait3A_170 = arith.constant 0 : i32
      %dma_wait3A_171 = tpu.memref_slice %arg9[%dma_wait3A_168, %dma_wait3A_169, %dma_wait3A_170] : memref<2x16x125xi32, #tpu.memory_space<vmem>> -> memref<1x1x125xi32, #tpu.memory_space<vmem>>
      %dma_wait3A_172 = tpu.memref_squeeze %dma_wait3A_171 : memref<1x1x125xi32, #tpu.memory_space<vmem>> -> memref<125xi32, #tpu.memory_space<vmem>>
      %dma_wait3A_173 = arith.constant 0 : i32
      %dma_wait3A_174 = arith.constant 0 : i32
      %dma_wait3A_175 = tpu.memref_slice %arg7[%dma_wait3A_173, %dma_wait3A_174] : memref<10112x128xf32, #tpu.memory_space<vmem_shared>> -> memref<10112x128xf32, #tpu.memory_space<vmem_shared>>
      tpu.wait_indirect_dma semaphore(%arg15 : memref<!tpu.dma_semaphore, #tpu.memory_space<semaphore_mem>>) src(%arg10 : memref<125x128xf32, #tpu.memory_space<vmem>>) dst(%dma_wait3A_175 : memref<10112x128xf32, #tpu.memory_space<vmem_shared>>)
      %dma_start3A_176 = arith.constant 4 : i32
      %dma_start3A_177 = arith.constant 0 : i32
      %dma_start3A_178 = tpu.memref_slice %arg8[%rem3A_88, %dma_start3A_176, %dma_start3A_177] : memref<2x16x125xi32, #tpu.memory_space<vmem>> -> memref<1x1x125xi32, #tpu.memory_space<vmem>>
      %dma_start3A_179 = tpu.memref_squeeze %dma_start3A_178 : memref<1x1x125xi32, #tpu.memory_space<vmem>> -> memref<125xi32, #tpu.memory_space<vmem>>
      %dma_start3A_180 = arith.constant 0 : i32
      %dma_start3A_181 = arith.constant 0 : i32
      %dma_start3A_182 = tpu.memref_slice %arg2[%dma_start3A_180, %dma_start3A_181] : memref<10000x128xf32, #tpu.memory_space<hbm>> -> memref<10000x128xf32, #tpu.memory_space<hbm>>
      tpu.enqueue_indirect_dma source(%dma_start3A_182 : memref<10000x128xf32, #tpu.memory_space<hbm>>) target(%arg10 : memref<125x128xf32, #tpu.memory_space<vmem>>) offsets(%dma_start3A_179 : memref<125xi32, #tpu.memory_space<vmem>>) semaphore(%arg13 : memref<!tpu.dma_semaphore, #tpu.memory_space<semaphore_mem>>)
      %dma_wait3A_183 = arith.constant 0 : i32
      %dma_wait3A_184 = arith.constant 0 : i32
      %dma_wait3A_185 = arith.constant 0 : i32
      %dma_wait3A_186 = tpu.memref_slice %arg8[%dma_wait3A_183, %dma_wait3A_184, %dma_wait3A_185] : memref<2x16x125xi32, #tpu.memory_space<vmem>> -> memref<1x1x125xi32, #tpu.memory_space<vmem>>
      %dma_wait3A_187 = tpu.memref_squeeze %dma_wait3A_186 : memref<1x1x125xi32, #tpu.memory_space<vmem>> -> memref<125xi32, #tpu.memory_space<vmem>>
      %dma_wait3A_188 = arith.constant 0 : i32
      %dma_wait3A_189 = arith.constant 0 : i32
      %dma_wait3A_190 = tpu.memref_slice %arg2[%dma_wait3A_188, %dma_wait3A_189] : memref<10000x128xf32, #tpu.memory_space<hbm>> -> memref<10000x128xf32, #tpu.memory_space<hbm>>
      tpu.wait_indirect_dma semaphore(%arg14 : memref<!tpu.dma_semaphore, #tpu.memory_space<semaphore_mem>>) src(%dma_wait3A_190 : memref<10000x128xf32, #tpu.memory_space<hbm>>) dst(%arg11 : memref<125x128xf32, #tpu.memory_space<vmem>>)
      %dma_start3A_191 = arith.constant 3 : i32
      %dma_start3A_192 = arith.constant 0 : i32
      %dma_start3A_193 = tpu.memref_slice %arg9[%rem3A_88, %dma_start3A_191, %dma_start3A_192] : memref<2x16x125xi32, #tpu.memory_space<vmem>> -> memref<1x1x125xi32, #tpu.memory_space<vmem>>
      %dma_start3A_194 = tpu.memref_squeeze %dma_start3A_193 : memref<1x1x125xi32, #tpu.memory_space<vmem>> -> memref<125xi32, #tpu.memory_space<vmem>>
      %dma_start3A_195 = arith.constant 0 : i32
      %dma_start3A_196 = arith.constant 0 : i32
      %dma_start3A_197 = tpu.memref_slice %arg7[%dma_start3A_195, %dma_start3A_196] : memref<10112x128xf32, #tpu.memory_space<vmem_shared>> -> memref<10112x128xf32, #tpu.memory_space<vmem_shared>>
      tpu.enqueue_indirect_dma source(%arg11 : memref<125x128xf32, #tpu.memory_space<vmem>>) target(%dma_start3A_197 : memref<10112x128xf32, #tpu.memory_space<vmem_shared>>) offsets(%dma_start3A_194 : memref<125xi32, #tpu.memory_space<vmem>>) semaphore(%arg16 : memref<!tpu.dma_semaphore, #tpu.memory_space<semaphore_mem>>) {add = true}
      %dma_wait3A_198 = arith.constant 0 : i32
      %dma_wait3A_199 = arith.constant 0 : i32
      %dma_wait3A_200 = arith.constant 0 : i32
      %dma_wait3A_201 = tpu.memref_slice %arg9[%dma_wait3A_198, %dma_wait3A_199, %dma_wait3A_200] : memref<2x16x125xi32, #tpu.memory_space<vmem>> -> memref<1x1x125xi32, #tpu.memory_space<vmem>>
      %dma_wait3A_202 = tpu.memref_squeeze %dma_wait3A_201 : memref<1x1x125xi32, #tpu.memory_space<vmem>> -> memref<125xi32, #tpu.memory_space<vmem>>
      %dma_wait3A_203 = arith.constant 0 : i32
      %dma_wait3A_204 = arith.constant 0 : i32
      %dma_wait3A_205 = tpu.memref_slice %arg7[%dma_wait3A_203, %dma_wait3A_204] : memref<10112x128xf32, #tpu.memory_space<vmem_shared>> -> memref<10112x128xf32, #tpu.memory_space<vmem_shared>>
      tpu.wait_indirect_dma semaphore(%arg16 : memref<!tpu.dma_semaphore, #tpu.memory_space<semaphore_mem>>) src(%arg11 : memref<125x128xf32, #tpu.memory_space<vmem>>) dst(%dma_wait3A_205 : memref<10112x128xf32, #tpu.memory_space<vmem_shared>>)
      %dma_start3A_206 = arith.constant 5 : i32
      %dma_start3A_207 = arith.constant 0 : i32
      %dma_start3A_208 = tpu.memref_slice %arg8[%rem3A_88, %dma_start3A_206, %dma_start3A_207] : memref<2x16x125xi32, #tpu.memory_space<vmem>> -> memref<1x1x125xi32, #tpu.memory_space<vmem>>
      %dma_start3A_209 = tpu.memref_squeeze %dma_start3A_208 : memref<1x1x125xi32, #tpu.memory_space<vmem>> -> memref<125xi32, #tpu.memory_space<vmem>>
      %dma_start3A_210 = arith.constant 0 : i32
      %dma_start3A_211 = arith.constant 0 : i32
      %dma_start3A_212 = tpu.memref_slice %arg2[%dma_start3A_210, %dma_start3A_211] : memref<10000x128xf32, #tpu.memory_space<hbm>> -> memref<10000x128xf32, #tpu.memory_space<hbm>>
      tpu.enqueue_indirect_dma source(%dma_start3A_212 : memref<10000x128xf32, #tpu.memory_space<hbm>>) target(%arg11 : memref<125x128xf32, #tpu.memory_space<vmem>>) offsets(%dma_start3A_209 : memref<125xi32, #tpu.memory_space<vmem>>) semaphore(%arg14 : memref<!tpu.dma_semaphore, #tpu.memory_space<semaphore_mem>>)
      %dma_wait3A_213 = arith.constant 0 : i32
      %dma_wait3A_214 = arith.constant 0 : i32
      %dma_wait3A_215 = arith.constant 0 : i32
      %dma_wait3A_216 = tpu.memref_slice %arg8[%dma_wait3A_213, %dma_wait3A_214, %dma_wait3A_215] : memref<2x16x125xi32, #tpu.memory_space<vmem>> -> memref<1x1x125xi32, #tpu.memory_space<vmem>>
      %dma_wait3A_217 = tpu.memref_squeeze %dma_wait3A_216 : memref<1x1x125xi32, #tpu.memory_space<vmem>> -> memref<125xi32, #tpu.memory_space<vmem>>
      %dma_wait3A_218 = arith.constant 0 : i32
      %dma_wait3A_219 = arith.constant 0 : i32
      %dma_wait3A_220 = tpu.memref_slice %arg2[%dma_wait3A_218, %dma_wait3A_219] : memref<10000x128xf32, #tpu.memory_space<hbm>> -> memref<10000x128xf32, #tpu.memory_space<hbm>>
      tpu.wait_indirect_dma semaphore(%arg13 : memref<!tpu.dma_semaphore, #tpu.memory_space<semaphore_mem>>) src(%dma_wait3A_220 : memref<10000x128xf32, #tpu.memory_space<hbm>>) dst(%arg10 : memref<125x128xf32, #tpu.memory_space<vmem>>)
      %dma_start3A_221 = arith.constant 4 : i32
      %dma_start3A_222 = arith.constant 0 : i32
      %dma_start3A_223 = tpu.memref_slice %arg9[%rem3A_88, %dma_start3A_221, %dma_start3A_222] : memref<2x16x125xi32, #tpu.memory_space<vmem>> -> memref<1x1x125xi32, #tpu.memory_space<vmem>>
      %dma_start3A_224 = tpu.memref_squeeze %dma_start3A_223 : memref<1x1x125xi32, #tpu.memory_space<vmem>> -> memref<125xi32, #tpu.memory_space<vmem>>
      %dma_start3A_225 = arith.constant 0 : i32
      %dma_start3A_226 = arith.constant 0 : i32
      %dma_start3A_227 = tpu.memref_slice %arg7[%dma_start3A_225, %dma_start3A_226] : memref<10112x128xf32, #tpu.memory_space<vmem_shared>> -> memref<10112x128xf32, #tpu.memory_space<vmem_shared>>
      tpu.enqueue_indirect_dma source(%arg10 : memref<125x128xf32, #tpu.memory_space<vmem>>) target(%dma_start3A_227 : memref<10112x128xf32, #tpu.memory_space<vmem_shared>>) offsets(%dma_start3A_224 : memref<125xi32, #tpu.memory_space<vmem>>) semaphore(%arg15 : memref<!tpu.dma_semaphore, #tpu.memory_space<semaphore_mem>>) {add = true}
      %dma_wait3A_228 = arith.constant 0 : i32
      %dma_wait3A_229 = arith.constant 0 : i32
      %dma_wait3A_230 = arith.constant 0 : i32
      %dma_wait3A_231 = tpu.memref_slice %arg9[%dma_wait3A_228, %dma_wait3A_229, %dma_wait3A_230] : memref<2x16x125xi32, #tpu.memory_space<vmem>> -> memref<1x1x125xi32, #tpu.memory_space<vmem>>
      %dma_wait3A_232 = tpu.memref_squeeze %dma_wait3A_231 : memref<1x1x125xi32, #tpu.memory_space<vmem>> -> memref<125xi32, #tpu.memory_space<vmem>>
      %dma_wait3A_233 = arith.constant 0 : i32
      %dma_wait3A_234 = arith.constant 0 : i32
      %dma_wait3A_235 = tpu.memref_slice %arg7[%dma_wait3A_233, %dma_wait3A_234] : memref<10112x128xf32, #tpu.memory_space<vmem_shared>> -> memref<10112x128xf32, #tpu.memory_space<vmem_shared>>
      tpu.wait_indirect_dma semaphore(%arg15 : memref<!tpu.dma_semaphore, #tpu.memory_space<semaphore_mem>>) src(%arg10 : memref<125x128xf32, #tpu.memory_space<vmem>>) dst(%dma_wait3A_235 : memref<10112x128xf32, #tpu.memory_space<vmem_shared>>)
      %dma_start3A_236 = arith.constant 6 : i32
      %dma_start3A_237 = arith.constant 0 : i32
      %dma_start3A_238 = tpu.memref_slice %arg8[%rem3A_88, %dma_start3A_236, %dma_start3A_237] : memref<2x16x125xi32, #tpu.memory_space<vmem>> -> memref<1x1x125xi32, #tpu.memory_space<vmem>>
      %dma_start3A_239 = tpu.memref_squeeze %dma_start3A_238 : memref<1x1x125xi32, #tpu.memory_space<vmem>> -> memref<125xi32, #tpu.memory_space<vmem>>
      %dma_start3A_240 = arith.constant 0 : i32
      %dma_start3A_241 = arith.constant 0 : i32
      %dma_start3A_242 = tpu.memref_slice %arg2[%dma_start3A_240, %dma_start3A_241] : memref<10000x128xf32, #tpu.memory_space<hbm>> -> memref<10000x128xf32, #tpu.memory_space<hbm>>
      tpu.enqueue_indirect_dma source(%dma_start3A_242 : memref<10000x128xf32, #tpu.memory_space<hbm>>) target(%arg10 : memref<125x128xf32, #tpu.memory_space<vmem>>) offsets(%dma_start3A_239 : memref<125xi32, #tpu.memory_space<vmem>>) semaphore(%arg13 : memref<!tpu.dma_semaphore, #tpu.memory_space<semaphore_mem>>)
      %dma_wait3A_243 = arith.constant 0 : i32
      %dma_wait3A_244 = arith.constant 0 : i32
      %dma_wait3A_245 = arith.constant 0 : i32
      %dma_wait3A_246 = tpu.memref_slice %arg8[%dma_wait3A_243, %dma_wait3A_244, %dma_wait3A_245] : memref<2x16x125xi32, #tpu.memory_space<vmem>> -> memref<1x1x125xi32, #tpu.memory_space<vmem>>
      %dma_wait3A_247 = tpu.memref_squeeze %dma_wait3A_246 : memref<1x1x125xi32, #tpu.memory_space<vmem>> -> memref<125xi32, #tpu.memory_space<vmem>>
      %dma_wait3A_248 = arith.constant 0 : i32
      %dma_wait3A_249 = arith.constant 0 : i32
      %dma_wait3A_250 = tpu.memref_slice %arg2[%dma_wait3A_248, %dma_wait3A_249] : memref<10000x128xf32, #tpu.memory_space<hbm>> -> memref<10000x128xf32, #tpu.memory_space<hbm>>
      tpu.wait_indirect_dma semaphore(%arg14 : memref<!tpu.dma_semaphore, #tpu.memory_space<semaphore_mem>>) src(%dma_wait3A_250 : memref<10000x128xf32, #tpu.memory_space<hbm>>) dst(%arg11 : memref<125x128xf32, #tpu.memory_space<vmem>>)
      %dma_start3A_251 = arith.constant 5 : i32
      %dma_start3A_252 = arith.constant 0 : i32
      %dma_start3A_253 = tpu.memref_slice %arg9[%rem3A_88, %dma_start3A_251, %dma_start3A_252] : memref<2x16x125xi32, #tpu.memory_space<vmem>> -> memref<1x1x125xi32, #tpu.memory_space<vmem>>
      %dma_start3A_254 = tpu.memref_squeeze %dma_start3A_253 : memref<1x1x125xi32, #tpu.memory_space<vmem>> -> memref<125xi32, #tpu.memory_space<vmem>>
      %dma_start3A_255 = arith.constant 0 : i32
      %dma_start3A_256 = arith.constant 0 : i32
      %dma_start3A_257 = tpu.memref_slice %arg7[%dma_start3A_255, %dma_start3A_256] : memref<10112x128xf32, #tpu.memory_space<vmem_shared>> -> memref<10112x128xf32, #tpu.memory_space<vmem_shared>>
      tpu.enqueue_indirect_dma source(%arg11 : memref<125x128xf32, #tpu.memory_space<vmem>>) target(%dma_start3A_257 : memref<10112x128xf32, #tpu.memory_space<vmem_shared>>) offsets(%dma_start3A_254 : memref<125xi32, #tpu.memory_space<vmem>>) semaphore(%arg16 : memref<!tpu.dma_semaphore, #tpu.memory_space<semaphore_mem>>) {add = true}
      %dma_wait3A_258 = arith.constant 0 : i32
      %dma_wait3A_259 = arith.constant 0 : i32
      %dma_wait3A_260 = arith.constant 0 : i32
      %dma_wait3A_261 = tpu.memref_slice %arg9[%dma_wait3A_258, %dma_wait3A_259, %dma_wait3A_260] : memref<2x16x125xi32, #tpu.memory_space<vmem>> -> memref<1x1x125xi32, #tpu.memory_space<vmem>>
      %dma_wait3A_262 = tpu.memref_squeeze %dma_wait3A_261 : memref<1x1x125xi32, #tpu.memory_space<vmem>> -> memref<125xi32, #tpu.memory_space<vmem>>
      %dma_wait3A_263 = arith.constant 0 : i32
      %dma_wait3A_264 = arith.constant 0 : i32
      %dma_wait3A_265 = tpu.memref_slice %arg7[%dma_wait3A_263, %dma_wait3A_264] : memref<10112x128xf32, #tpu.memory_space<vmem_shared>> -> memref<10112x128xf32, #tpu.memory_space<vmem_shared>>
      tpu.wait_indirect_dma semaphore(%arg16 : memref<!tpu.dma_semaphore, #tpu.memory_space<semaphore_mem>>) src(%arg11 : memref<125x128xf32, #tpu.memory_space<vmem>>) dst(%dma_wait3A_265 : memref<10112x128xf32, #tpu.memory_space<vmem_shared>>)
      %dma_start3A_266 = arith.constant 7 : i32
      %dma_start3A_267 = arith.constant 0 : i32
      %dma_start3A_268 = tpu.memref_slice %arg8[%rem3A_88, %dma_start3A_266, %dma_start3A_267] : memref<2x16x125xi32, #tpu.memory_space<vmem>> -> memref<1x1x125xi32, #tpu.memory_space<vmem>>
      %dma_start3A_269 = tpu.memref_squeeze %dma_start3A_268 : memref<1x1x125xi32, #tpu.memory_space<vmem>> -> memref<125xi32, #tpu.memory_space<vmem>>
      %dma_start3A_270 = arith.constant 0 : i32
      %dma_start3A_271 = arith.constant 0 : i32
      %dma_start3A_272 = tpu.memref_slice %arg2[%dma_start3A_270, %dma_start3A_271] : memref<10000x128xf32, #tpu.memory_space<hbm>> -> memref<10000x128xf32, #tpu.memory_space<hbm>>
      tpu.enqueue_indirect_dma source(%dma_start3A_272 : memref<10000x128xf32, #tpu.memory_space<hbm>>) target(%arg11 : memref<125x128xf32, #tpu.memory_space<vmem>>) offsets(%dma_start3A_269 : memref<125xi32, #tpu.memory_space<vmem>>) semaphore(%arg14 : memref<!tpu.dma_semaphore, #tpu.memory_space<semaphore_mem>>)
      %dma_wait3A_273 = arith.constant 0 : i32
      %dma_wait3A_274 = arith.constant 0 : i32
      %dma_wait3A_275 = arith.constant 0 : i32
      %dma_wait3A_276 = tpu.memref_slice %arg8[%dma_wait3A_273, %dma_wait3A_274, %dma_wait3A_275] : memref<2x16x125xi32, #tpu.memory_space<vmem>> -> memref<1x1x125xi32, #tpu.memory_space<vmem>>
      %dma_wait3A_277 = tpu.memref_squeeze %dma_wait3A_276 : memref<1x1x125xi32, #tpu.memory_space<vmem>> -> memref<125xi32, #tpu.memory_space<vmem>>
      %dma_wait3A_278 = arith.constant 0 : i32
      %dma_wait3A_279 = arith.constant 0 : i32
      %dma_wait3A_280 = tpu.memref_slice %arg2[%dma_wait3A_278, %dma_wait3A_279] : memref<10000x128xf32, #tpu.memory_space<hbm>> -> memref<10000x128xf32, #tpu.memory_space<hbm>>
      tpu.wait_indirect_dma semaphore(%arg13 : memref<!tpu.dma_semaphore, #tpu.memory_space<semaphore_mem>>) src(%dma_wait3A_280 : memref<10000x128xf32, #tpu.memory_space<hbm>>) dst(%arg10 : memref<125x128xf32, #tpu.memory_space<vmem>>)
      %dma_start3A_281 = arith.constant 6 : i32
      %dma_start3A_282 = arith.constant 0 : i32
      %dma_start3A_283 = tpu.memref_slice %arg9[%rem3A_88, %dma_start3A_281, %dma_start3A_282] : memref<2x16x125xi32, #tpu.memory_space<vmem>> -> memref<1x1x125xi32, #tpu.memory_space<vmem>>
      %dma_start3A_284 = tpu.memref_squeeze %dma_start3A_283 : memref<1x1x125xi32, #tpu.memory_space<vmem>> -> memref<125xi32, #tpu.memory_space<vmem>>
      %dma_start3A_285 = arith.constant 0 : i32
      %dma_start3A_286 = arith.constant 0 : i32
      %dma_start3A_287 = tpu.memref_slice %arg7[%dma_start3A_285, %dma_start3A_286] : memref<10112x128xf32, #tpu.memory_space<vmem_shared>> -> memref<10112x128xf32, #tpu.memory_space<vmem_shared>>
      tpu.enqueue_indirect_dma source(%arg10 : memref<125x128xf32, #tpu.memory_space<vmem>>) target(%dma_start3A_287 : memref<10112x128xf32, #tpu.memory_space<vmem_shared>>) offsets(%dma_start3A_284 : memref<125xi32, #tpu.memory_space<vmem>>) semaphore(%arg15 : memref<!tpu.dma_semaphore, #tpu.memory_space<semaphore_mem>>) {add = true}
      %dma_wait3A_288 = arith.constant 0 : i32
      %dma_wait3A_289 = arith.constant 0 : i32
      %dma_wait3A_290 = arith.constant 0 : i32
      %dma_wait3A_291 = tpu.memref_slice %arg9[%dma_wait3A_288, %dma_wait3A_289, %dma_wait3A_290] : memref<2x16x125xi32, #tpu.memory_space<vmem>> -> memref<1x1x125xi32, #tpu.memory_space<vmem>>
      %dma_wait3A_292 = tpu.memref_squeeze %dma_wait3A_291 : memref<1x1x125xi32, #tpu.memory_space<vmem>> -> memref<125xi32, #tpu.memory_space<vmem>>
      %dma_wait3A_293 = arith.constant 0 : i32
      %dma_wait3A_294 = arith.constant 0 : i32
      %dma_wait3A_295 = tpu.memref_slice %arg7[%dma_wait3A_293, %dma_wait3A_294] : memref<10112x128xf32, #tpu.memory_space<vmem_shared>> -> memref<10112x128xf32, #tpu.memory_space<vmem_shared>>
      tpu.wait_indirect_dma semaphore(%arg15 : memref<!tpu.dma_semaphore, #tpu.memory_space<semaphore_mem>>) src(%arg10 : memref<125x128xf32, #tpu.memory_space<vmem>>) dst(%dma_wait3A_295 : memref<10112x128xf32, #tpu.memory_space<vmem_shared>>)
      %dma_start3A_296 = arith.constant 8 : i32
      %dma_start3A_297 = arith.constant 0 : i32
      %dma_start3A_298 = tpu.memref_slice %arg8[%rem3A_88, %dma_start3A_296, %dma_start3A_297] : memref<2x16x125xi32, #tpu.memory_space<vmem>> -> memref<1x1x125xi32, #tpu.memory_space<vmem>>
      %dma_start3A_299 = tpu.memref_squeeze %dma_start3A_298 : memref<1x1x125xi32, #tpu.memory_space<vmem>> -> memref<125xi32, #tpu.memory_space<vmem>>
      %dma_start3A_300 = arith.constant 0 : i32
      %dma_start3A_301 = arith.constant 0 : i32
      %dma_start3A_302 = tpu.memref_slice %arg2[%dma_start3A_300, %dma_start3A_301] : memref<10000x128xf32, #tpu.memory_space<hbm>> -> memref<10000x128xf32, #tpu.memory_space<hbm>>
      tpu.enqueue_indirect_dma source(%dma_start3A_302 : memref<10000x128xf32, #tpu.memory_space<hbm>>) target(%arg10 : memref<125x128xf32, #tpu.memory_space<vmem>>) offsets(%dma_start3A_299 : memref<125xi32, #tpu.memory_space<vmem>>) semaphore(%arg13 : memref<!tpu.dma_semaphore, #tpu.memory_space<semaphore_mem>>)
      %dma_wait3A_303 = arith.constant 0 : i32
      %dma_wait3A_304 = arith.constant 0 : i32
      %dma_wait3A_305 = arith.constant 0 : i32
      %dma_wait3A_306 = tpu.memref_slice %arg8[%dma_wait3A_303, %dma_wait3A_304, %dma_wait3A_305] : memref<2x16x125xi32, #tpu.memory_space<vmem>> -> memref<1x1x125xi32, #tpu.memory_space<vmem>>
      %dma_wait3A_307 = tpu.memref_squeeze %dma_wait3A_306 : memref<1x1x125xi32, #tpu.memory_space<vmem>> -> memref<125xi32, #tpu.memory_space<vmem>>
      %dma_wait3A_308 = arith.constant 0 : i32
      %dma_wait3A_309 = arith.constant 0 : i32
      %dma_wait3A_310 = tpu.memref_slice %arg2[%dma_wait3A_308, %dma_wait3A_309] : memref<10000x128xf32, #tpu.memory_space<hbm>> -> memref<10000x128xf32, #tpu.memory_space<hbm>>
      tpu.wait_indirect_dma semaphore(%arg14 : memref<!tpu.dma_semaphore, #tpu.memory_space<semaphore_mem>>) src(%dma_wait3A_310 : memref<10000x128xf32, #tpu.memory_space<hbm>>) dst(%arg11 : memref<125x128xf32, #tpu.memory_space<vmem>>)
      %dma_start3A_311 = arith.constant 7 : i32
      %dma_start3A_312 = arith.constant 0 : i32
      %dma_start3A_313 = tpu.memref_slice %arg9[%rem3A_88, %dma_start3A_311, %dma_start3A_312] : memref<2x16x125xi32, #tpu.memory_space<vmem>> -> memref<1x1x125xi32, #tpu.memory_space<vmem>>
      %dma_start3A_314 = tpu.memref_squeeze %dma_start3A_313 : memref<1x1x125xi32, #tpu.memory_space<vmem>> -> memref<125xi32, #tpu.memory_space<vmem>>
      %dma_start3A_315 = arith.constant 0 : i32
      %dma_start3A_316 = arith.constant 0 : i32
      %dma_start3A_317 = tpu.memref_slice %arg7[%dma_start3A_315, %dma_start3A_316] : memref<10112x128xf32, #tpu.memory_space<vmem_shared>> -> memref<10112x128xf32, #tpu.memory_space<vmem_shared>>
      tpu.enqueue_indirect_dma source(%arg11 : memref<125x128xf32, #tpu.memory_space<vmem>>) target(%dma_start3A_317 : memref<10112x128xf32, #tpu.memory_space<vmem_shared>>) offsets(%dma_start3A_314 : memref<125xi32, #tpu.memory_space<vmem>>) semaphore(%arg16 : memref<!tpu.dma_semaphore, #tpu.memory_space<semaphore_mem>>) {add = true}
      %dma_wait3A_318 = arith.constant 0 : i32
      %dma_wait3A_319 = arith.constant 0 : i32
      %dma_wait3A_320 = arith.constant 0 : i32
      %dma_wait3A_321 = tpu.memref_slice %arg9[%dma_wait3A_318, %dma_wait3A_319, %dma_wait3A_320] : memref<2x16x125xi32, #tpu.memory_space<vmem>> -> memref<1x1x125xi32, #tpu.memory_space<vmem>>
      %dma_wait3A_322 = tpu.memref_squeeze %dma_wait3A_321 : memref<1x1x125xi32, #tpu.memory_space<vmem>> -> memref<125xi32, #tpu.memory_space<vmem>>
      %dma_wait3A_323 = arith.constant 0 : i32
      %dma_wait3A_324 = arith.constant 0 : i32
      %dma_wait3A_325 = tpu.memref_slice %arg7[%dma_wait3A_323, %dma_wait3A_324] : memref<10112x128xf32, #tpu.memory_space<vmem_shared>> -> memref<10112x128xf32, #tpu.memory_space<vmem_shared>>
      tpu.wait_indirect_dma semaphore(%arg16 : memref<!tpu.dma_semaphore, #tpu.memory_space<semaphore_mem>>) src(%arg11 : memref<125x128xf32, #tpu.memory_space<vmem>>) dst(%dma_wait3A_325 : memref<10112x128xf32, #tpu.memory_space<vmem_shared>>)
      %dma_start3A_326 = arith.constant 9 : i32
      %dma_start3A_327 = arith.constant 0 : i32
      %dma_start3A_328 = tpu.memref_slice %arg8[%rem3A_88, %dma_start3A_326, %dma_start3A_327] : memref<2x16x125xi32, #tpu.memory_space<vmem>> -> memref<1x1x125xi32, #tpu.memory_space<vmem>>
      %dma_start3A_329 = tpu.memref_squeeze %dma_start3A_328 : memref<1x1x125xi32, #tpu.memory_space<vmem>> -> memref<125xi32, #tpu.memory_space<vmem>>
      %dma_start3A_330 = arith.constant 0 : i32
      %dma_start3A_331 = arith.constant 0 : i32
      %dma_start3A_332 = tpu.memref_slice %arg2[%dma_start3A_330, %dma_start3A_331] : memref<10000x128xf32, #tpu.memory_space<hbm>> -> memref<10000x128xf32, #tpu.memory_space<hbm>>
      tpu.enqueue_indirect_dma source(%dma_start3A_332 : memref<10000x128xf32, #tpu.memory_space<hbm>>) target(%arg11 : memref<125x128xf32, #tpu.memory_space<vmem>>) offsets(%dma_start3A_329 : memref<125xi32, #tpu.memory_space<vmem>>) semaphore(%arg14 : memref<!tpu.dma_semaphore, #tpu.memory_space<semaphore_mem>>)
      %dma_wait3A_333 = arith.constant 0 : i32
      %dma_wait3A_334 = arith.constant 0 : i32
      %dma_wait3A_335 = arith.constant 0 : i32
      %dma_wait3A_336 = tpu.memref_slice %arg8[%dma_wait3A_333, %dma_wait3A_334, %dma_wait3A_335] : memref<2x16x125xi32, #tpu.memory_space<vmem>> -> memref<1x1x125xi32, #tpu.memory_space<vmem>>
      %dma_wait3A_337 = tpu.memref_squeeze %dma_wait3A_336 : memref<1x1x125xi32, #tpu.memory_space<vmem>> -> memref<125xi32, #tpu.memory_space<vmem>>
      %dma_wait3A_338 = arith.constant 0 : i32
      %dma_wait3A_339 = arith.constant 0 : i32
      %dma_wait3A_340 = tpu.memref_slice %arg2[%dma_wait3A_338, %dma_wait3A_339] : memref<10000x128xf32, #tpu.memory_space<hbm>> -> memref<10000x128xf32, #tpu.memory_space<hbm>>
      tpu.wait_indirect_dma semaphore(%arg13 : memref<!tpu.dma_semaphore, #tpu.memory_space<semaphore_mem>>) src(%dma_wait3A_340 : memref<10000x128xf32, #tpu.memory_space<hbm>>) dst(%arg10 : memref<125x128xf32, #tpu.memory_space<vmem>>)
      %dma_start3A_341 = arith.constant 8 : i32
      %dma_start3A_342 = arith.constant 0 : i32
      %dma_start3A_343 = tpu.memref_slice %arg9[%rem3A_88, %dma_start3A_341, %dma_start3A_342] : memref<2x16x125xi32, #tpu.memory_space<vmem>> -> memref<1x1x125xi32, #tpu.memory_space<vmem>>
      %dma_start3A_344 = tpu.memref_squeeze %dma_start3A_343 : memref<1x1x125xi32, #tpu.memory_space<vmem>> -> memref<125xi32, #tpu.memory_space<vmem>>
      %dma_start3A_345 = arith.constant 0 : i32
      %dma_start3A_346 = arith.constant 0 : i32
      %dma_start3A_347 = tpu.memref_slice %arg7[%dma_start3A_345, %dma_start3A_346] : memref<10112x128xf32, #tpu.memory_space<vmem_shared>> -> memref<10112x128xf32, #tpu.memory_space<vmem_shared>>
      tpu.enqueue_indirect_dma source(%arg10 : memref<125x128xf32, #tpu.memory_space<vmem>>) target(%dma_start3A_347 : memref<10112x128xf32, #tpu.memory_space<vmem_shared>>) offsets(%dma_start3A_344 : memref<125xi32, #tpu.memory_space<vmem>>) semaphore(%arg15 : memref<!tpu.dma_semaphore, #tpu.memory_space<semaphore_mem>>) {add = true}
      %dma_wait3A_348 = arith.constant 0 : i32
      %dma_wait3A_349 = arith.constant 0 : i32
      %dma_wait3A_350 = arith.constant 0 : i32
      %dma_wait3A_351 = tpu.memref_slice %arg9[%dma_wait3A_348, %dma_wait3A_349, %dma_wait3A_350] : memref<2x16x125xi32, #tpu.memory_space<vmem>> -> memref<1x1x125xi32, #tpu.memory_space<vmem>>
      %dma_wait3A_352 = tpu.memref_squeeze %dma_wait3A_351 : memref<1x1x125xi32, #tpu.memory_space<vmem>> -> memref<125xi32, #tpu.memory_space<vmem>>
      %dma_wait3A_353 = arith.constant 0 : i32
      %dma_wait3A_354 = arith.constant 0 : i32
      %dma_wait3A_355 = tpu.memref_slice %arg7[%dma_wait3A_353, %dma_wait3A_354] : memref<10112x128xf32, #tpu.memory_space<vmem_shared>> -> memref<10112x128xf32, #tpu.memory_space<vmem_shared>>
      tpu.wait_indirect_dma semaphore(%arg15 : memref<!tpu.dma_semaphore, #tpu.memory_space<semaphore_mem>>) src(%arg10 : memref<125x128xf32, #tpu.memory_space<vmem>>) dst(%dma_wait3A_355 : memref<10112x128xf32, #tpu.memory_space<vmem_shared>>)
      %dma_start3A_356 = arith.constant 10 : i32
      %dma_start3A_357 = arith.constant 0 : i32
      %dma_start3A_358 = tpu.memref_slice %arg8[%rem3A_88, %dma_start3A_356, %dma_start3A_357] : memref<2x16x125xi32, #tpu.memory_space<vmem>> -> memref<1x1x125xi32, #tpu.memory_space<vmem>>
      %dma_start3A_359 = tpu.memref_squeeze %dma_start3A_358 : memref<1x1x125xi32, #tpu.memory_space<vmem>> -> memref<125xi32, #tpu.memory_space<vmem>>
      %dma_start3A_360 = arith.constant 0 : i32
      %dma_start3A_361 = arith.constant 0 : i32
      %dma_start3A_362 = tpu.memref_slice %arg2[%dma_start3A_360, %dma_start3A_361] : memref<10000x128xf32, #tpu.memory_space<hbm>> -> memref<10000x128xf32, #tpu.memory_space<hbm>>
      tpu.enqueue_indirect_dma source(%dma_start3A_362 : memref<10000x128xf32, #tpu.memory_space<hbm>>) target(%arg10 : memref<125x128xf32, #tpu.memory_space<vmem>>) offsets(%dma_start3A_359 : memref<125xi32, #tpu.memory_space<vmem>>) semaphore(%arg13 : memref<!tpu.dma_semaphore, #tpu.memory_space<semaphore_mem>>)
      %dma_wait3A_363 = arith.constant 0 : i32
      %dma_wait3A_364 = arith.constant 0 : i32
      %dma_wait3A_365 = arith.constant 0 : i32
      %dma_wait3A_366 = tpu.memref_slice %arg8[%dma_wait3A_363, %dma_wait3A_364, %dma_wait3A_365] : memref<2x16x125xi32, #tpu.memory_space<vmem>> -> memref<1x1x125xi32, #tpu.memory_space<vmem>>
      %dma_wait3A_367 = tpu.memref_squeeze %dma_wait3A_366 : memref<1x1x125xi32, #tpu.memory_space<vmem>> -> memref<125xi32, #tpu.memory_space<vmem>>
      %dma_wait3A_368 = arith.constant 0 : i32
      %dma_wait3A_369 = arith.constant 0 : i32
      %dma_wait3A_370 = tpu.memref_slice %arg2[%dma_wait3A_368, %dma_wait3A_369] : memref<10000x128xf32, #tpu.memory_space<hbm>> -> memref<10000x128xf32, #tpu.memory_space<hbm>>
      tpu.wait_indirect_dma semaphore(%arg14 : memref<!tpu.dma_semaphore, #tpu.memory_space<semaphore_mem>>) src(%dma_wait3A_370 : memref<10000x128xf32, #tpu.memory_space<hbm>>) dst(%arg11 : memref<125x128xf32, #tpu.memory_space<vmem>>)
      %dma_start3A_371 = arith.constant 9 : i32
      %dma_start3A_372 = arith.constant 0 : i32
      %dma_start3A_373 = tpu.memref_slice %arg9[%rem3A_88, %dma_start3A_371, %dma_start3A_372] : memref<2x16x125xi32, #tpu.memory_space<vmem>> -> memref<1x1x125xi32, #tpu.memory_space<vmem>>
      %dma_start3A_374 = tpu.memref_squeeze %dma_start3A_373 : memref<1x1x125xi32, #tpu.memory_space<vmem>> -> memref<125xi32, #tpu.memory_space<vmem>>
      %dma_start3A_375 = arith.constant 0 : i32
      %dma_start3A_376 = arith.constant 0 : i32
      %dma_start3A_377 = tpu.memref_slice %arg7[%dma_start3A_375, %dma_start3A_376] : memref<10112x128xf32, #tpu.memory_space<vmem_shared>> -> memref<10112x128xf32, #tpu.memory_space<vmem_shared>>
      tpu.enqueue_indirect_dma source(%arg11 : memref<125x128xf32, #tpu.memory_space<vmem>>) target(%dma_start3A_377 : memref<10112x128xf32, #tpu.memory_space<vmem_shared>>) offsets(%dma_start3A_374 : memref<125xi32, #tpu.memory_space<vmem>>) semaphore(%arg16 : memref<!tpu.dma_semaphore, #tpu.memory_space<semaphore_mem>>) {add = true}
      %dma_wait3A_378 = arith.constant 0 : i32
      %dma_wait3A_379 = arith.constant 0 : i32
      %dma_wait3A_380 = arith.constant 0 : i32
      %dma_wait3A_381 = tpu.memref_slice %arg9[%dma_wait3A_378, %dma_wait3A_379, %dma_wait3A_380] : memref<2x16x125xi32, #tpu.memory_space<vmem>> -> memref<1x1x125xi32, #tpu.memory_space<vmem>>
      %dma_wait3A_382 = tpu.memref_squeeze %dma_wait3A_381 : memref<1x1x125xi32, #tpu.memory_space<vmem>> -> memref<125xi32, #tpu.memory_space<vmem>>
      %dma_wait3A_383 = arith.constant 0 : i32
      %dma_wait3A_384 = arith.constant 0 : i32
      %dma_wait3A_385 = tpu.memref_slice %arg7[%dma_wait3A_383, %dma_wait3A_384] : memref<10112x128xf32, #tpu.memory_space<vmem_shared>> -> memref<10112x128xf32, #tpu.memory_space<vmem_shared>>
      tpu.wait_indirect_dma semaphore(%arg16 : memref<!tpu.dma_semaphore, #tpu.memory_space<semaphore_mem>>) src(%arg11 : memref<125x128xf32, #tpu.memory_space<vmem>>) dst(%dma_wait3A_385 : memref<10112x128xf32, #tpu.memory_space<vmem_shared>>)
      %dma_start3A_386 = arith.constant 11 : i32
      %dma_start3A_387 = arith.constant 0 : i32
      %dma_start3A_388 = tpu.memref_slice %arg8[%rem3A_88, %dma_start3A_386, %dma_start3A_387] : memref<2x16x125xi32, #tpu.memory_space<vmem>> -> memref<1x1x125xi32, #tpu.memory_space<vmem>>
      %dma_start3A_389 = tpu.memref_squeeze %dma_start3A_388 : memref<1x1x125xi32, #tpu.memory_space<vmem>> -> memref<125xi32, #tpu.memory_space<vmem>>
      %dma_start3A_390 = arith.constant 0 : i32
      %dma_start3A_391 = arith.constant 0 : i32
      %dma_start3A_392 = tpu.memref_slice %arg2[%dma_start3A_390, %dma_start3A_391] : memref<10000x128xf32, #tpu.memory_space<hbm>> -> memref<10000x128xf32, #tpu.memory_space<hbm>>
      tpu.enqueue_indirect_dma source(%dma_start3A_392 : memref<10000x128xf32, #tpu.memory_space<hbm>>) target(%arg11 : memref<125x128xf32, #tpu.memory_space<vmem>>) offsets(%dma_start3A_389 : memref<125xi32, #tpu.memory_space<vmem>>) semaphore(%arg14 : memref<!tpu.dma_semaphore, #tpu.memory_space<semaphore_mem>>)
      %dma_wait3A_393 = arith.constant 0 : i32
      %dma_wait3A_394 = arith.constant 0 : i32
      %dma_wait3A_395 = arith.constant 0 : i32
      %dma_wait3A_396 = tpu.memref_slice %arg8[%dma_wait3A_393, %dma_wait3A_394, %dma_wait3A_395] : memref<2x16x125xi32, #tpu.memory_space<vmem>> -> memref<1x1x125xi32, #tpu.memory_space<vmem>>
      %dma_wait3A_397 = tpu.memref_squeeze %dma_wait3A_396 : memref<1x1x125xi32, #tpu.memory_space<vmem>> -> memref<125xi32, #tpu.memory_space<vmem>>
      %dma_wait3A_398 = arith.constant 0 : i32
      %dma_wait3A_399 = arith.constant 0 : i32
      %dma_wait3A_400 = tpu.memref_slice %arg2[%dma_wait3A_398, %dma_wait3A_399] : memref<10000x128xf32, #tpu.memory_space<hbm>> -> memref<10000x128xf32, #tpu.memory_space<hbm>>
      tpu.wait_indirect_dma semaphore(%arg13 : memref<!tpu.dma_semaphore, #tpu.memory_space<semaphore_mem>>) src(%dma_wait3A_400 : memref<10000x128xf32, #tpu.memory_space<hbm>>) dst(%arg10 : memref<125x128xf32, #tpu.memory_space<vmem>>)
      %dma_start3A_401 = arith.constant 10 : i32
      %dma_start3A_402 = arith.constant 0 : i32
      %dma_start3A_403 = tpu.memref_slice %arg9[%rem3A_88, %dma_start3A_401, %dma_start3A_402] : memref<2x16x125xi32, #tpu.memory_space<vmem>> -> memref<1x1x125xi32, #tpu.memory_space<vmem>>
      %dma_start3A_404 = tpu.memref_squeeze %dma_start3A_403 : memref<1x1x125xi32, #tpu.memory_space<vmem>> -> memref<125xi32, #tpu.memory_space<vmem>>
      %dma_start3A_405 = arith.constant 0 : i32
      %dma_start3A_406 = arith.constant 0 : i32
      %dma_start3A_407 = tpu.memref_slice %arg7[%dma_start3A_405, %dma_start3A_406] : memref<10112x128xf32, #tpu.memory_space<vmem_shared>> -> memref<10112x128xf32, #tpu.memory_space<vmem_shared>>
      tpu.enqueue_indirect_dma source(%arg10 : memref<125x128xf32, #tpu.memory_space<vmem>>) target(%dma_start3A_407 : memref<10112x128xf32, #tpu.memory_space<vmem_shared>>) offsets(%dma_start3A_404 : memref<125xi32, #tpu.memory_space<vmem>>) semaphore(%arg15 : memref<!tpu.dma_semaphore, #tpu.memory_space<semaphore_mem>>) {add = true}
      %dma_wait3A_408 = arith.constant 0 : i32
      %dma_wait3A_409 = arith.constant 0 : i32
      %dma_wait3A_410 = arith.constant 0 : i32
      %dma_wait3A_411 = tpu.memref_slice %arg9[%dma_wait3A_408, %dma_wait3A_409, %dma_wait3A_410] : memref<2x16x125xi32, #tpu.memory_space<vmem>> -> memref<1x1x125xi32, #tpu.memory_space<vmem>>
      %dma_wait3A_412 = tpu.memref_squeeze %dma_wait3A_411 : memref<1x1x125xi32, #tpu.memory_space<vmem>> -> memref<125xi32, #tpu.memory_space<vmem>>
      %dma_wait3A_413 = arith.constant 0 : i32
      %dma_wait3A_414 = arith.constant 0 : i32
      %dma_wait3A_415 = tpu.memref_slice %arg7[%dma_wait3A_413, %dma_wait3A_414] : memref<10112x128xf32, #tpu.memory_space<vmem_shared>> -> memref<10112x128xf32, #tpu.memory_space<vmem_shared>>
      tpu.wait_indirect_dma semaphore(%arg15 : memref<!tpu.dma_semaphore, #tpu.memory_space<semaphore_mem>>) src(%arg10 : memref<125x128xf32, #tpu.memory_space<vmem>>) dst(%dma_wait3A_415 : memref<10112x128xf32, #tpu.memory_space<vmem_shared>>)
      %dma_start3A_416 = arith.constant 12 : i32
      %dma_start3A_417 = arith.constant 0 : i32
      %dma_start3A_418 = tpu.memref_slice %arg8[%rem3A_88, %dma_start3A_416, %dma_start3A_417] : memref<2x16x125xi32, #tpu.memory_space<vmem>> -> memref<1x1x125xi32, #tpu.memory_space<vmem>>
      %dma_start3A_419 = tpu.memref_squeeze %dma_start3A_418 : memref<1x1x125xi32, #tpu.memory_space<vmem>> -> memref<125xi32, #tpu.memory_space<vmem>>
      %dma_start3A_420 = arith.constant 0 : i32
      %dma_start3A_421 = arith.constant 0 : i32
      %dma_start3A_422 = tpu.memref_slice %arg2[%dma_start3A_420, %dma_start3A_421] : memref<10000x128xf32, #tpu.memory_space<hbm>> -> memref<10000x128xf32, #tpu.memory_space<hbm>>
      tpu.enqueue_indirect_dma source(%dma_start3A_422 : memref<10000x128xf32, #tpu.memory_space<hbm>>) target(%arg10 : memref<125x128xf32, #tpu.memory_space<vmem>>) offsets(%dma_start3A_419 : memref<125xi32, #tpu.memory_space<vmem>>) semaphore(%arg13 : memref<!tpu.dma_semaphore, #tpu.memory_space<semaphore_mem>>)
      %dma_wait3A_423 = arith.constant 0 : i32
      %dma_wait3A_424 = arith.constant 0 : i32
      %dma_wait3A_425 = arith.constant 0 : i32
      %dma_wait3A_426 = tpu.memref_slice %arg8[%dma_wait3A_423, %dma_wait3A_424, %dma_wait3A_425] : memref<2x16x125xi32, #tpu.memory_space<vmem>> -> memref<1x1x125xi32, #tpu.memory_space<vmem>>
      %dma_wait3A_427 = tpu.memref_squeeze %dma_wait3A_426 : memref<1x1x125xi32, #tpu.memory_space<vmem>> -> memref<125xi32, #tpu.memory_space<vmem>>
      %dma_wait3A_428 = arith.constant 0 : i32
      %dma_wait3A_429 = arith.constant 0 : i32
      %dma_wait3A_430 = tpu.memref_slice %arg2[%dma_wait3A_428, %dma_wait3A_429] : memref<10000x128xf32, #tpu.memory_space<hbm>> -> memref<10000x128xf32, #tpu.memory_space<hbm>>
      tpu.wait_indirect_dma semaphore(%arg14 : memref<!tpu.dma_semaphore, #tpu.memory_space<semaphore_mem>>) src(%dma_wait3A_430 : memref<10000x128xf32, #tpu.memory_space<hbm>>) dst(%arg11 : memref<125x128xf32, #tpu.memory_space<vmem>>)
      %dma_start3A_431 = arith.constant 11 : i32
      %dma_start3A_432 = arith.constant 0 : i32
      %dma_start3A_433 = tpu.memref_slice %arg9[%rem3A_88, %dma_start3A_431, %dma_start3A_432] : memref<2x16x125xi32, #tpu.memory_space<vmem>> -> memref<1x1x125xi32, #tpu.memory_space<vmem>>
      %dma_start3A_434 = tpu.memref_squeeze %dma_start3A_433 : memref<1x1x125xi32, #tpu.memory_space<vmem>> -> memref<125xi32, #tpu.memory_space<vmem>>
      %dma_start3A_435 = arith.constant 0 : i32
      %dma_start3A_436 = arith.constant 0 : i32
      %dma_start3A_437 = tpu.memref_slice %arg7[%dma_start3A_435, %dma_start3A_436] : memref<10112x128xf32, #tpu.memory_space<vmem_shared>> -> memref<10112x128xf32, #tpu.memory_space<vmem_shared>>
      tpu.enqueue_indirect_dma source(%arg11 : memref<125x128xf32, #tpu.memory_space<vmem>>) target(%dma_start3A_437 : memref<10112x128xf32, #tpu.memory_space<vmem_shared>>) offsets(%dma_start3A_434 : memref<125xi32, #tpu.memory_space<vmem>>) semaphore(%arg16 : memref<!tpu.dma_semaphore, #tpu.memory_space<semaphore_mem>>) {add = true}
      %dma_wait3A_438 = arith.constant 0 : i32
      %dma_wait3A_439 = arith.constant 0 : i32
      %dma_wait3A_440 = arith.constant 0 : i32
      %dma_wait3A_441 = tpu.memref_slice %arg9[%dma_wait3A_438, %dma_wait3A_439, %dma_wait3A_440] : memref<2x16x125xi32, #tpu.memory_space<vmem>> -> memref<1x1x125xi32, #tpu.memory_space<vmem>>
      %dma_wait3A_442 = tpu.memref_squeeze %dma_wait3A_441 : memref<1x1x125xi32, #tpu.memory_space<vmem>> -> memref<125xi32, #tpu.memory_space<vmem>>
      %dma_wait3A_443 = arith.constant 0 : i32
      %dma_wait3A_444 = arith.constant 0 : i32
      %dma_wait3A_445 = tpu.memref_slice %arg7[%dma_wait3A_443, %dma_wait3A_444] : memref<10112x128xf32, #tpu.memory_space<vmem_shared>> -> memref<10112x128xf32, #tpu.memory_space<vmem_shared>>
      tpu.wait_indirect_dma semaphore(%arg16 : memref<!tpu.dma_semaphore, #tpu.memory_space<semaphore_mem>>) src(%arg11 : memref<125x128xf32, #tpu.memory_space<vmem>>) dst(%dma_wait3A_445 : memref<10112x128xf32, #tpu.memory_space<vmem_shared>>)
      %dma_start3A_446 = arith.constant 13 : i32
      %dma_start3A_447 = arith.constant 0 : i32
      %dma_start3A_448 = tpu.memref_slice %arg8[%rem3A_88, %dma_start3A_446, %dma_start3A_447] : memref<2x16x125xi32, #tpu.memory_space<vmem>> -> memref<1x1x125xi32, #tpu.memory_space<vmem>>
      %dma_start3A_449 = tpu.memref_squeeze %dma_start3A_448 : memref<1x1x125xi32, #tpu.memory_space<vmem>> -> memref<125xi32, #tpu.memory_space<vmem>>
      %dma_start3A_450 = arith.constant 0 : i32
      %dma_start3A_451 = arith.constant 0 : i32
      %dma_start3A_452 = tpu.memref_slice %arg2[%dma_start3A_450, %dma_start3A_451] : memref<10000x128xf32, #tpu.memory_space<hbm>> -> memref<10000x128xf32, #tpu.memory_space<hbm>>
      tpu.enqueue_indirect_dma source(%dma_start3A_452 : memref<10000x128xf32, #tpu.memory_space<hbm>>) target(%arg11 : memref<125x128xf32, #tpu.memory_space<vmem>>) offsets(%dma_start3A_449 : memref<125xi32, #tpu.memory_space<vmem>>) semaphore(%arg14 : memref<!tpu.dma_semaphore, #tpu.memory_space<semaphore_mem>>)
      %dma_wait3A_453 = arith.constant 0 : i32
      %dma_wait3A_454 = arith.constant 0 : i32
      %dma_wait3A_455 = arith.constant 0 : i32
      %dma_wait3A_456 = tpu.memref_slice %arg8[%dma_wait3A_453, %dma_wait3A_454, %dma_wait3A_455] : memref<2x16x125xi32, #tpu.memory_space<vmem>> -> memref<1x1x125xi32, #tpu.memory_space<vmem>>
      %dma_wait3A_457 = tpu.memref_squeeze %dma_wait3A_456 : memref<1x1x125xi32, #tpu.memory_space<vmem>> -> memref<125xi32, #tpu.memory_space<vmem>>
      %dma_wait3A_458 = arith.constant 0 : i32
      %dma_wait3A_459 = arith.constant 0 : i32
      %dma_wait3A_460 = tpu.memref_slice %arg2[%dma_wait3A_458, %dma_wait3A_459] : memref<10000x128xf32, #tpu.memory_space<hbm>> -> memref<10000x128xf32, #tpu.memory_space<hbm>>
      tpu.wait_indirect_dma semaphore(%arg13 : memref<!tpu.dma_semaphore, #tpu.memory_space<semaphore_mem>>) src(%dma_wait3A_460 : memref<10000x128xf32, #tpu.memory_space<hbm>>) dst(%arg10 : memref<125x128xf32, #tpu.memory_space<vmem>>)
      %dma_start3A_461 = arith.constant 12 : i32
      %dma_start3A_462 = arith.constant 0 : i32
      %dma_start3A_463 = tpu.memref_slice %arg9[%rem3A_88, %dma_start3A_461, %dma_start3A_462] : memref<2x16x125xi32, #tpu.memory_space<vmem>> -> memref<1x1x125xi32, #tpu.memory_space<vmem>>
      %dma_start3A_464 = tpu.memref_squeeze %dma_start3A_463 : memref<1x1x125xi32, #tpu.memory_space<vmem>> -> memref<125xi32, #tpu.memory_space<vmem>>
      %dma_start3A_465 = arith.constant 0 : i32
      %dma_start3A_466 = arith.constant 0 : i32
      %dma_start3A_467 = tpu.memref_slice %arg7[%dma_start3A_465, %dma_start3A_466] : memref<10112x128xf32, #tpu.memory_space<vmem_shared>> -> memref<10112x128xf32, #tpu.memory_space<vmem_shared>>
      tpu.enqueue_indirect_dma source(%arg10 : memref<125x128xf32, #tpu.memory_space<vmem>>) target(%dma_start3A_467 : memref<10112x128xf32, #tpu.memory_space<vmem_shared>>) offsets(%dma_start3A_464 : memref<125xi32, #tpu.memory_space<vmem>>) semaphore(%arg15 : memref<!tpu.dma_semaphore, #tpu.memory_space<semaphore_mem>>) {add = true}
      %dma_wait3A_468 = arith.constant 0 : i32
      %dma_wait3A_469 = arith.constant 0 : i32
      %dma_wait3A_470 = arith.constant 0 : i32
      %dma_wait3A_471 = tpu.memref_slice %arg9[%dma_wait3A_468, %dma_wait3A_469, %dma_wait3A_470] : memref<2x16x125xi32, #tpu.memory_space<vmem>> -> memref<1x1x125xi32, #tpu.memory_space<vmem>>
      %dma_wait3A_472 = tpu.memref_squeeze %dma_wait3A_471 : memref<1x1x125xi32, #tpu.memory_space<vmem>> -> memref<125xi32, #tpu.memory_space<vmem>>
      %dma_wait3A_473 = arith.constant 0 : i32
      %dma_wait3A_474 = arith.constant 0 : i32
      %dma_wait3A_475 = tpu.memref_slice %arg7[%dma_wait3A_473, %dma_wait3A_474] : memref<10112x128xf32, #tpu.memory_space<vmem_shared>> -> memref<10112x128xf32, #tpu.memory_space<vmem_shared>>
      tpu.wait_indirect_dma semaphore(%arg15 : memref<!tpu.dma_semaphore, #tpu.memory_space<semaphore_mem>>) src(%arg10 : memref<125x128xf32, #tpu.memory_space<vmem>>) dst(%dma_wait3A_475 : memref<10112x128xf32, #tpu.memory_space<vmem_shared>>)
      %dma_start3A_476 = arith.constant 14 : i32
      %dma_start3A_477 = arith.constant 0 : i32
      %dma_start3A_478 = tpu.memref_slice %arg8[%rem3A_88, %dma_start3A_476, %dma_start3A_477] : memref<2x16x125xi32, #tpu.memory_space<vmem>> -> memref<1x1x125xi32, #tpu.memory_space<vmem>>
      %dma_start3A_479 = tpu.memref_squeeze %dma_start3A_478 : memref<1x1x125xi32, #tpu.memory_space<vmem>> -> memref<125xi32, #tpu.memory_space<vmem>>
      %dma_start3A_480 = arith.constant 0 : i32
      %dma_start3A_481 = arith.constant 0 : i32
      %dma_start3A_482 = tpu.memref_slice %arg2[%dma_start3A_480, %dma_start3A_481] : memref<10000x128xf32, #tpu.memory_space<hbm>> -> memref<10000x128xf32, #tpu.memory_space<hbm>>
      tpu.enqueue_indirect_dma source(%dma_start3A_482 : memref<10000x128xf32, #tpu.memory_space<hbm>>) target(%arg10 : memref<125x128xf32, #tpu.memory_space<vmem>>) offsets(%dma_start3A_479 : memref<125xi32, #tpu.memory_space<vmem>>) semaphore(%arg13 : memref<!tpu.dma_semaphore, #tpu.memory_space<semaphore_mem>>)
      %dma_wait3A_483 = arith.constant 0 : i32
      %dma_wait3A_484 = arith.constant 0 : i32
      %dma_wait3A_485 = arith.constant 0 : i32
      %dma_wait3A_486 = tpu.memref_slice %arg8[%dma_wait3A_483, %dma_wait3A_484, %dma_wait3A_485] : memref<2x16x125xi32, #tpu.memory_space<vmem>> -> memref<1x1x125xi32, #tpu.memory_space<vmem>>
      %dma_wait3A_487 = tpu.memref_squeeze %dma_wait3A_486 : memref<1x1x125xi32, #tpu.memory_space<vmem>> -> memref<125xi32, #tpu.memory_space<vmem>>
      %dma_wait3A_488 = arith.constant 0 : i32
      %dma_wait3A_489 = arith.constant 0 : i32
      %dma_wait3A_490 = tpu.memref_slice %arg2[%dma_wait3A_488, %dma_wait3A_489] : memref<10000x128xf32, #tpu.memory_space<hbm>> -> memref<10000x128xf32, #tpu.memory_space<hbm>>
      tpu.wait_indirect_dma semaphore(%arg14 : memref<!tpu.dma_semaphore, #tpu.memory_space<semaphore_mem>>) src(%dma_wait3A_490 : memref<10000x128xf32, #tpu.memory_space<hbm>>) dst(%arg11 : memref<125x128xf32, #tpu.memory_space<vmem>>)
      %dma_start3A_491 = arith.constant 13 : i32
      %dma_start3A_492 = arith.constant 0 : i32
      %dma_start3A_493 = tpu.memref_slice %arg9[%rem3A_88, %dma_start3A_491, %dma_start3A_492] : memref<2x16x125xi32, #tpu.memory_space<vmem>> -> memref<1x1x125xi32, #tpu.memory_space<vmem>>
      %dma_start3A_494 = tpu.memref_squeeze %dma_start3A_493 : memref<1x1x125xi32, #tpu.memory_space<vmem>> -> memref<125xi32, #tpu.memory_space<vmem>>
      %dma_start3A_495 = arith.constant 0 : i32
      %dma_start3A_496 = arith.constant 0 : i32
      %dma_start3A_497 = tpu.memref_slice %arg7[%dma_start3A_495, %dma_start3A_496] : memref<10112x128xf32, #tpu.memory_space<vmem_shared>> -> memref<10112x128xf32, #tpu.memory_space<vmem_shared>>
      tpu.enqueue_indirect_dma source(%arg11 : memref<125x128xf32, #tpu.memory_space<vmem>>) target(%dma_start3A_497 : memref<10112x128xf32, #tpu.memory_space<vmem_shared>>) offsets(%dma_start3A_494 : memref<125xi32, #tpu.memory_space<vmem>>) semaphore(%arg16 : memref<!tpu.dma_semaphore, #tpu.memory_space<semaphore_mem>>) {add = true}
      %dma_wait3A_498 = arith.constant 0 : i32
      %dma_wait3A_499 = arith.constant 0 : i32
      %dma_wait3A_500 = arith.constant 0 : i32
      %dma_wait3A_501 = tpu.memref_slice %arg9[%dma_wait3A_498, %dma_wait3A_499, %dma_wait3A_500] : memref<2x16x125xi32, #tpu.memory_space<vmem>> -> memref<1x1x125xi32, #tpu.memory_space<vmem>>
      %dma_wait3A_502 = tpu.memref_squeeze %dma_wait3A_501 : memref<1x1x125xi32, #tpu.memory_space<vmem>> -> memref<125xi32, #tpu.memory_space<vmem>>
      %dma_wait3A_503 = arith.constant 0 : i32
      %dma_wait3A_504 = arith.constant 0 : i32
      %dma_wait3A_505 = tpu.memref_slice %arg7[%dma_wait3A_503, %dma_wait3A_504] : memref<10112x128xf32, #tpu.memory_space<vmem_shared>> -> memref<10112x128xf32, #tpu.memory_space<vmem_shared>>
      tpu.wait_indirect_dma semaphore(%arg16 : memref<!tpu.dma_semaphore, #tpu.memory_space<semaphore_mem>>) src(%arg11 : memref<125x128xf32, #tpu.memory_space<vmem>>) dst(%dma_wait3A_505 : memref<10112x128xf32, #tpu.memory_space<vmem_shared>>)
      %dma_start3A_506 = arith.constant 15 : i32
      %dma_start3A_507 = arith.constant 0 : i32
      %dma_start3A_508 = tpu.memref_slice %arg8[%rem3A_88, %dma_start3A_506, %dma_start3A_507] : memref<2x16x125xi32, #tpu.memory_space<vmem>> -> memref<1x1x125xi32, #tpu.memory_space<vmem>>
      %dma_start3A_509 = tpu.memref_squeeze %dma_start3A_508 : memref<1x1x125xi32, #tpu.memory_space<vmem>> -> memref<125xi32, #tpu.memory_space<vmem>>
      %dma_start3A_510 = arith.constant 0 : i32
      %dma_start3A_511 = arith.constant 0 : i32
      %dma_start3A_512 = tpu.memref_slice %arg2[%dma_start3A_510, %dma_start3A_511] : memref<10000x128xf32, #tpu.memory_space<hbm>> -> memref<10000x128xf32, #tpu.memory_space<hbm>>
      tpu.enqueue_indirect_dma source(%dma_start3A_512 : memref<10000x128xf32, #tpu.memory_space<hbm>>) target(%arg11 : memref<125x128xf32, #tpu.memory_space<vmem>>) offsets(%dma_start3A_509 : memref<125xi32, #tpu.memory_space<vmem>>) semaphore(%arg14 : memref<!tpu.dma_semaphore, #tpu.memory_space<semaphore_mem>>)
      %dma_wait3A_513 = arith.constant 0 : i32
      %dma_wait3A_514 = arith.constant 0 : i32
      %dma_wait3A_515 = arith.constant 0 : i32
      %dma_wait3A_516 = tpu.memref_slice %arg8[%dma_wait3A_513, %dma_wait3A_514, %dma_wait3A_515] : memref<2x16x125xi32, #tpu.memory_space<vmem>> -> memref<1x1x125xi32, #tpu.memory_space<vmem>>
      %dma_wait3A_517 = tpu.memref_squeeze %dma_wait3A_516 : memref<1x1x125xi32, #tpu.memory_space<vmem>> -> memref<125xi32, #tpu.memory_space<vmem>>
      %dma_wait3A_518 = arith.constant 0 : i32
      %dma_wait3A_519 = arith.constant 0 : i32
      %dma_wait3A_520 = tpu.memref_slice %arg2[%dma_wait3A_518, %dma_wait3A_519] : memref<10000x128xf32, #tpu.memory_space<hbm>> -> memref<10000x128xf32, #tpu.memory_space<hbm>>
      tpu.wait_indirect_dma semaphore(%arg13 : memref<!tpu.dma_semaphore, #tpu.memory_space<semaphore_mem>>) src(%dma_wait3A_520 : memref<10000x128xf32, #tpu.memory_space<hbm>>) dst(%arg10 : memref<125x128xf32, #tpu.memory_space<vmem>>)
      %dma_start3A_521 = arith.constant 14 : i32
      %dma_start3A_522 = arith.constant 0 : i32
      %dma_start3A_523 = tpu.memref_slice %arg9[%rem3A_88, %dma_start3A_521, %dma_start3A_522] : memref<2x16x125xi32, #tpu.memory_space<vmem>> -> memref<1x1x125xi32, #tpu.memory_space<vmem>>
      %dma_start3A_524 = tpu.memref_squeeze %dma_start3A_523 : memref<1x1x125xi32, #tpu.memory_space<vmem>> -> memref<125xi32, #tpu.memory_space<vmem>>
      %dma_start3A_525 = arith.constant 0 : i32
      %dma_start3A_526 = arith.constant 0 : i32
      %dma_start3A_527 = tpu.memref_slice %arg7[%dma_start3A_525, %dma_start3A_526] : memref<10112x128xf32, #tpu.memory_space<vmem_shared>> -> memref<10112x128xf32, #tpu.memory_space<vmem_shared>>
      tpu.enqueue_indirect_dma source(%arg10 : memref<125x128xf32, #tpu.memory_space<vmem>>) target(%dma_start3A_527 : memref<10112x128xf32, #tpu.memory_space<vmem_shared>>) offsets(%dma_start3A_524 : memref<125xi32, #tpu.memory_space<vmem>>) semaphore(%arg15 : memref<!tpu.dma_semaphore, #tpu.memory_space<semaphore_mem>>) {add = true}
      %dma_wait3A_528 = arith.constant 0 : i32
      %dma_wait3A_529 = arith.constant 0 : i32
      %dma_wait3A_530 = arith.constant 0 : i32
      %dma_wait3A_531 = tpu.memref_slice %arg8[%dma_wait3A_528, %dma_wait3A_529, %dma_wait3A_530] : memref<2x16x125xi32, #tpu.memory_space<vmem>> -> memref<1x1x125xi32, #tpu.memory_space<vmem>>
      %dma_wait3A_532 = tpu.memref_squeeze %dma_wait3A_531 : memref<1x1x125xi32, #tpu.memory_space<vmem>> -> memref<125xi32, #tpu.memory_space<vmem>>
      %dma_wait3A_533 = arith.constant 0 : i32
      %dma_wait3A_534 = arith.constant 0 : i32
      %dma_wait3A_535 = tpu.memref_slice %arg2[%dma_wait3A_533, %dma_wait3A_534] : memref<10000x128xf32, #tpu.memory_space<hbm>> -> memref<10000x128xf32, #tpu.memory_space<hbm>>
      tpu.wait_indirect_dma semaphore(%arg14 : memref<!tpu.dma_semaphore, #tpu.memory_space<semaphore_mem>>) src(%dma_wait3A_535 : memref<10000x128xf32, #tpu.memory_space<hbm>>) dst(%arg11 : memref<125x128xf32, #tpu.memory_space<vmem>>)
      %dma_start3A_536 = arith.constant 15 : i32
      %dma_start3A_537 = arith.constant 0 : i32
      %dma_start3A_538 = tpu.memref_slice %arg9[%rem3A_88, %dma_start3A_536, %dma_start3A_537] : memref<2x16x125xi32, #tpu.memory_space<vmem>> -> memref<1x1x125xi32, #tpu.memory_space<vmem>>
      %dma_start3A_539 = tpu.memref_squeeze %dma_start3A_538 : memref<1x1x125xi32, #tpu.memory_space<vmem>> -> memref<125xi32, #tpu.memory_space<vmem>>
      %dma_start3A_540 = arith.constant 0 : i32
      %dma_start3A_541 = arith.constant 0 : i32
      %dma_start3A_542 = tpu.memref_slice %arg7[%dma_start3A_540, %dma_start3A_541] : memref<10112x128xf32, #tpu.memory_space<vmem_shared>> -> memref<10112x128xf32, #tpu.memory_space<vmem_shared>>
      tpu.enqueue_indirect_dma source(%arg11 : memref<125x128xf32, #tpu.memory_space<vmem>>) target(%dma_start3A_542 : memref<10112x128xf32, #tpu.memory_space<vmem_shared>>) offsets(%dma_start3A_539 : memref<125xi32, #tpu.memory_space<vmem>>) semaphore(%arg16 : memref<!tpu.dma_semaphore, #tpu.memory_space<semaphore_mem>>) {add = true}
      %add3A_543 = arith.constant 1 : i32
      %add3A_544 = arith.addi %scan3A_87, %add3A_543 : i32
      %lt3A_545 = arith.constant 5 : i32
      %lt3A_546 = arith.cmpi slt, %add3A_544, %lt3A_545 : i32
      %convert_element_type3A_547 = arith.extui %lt3A_546 : i1 to i32
      %cond3A_548 = arith.constant 0 : i32
      %cond3A_549 = arith.cmpi ne, %convert_element_type3A_547, %cond3A_548 : i32
      scf.if %cond3A_549 {
        %sub3A = arith.constant 1 : i32
        %sub3A_556 = arith.subi %sub3A, %rem3A_88 : i32
        %dma_wait3A_557 = arith.constant 0 : i32
        %dma_wait3A_558 = arith.constant 0 : i32
        %dma_wait3A_559 = tpu.memref_slice %arg8[%sub3A_556, %dma_wait3A_557, %dma_wait3A_558] : memref<2x16x125xi32, #tpu.memory_space<vmem>> -> memref<1x16x125xi32, #tpu.memory_space<vmem>>
        %dma_wait3A_560 = tpu.memref_squeeze %dma_wait3A_559 : memref<1x16x125xi32, #tpu.memory_space<vmem>> -> memref<16x125xi32, #tpu.memory_space<vmem>>
        %dma_wait3A_561 = arith.constant 0 : i32
        %dma_wait3A_562 = arith.constant 0 : i32
        %dma_wait3A_563 = tpu.memref_slice %arg3[%dma_wait3A_561, %dma_wait3A_562] : memref<2560x125xi32, #tpu.memory_space<hbm>> -> memref<16x125xi32, #tpu.memory_space<hbm>>
        %dma_wait3A_564 = arith.constant 0 : i32
        %dma_wait3A_565 = arith.constant 0 : i32
        %dma_wait3A_566 = tpu.memref_slice %arg8[%sub3A_556, %dma_wait3A_564, %dma_wait3A_565] : memref<2x16x125xi32, #tpu.memory_space<vmem>> -> memref<1x16x125xi32, #tpu.memory_space<vmem>>
        %dma_wait3A_567 = tpu.memref_squeeze %dma_wait3A_566 : memref<1x16x125xi32, #tpu.memory_space<vmem>> -> memref<16x125xi32, #tpu.memory_space<vmem>>
        %dma_wait3A_568 = arith.constant 0 : i32
        %dma_wait3A_569 = arith.constant 0 : i32
        %dma_wait3A_570 = tpu.memref_slice %arg3[%dma_wait3A_568, %dma_wait3A_569] : memref<2560x125xi32, #tpu.memory_space<hbm>> -> memref<16x125xi32, #tpu.memory_space<hbm>>
        tpu.wait_dma2 semaphore(%arg12 : memref<!tpu.dma_semaphore, #tpu.memory_space<semaphore_mem>>) src(%dma_wait3A_570 : memref<16x125xi32, #tpu.memory_space<hbm>>) dst(%dma_wait3A_567 : memref<16x125xi32, #tpu.memory_space<vmem>>)
        %dma_wait3A_571 = arith.constant 0 : i32
        %dma_wait3A_572 = arith.constant 0 : i32
        %dma_wait3A_573 = tpu.memref_slice %arg9[%sub3A_556, %dma_wait3A_571, %dma_wait3A_572] : memref<2x16x125xi32, #tpu.memory_space<vmem>> -> memref<1x16x125xi32, #tpu.memory_space<vmem>>
        %dma_wait3A_574 = tpu.memref_squeeze %dma_wait3A_573 : memref<1x16x125xi32, #tpu.memory_space<vmem>> -> memref<16x125xi32, #tpu.memory_space<vmem>>
        %dma_wait3A_575 = arith.constant 0 : i32
        %dma_wait3A_576 = arith.constant 0 : i32
        %dma_wait3A_577 = tpu.memref_slice %arg4[%dma_wait3A_575, %dma_wait3A_576] : memref<2560x125xi32, #tpu.memory_space<hbm>> -> memref<16x125xi32, #tpu.memory_space<hbm>>
        %dma_wait3A_578 = arith.constant 0 : i32
        %dma_wait3A_579 = arith.constant 0 : i32
        %dma_wait3A_580 = tpu.memref_slice %arg9[%sub3A_556, %dma_wait3A_578, %dma_wait3A_579] : memref<2x16x125xi32, #tpu.memory_space<vmem>> -> memref<1x16x125xi32, #tpu.memory_space<vmem>>
        %dma_wait3A_581 = tpu.memref_squeeze %dma_wait3A_580 : memref<1x16x125xi32, #tpu.memory_space<vmem>> -> memref<16x125xi32, #tpu.memory_space<vmem>>
        %dma_wait3A_582 = arith.constant 0 : i32
        %dma_wait3A_583 = arith.constant 0 : i32
        %dma_wait3A_584 = tpu.memref_slice %arg4[%dma_wait3A_582, %dma_wait3A_583] : memref<2560x125xi32, #tpu.memory_space<hbm>> -> memref<16x125xi32, #tpu.memory_space<hbm>>
        tpu.wait_dma2 semaphore(%arg12 : memref<!tpu.dma_semaphore, #tpu.memory_space<semaphore_mem>>) src(%dma_wait3A_584 : memref<16x125xi32, #tpu.memory_space<hbm>>) dst(%dma_wait3A_581 : memref<16x125xi32, #tpu.memory_space<vmem>>)
        %dma_wait3A_585 = arith.constant 0 : i32
        %dma_wait3A_586 = arith.constant 0 : i32
        %dma_wait3A_587 = arith.constant 0 : i32
        %dma_wait3A_588 = tpu.memref_slice %arg9[%dma_wait3A_585, %dma_wait3A_586, %dma_wait3A_587] : memref<2x16x125xi32, #tpu.memory_space<vmem>> -> memref<1x1x125xi32, #tpu.memory_space<vmem>>
        %dma_wait3A_589 = tpu.memref_squeeze %dma_wait3A_588 : memref<1x1x125xi32, #tpu.memory_space<vmem>> -> memref<125xi32, #tpu.memory_space<vmem>>
        %dma_wait3A_590 = arith.constant 0 : i32
        %dma_wait3A_591 = arith.constant 0 : i32
        %dma_wait3A_592 = tpu.memref_slice %arg7[%dma_wait3A_590, %dma_wait3A_591] : memref<10112x128xf32, #tpu.memory_space<vmem_shared>> -> memref<10112x128xf32, #tpu.memory_space<vmem_shared>>
        tpu.wait_indirect_dma semaphore(%arg15 : memref<!tpu.dma_semaphore, #tpu.memory_space<semaphore_mem>>) src(%arg10 : memref<125x128xf32, #tpu.memory_space<vmem>>) dst(%dma_wait3A_592 : memref<10112x128xf32, #tpu.memory_space<vmem_shared>>)
        %sub3A_593 = arith.constant 1 : i32
        %sub3A_594 = arith.subi %sub3A_593, %rem3A_88 : i32
        %dma_start3A_595 = arith.constant 0 : i32
        %dma_start3A_596 = arith.constant 0 : i32
        %dma_start3A_597 = tpu.memref_slice %arg8[%sub3A_594, %dma_start3A_595, %dma_start3A_596] : memref<2x16x125xi32, #tpu.memory_space<vmem>> -> memref<1x1x125xi32, #tpu.memory_space<vmem>>
        %dma_start3A_598 = tpu.memref_squeeze %dma_start3A_597 : memref<1x1x125xi32, #tpu.memory_space<vmem>> -> memref<125xi32, #tpu.memory_space<vmem>>
        %dma_start3A_599 = arith.constant 0 : i32
        %dma_start3A_600 = arith.constant 0 : i32
        %dma_start3A_601 = tpu.memref_slice %arg2[%dma_start3A_599, %dma_start3A_600] : memref<10000x128xf32, #tpu.memory_space<hbm>> -> memref<10000x128xf32, #tpu.memory_space<hbm>>
        tpu.enqueue_indirect_dma source(%dma_start3A_601 : memref<10000x128xf32, #tpu.memory_space<hbm>>) target(%arg10 : memref<125x128xf32, #tpu.memory_space<vmem>>) offsets(%dma_start3A_598 : memref<125xi32, #tpu.memory_space<vmem>>) semaphore(%arg13 : memref<!tpu.dma_semaphore, #tpu.memory_space<semaphore_mem>>)
        %dma_wait3A_602 = arith.constant 0 : i32
        %dma_wait3A_603 = arith.constant 0 : i32
        %dma_wait3A_604 = arith.constant 0 : i32
        %dma_wait3A_605 = tpu.memref_slice %arg9[%dma_wait3A_602, %dma_wait3A_603, %dma_wait3A_604] : memref<2x16x125xi32, #tpu.memory_space<vmem>> -> memref<1x1x125xi32, #tpu.memory_space<vmem>>
        %dma_wait3A_606 = tpu.memref_squeeze %dma_wait3A_605 : memref<1x1x125xi32, #tpu.memory_space<vmem>> -> memref<125xi32, #tpu.memory_space<vmem>>
        %dma_wait3A_607 = arith.constant 0 : i32
        %dma_wait3A_608 = arith.constant 0 : i32
        %dma_wait3A_609 = tpu.memref_slice %arg7[%dma_wait3A_607, %dma_wait3A_608] : memref<10112x128xf32, #tpu.memory_space<vmem_shared>> -> memref<10112x128xf32, #tpu.memory_space<vmem_shared>>
        tpu.wait_indirect_dma semaphore(%arg16 : memref<!tpu.dma_semaphore, #tpu.memory_space<semaphore_mem>>) src(%arg11 : memref<125x128xf32, #tpu.memory_space<vmem>>) dst(%dma_wait3A_609 : memref<10112x128xf32, #tpu.memory_space<vmem_shared>>)
        %sub3A_610 = arith.constant 1 : i32
        %sub3A_611 = arith.subi %sub3A_610, %rem3A_88 : i32
        %dma_start3A_612 = arith.constant 1 : i32
        %dma_start3A_613 = arith.constant 0 : i32
        %dma_start3A_614 = tpu.memref_slice %arg8[%sub3A_611, %dma_start3A_612, %dma_start3A_613] : memref<2x16x125xi32, #tpu.memory_space<vmem>> -> memref<1x1x125xi32, #tpu.memory_space<vmem>>
        %dma_start3A_615 = tpu.memref_squeeze %dma_start3A_614 : memref<1x1x125xi32, #tpu.memory_space<vmem>> -> memref<125xi32, #tpu.memory_space<vmem>>
        %dma_start3A_616 = arith.constant 0 : i32
        %dma_start3A_617 = arith.constant 0 : i32
        %dma_start3A_618 = tpu.memref_slice %arg2[%dma_start3A_616, %dma_start3A_617] : memref<10000x128xf32, #tpu.memory_space<hbm>> -> memref<10000x128xf32, #tpu.memory_space<hbm>>
        tpu.enqueue_indirect_dma source(%dma_start3A_618 : memref<10000x128xf32, #tpu.memory_space<hbm>>) target(%arg11 : memref<125x128xf32, #tpu.memory_space<vmem>>) offsets(%dma_start3A_615 : memref<125xi32, #tpu.memory_space<vmem>>) semaphore(%arg14 : memref<!tpu.dma_semaphore, #tpu.memory_space<semaphore_mem>>)
      } else {
      }
      %add3A_550 = arith.constant 1 : i32
      %add3A_551 = arith.addi %scan3A_87, %add3A_550 : i32
      %ge3A = arith.constant 5 : i32
      %ge3A_552 = arith.cmpi sge, %add3A_551, %ge3A : i32
      %convert_element_type3A_553 = arith.extui %ge3A_552 : i1 to i32
      %cond3A_554 = arith.constant 0 : i32
      %cond3A_555 = arith.cmpi ne, %convert_element_type3A_553, %cond3A_554 : i32
      scf.if %cond3A_555 {
        %dma_wait3A_556 = arith.constant 0 : i32
        %dma_wait3A_557 = arith.constant 0 : i32
        %dma_wait3A_558 = arith.constant 0 : i32
        %dma_wait3A_559 = tpu.memref_slice %arg9[%dma_wait3A_556, %dma_wait3A_557, %dma_wait3A_558] : memref<2x16x125xi32, #tpu.memory_space<vmem>> -> memref<1x1x125xi32, #tpu.memory_space<vmem>>
        %dma_wait3A_560 = tpu.memref_squeeze %dma_wait3A_559 : memref<1x1x125xi32, #tpu.memory_space<vmem>> -> memref<125xi32, #tpu.memory_space<vmem>>
        %dma_wait3A_561 = arith.constant 0 : i32
        %dma_wait3A_562 = arith.constant 0 : i32
        %dma_wait3A_563 = tpu.memref_slice %arg7[%dma_wait3A_561, %dma_wait3A_562] : memref<10112x128xf32, #tpu.memory_space<vmem_shared>> -> memref<10112x128xf32, #tpu.memory_space<vmem_shared>>
        tpu.wait_indirect_dma semaphore(%arg15 : memref<!tpu.dma_semaphore, #tpu.memory_space<semaphore_mem>>) src(%arg10 : memref<125x128xf32, #tpu.memory_space<vmem>>) dst(%dma_wait3A_563 : memref<10112x128xf32, #tpu.memory_space<vmem_shared>>)
        %dma_wait3A_564 = arith.constant 0 : i32
        %dma_wait3A_565 = arith.constant 0 : i32
        %dma_wait3A_566 = arith.constant 0 : i32
        %dma_wait3A_567 = tpu.memref_slice %arg9[%dma_wait3A_564, %dma_wait3A_565, %dma_wait3A_566] : memref<2x16x125xi32, #tpu.memory_space<vmem>> -> memref<1x1x125xi32, #tpu.memory_space<vmem>>
        %dma_wait3A_568 = tpu.memref_squeeze %dma_wait3A_567 : memref<1x1x125xi32, #tpu.memory_space<vmem>> -> memref<125xi32, #tpu.memory_space<vmem>>
        %dma_wait3A_569 = arith.constant 0 : i32
        %dma_wait3A_570 = arith.constant 0 : i32
        %dma_wait3A_571 = tpu.memref_slice %arg7[%dma_wait3A_569, %dma_wait3A_570] : memref<10112x128xf32, #tpu.memory_space<vmem_shared>> -> memref<10112x128xf32, #tpu.memory_space<vmem_shared>>
        tpu.wait_indirect_dma semaphore(%arg16 : memref<!tpu.dma_semaphore, #tpu.memory_space<semaphore_mem>>) src(%arg11 : memref<125x128xf32, #tpu.memory_space<vmem>>) dst(%dma_wait3A_571 : memref<10112x128xf32, #tpu.memory_space<vmem_shared>>)
      } else {
      }
    }
    %scan3A_81 = arith.constant 5 : i32
    %barrier3A_82 = arith.constant 0 : index
    tpu.barrier barrier_id(%barrier3A_82)
    %mul3A_83 = arith.constant 632 : i32
    %mul3A_84 = arith.muli %arg1, %mul3A_83 : i32
    %mul3A_85 = arith.constant 632 : i32
    %mul3A_86 = arith.muli %arg1, %mul3A_85 : i32
    "tpu.region"() ({
      %run_scoped3A = tpu.sem_alloc : memref<!tpu.dma_semaphore, #tpu.memory_space<semaphore_mem>>
      %dma_start3A_87 = arith.constant 0 : i32
      %dma_start3A_88 = tpu.memref_slice %arg6[%arg0, %mul3A_86, %dma_start3A_87] : memref<2x10112x128xf32, #tpu.memory_space<hbm>> -> memref<1x632x128xf32, #tpu.memory_space<hbm>>
      %dma_start3A_89 = tpu.memref_squeeze %dma_start3A_88 : memref<1x632x128xf32, #tpu.memory_space<hbm>> -> memref<632x128xf32, #tpu.memory_space<hbm>>
      %dma_start3A_90 = arith.constant 0 : i32
      %dma_start3A_91 = tpu.memref_slice %arg7[%mul3A_84, %dma_start3A_90] : memref<10112x128xf32, #tpu.memory_space<vmem_shared>> -> memref<632x128xf32, #tpu.memory_space<vmem_shared>>
      tpu.enqueue_dma source(%dma_start3A_91 : memref<632x128xf32, #tpu.memory_space<vmem_shared>>) target(%dma_start3A_89 : memref<632x128xf32, #tpu.memory_space<hbm>>) target_semaphore(%run_scoped3A : memref<!tpu.dma_semaphore, #tpu.memory_space<semaphore_mem>>)
      %dma_wait3A_92 = arith.constant 0 : i32
      %dma_wait3A_93 = tpu.memref_slice %arg6[%arg0, %mul3A_86, %dma_wait3A_92] : memref<2x10112x128xf32, #tpu.memory_space<hbm>> -> memref<1x632x128xf32, #tpu.memory_space<hbm>>
      %dma_wait3A_94 = tpu.memref_squeeze %dma_wait3A_93 : memref<1x632x128xf32, #tpu.memory_space<hbm>> -> memref<632x128xf32, #tpu.memory_space<hbm>>
      %dma_wait3A_95 = arith.constant 0 : i32
      %dma_wait3A_96 = tpu.memref_slice %arg7[%mul3A_84, %dma_wait3A_95] : memref<10112x128xf32, #tpu.memory_space<vmem_shared>> -> memref<632x128xf32, #tpu.memory_space<vmem_shared>>
      tpu.wait_dma2 semaphore(%run_scoped3A : memref<!tpu.dma_semaphore, #tpu.memory_space<semaphore_mem>>) src(%dma_wait3A_96 : memref<632x128xf32, #tpu.memory_space<vmem_shared>>) dst(%dma_wait3A_94 : memref<632x128xf32, #tpu.memory_space<hbm>>)
      tpu.yield
    }) : () -> ()
    return
  }
}

module attributes {stable_mosaic.version = 14 : i64} {
  func.func @_tc_layer_body(%arg0: i32, %arg1: memref<1000x128xf32, #tpu.memory_space<vmem>>, %arg2: memref<2x1000x128xf32, #tpu.memory_space<vmem>>, %arg3: memref<128x128xf32, #tpu.memory_space<vmem>>, %arg4: memref<1x128xf32, #tpu.memory_space<vmem>>, %arg5: memref<1000x128xf32, #tpu.memory_space<vmem>>) attributes {dimension_semantics = [#tpu.dimension_semantics<arbitrary>], iteration_bounds = array<i64: 10>, scalar_prefetch = 0 : i64, scratch_operands = 0 : i64, tpu.core_type = #tpu.core_type<tc>, window_params = [{transform_indices = @transform_0, window_bounds = array<i64: 1000, 128>}, {transform_indices = @transform_1, window_bounds = array<i64: 2, 1000, 128>}, {pipeline_mode = #tpu.pipeline_mode<synchronous>, transform_indices = @transform_2, window_bounds = array<i64: 128, 128>}, {pipeline_mode = #tpu.pipeline_mode<synchronous>, transform_indices = @transform_3, window_bounds = array<i64: 1, 128>}, {transform_indices = @transform_4, window_bounds = array<i64: 1000, 128>}]} {
    %get3A = arith.constant 0 : index
    %get3A_0 = arith.constant 0 : index
    %get3A_1 = vector.load %arg1[%get3A, %get3A_0] : memref<1000x128xf32, #tpu.memory_space<vmem>>, vector<1000x128xf32>
    %get3A_2 = arith.constant 0 : index
    %get3A_3 = arith.constant 0 : index
    %get3A_4 = arith.constant 0 : index
    %get3A_5 = vector.load %arg2[%get3A_2, %get3A_3, %get3A_4] : memref<2x1000x128xf32, #tpu.memory_space<vmem>>, vector<1x1000x128xf32>
    %get3A_6 = vector.shape_cast %get3A_5 : vector<1x1000x128xf32> to vector<1000x128xf32>
    %add3A = arith.addf %get3A_1, %get3A_6 : vector<1000x128xf32>
    %get3A_7 = arith.constant 1 : index
    %get3A_8 = arith.constant 0 : index
    %get3A_9 = arith.constant 0 : index
    %get3A_10 = vector.load %arg2[%get3A_7, %get3A_8, %get3A_9] : memref<2x1000x128xf32, #tpu.memory_space<vmem>>, vector<1x1000x128xf32>
    %get3A_11 = vector.shape_cast %get3A_10 : vector<1x1000x128xf32> to vector<1000x128xf32>
    %add3A_12 = arith.addf %add3A, %get3A_11 : vector<1000x128xf32>
    %get3A_13 = arith.constant 0 : index
    %get3A_14 = arith.constant 0 : index
    %get3A_15 = vector.load %arg3[%get3A_13, %get3A_14] : memref<128x128xf32, #tpu.memory_space<vmem>>, vector<128x128xf32>
    %dot_general3A = arith.constant dense<0.000000e+00> : vector<1000x128xf32>
    %dot_general3A_16 = tpu.matmul %add3A_12, %get3A_15, %dot_general3A {dimension_numbers = #tpu.dot_dimension_numbers<[1], [0], [0], [1], [0, 0, 1, 1], [], []>, transpose_lhs_hint = false} : vector<1000x128xf32>, vector<128x128xf32>, vector<1000x128xf32> -> vector<1000x128xf32>
    %get3A_17 = arith.constant 0 : index
    %get3A_18 = arith.constant 0 : index
    %get3A_19 = vector.load %arg4[%get3A_17, %get3A_18] : memref<1x128xf32, #tpu.memory_space<vmem>>, vector<1x128xf32>
    %add3A_20 = vector.broadcast %get3A_19 : vector<1x128xf32> to vector<1000x128xf32>
    %add3A_21 = arith.addf %dot_general3A_16, %add3A_20 : vector<1000x128xf32>
    %max3A = arith.constant 0.000000e+00 : f32
    %max3A_22 = vector.broadcast %max3A : f32 to vector<1000x128xf32>
    %max3A_23 = arith.maximumf %add3A_21, %max3A_22 : vector<1000x128xf32>
    %swap3A = arith.constant 0 : index
    %swap3A_24 = arith.constant 0 : index
    %swap3A_25 = vector.load %arg5[%swap3A, %swap3A_24] : memref<1000x128xf32, #tpu.memory_space<vmem>>, vector<1000x128xf32>
    tpu.vector_store %arg5[%swap3A, %swap3A_24], %max3A_23 {strides = array<i32>} : memref<1000x128xf32, #tpu.memory_space<vmem>>, vector<1000x128xf32>,
    return
  }
  func.func @transform_0(%arg0: i32) -> (i32, i32) {
    %c0_i32 = arith.constant 0 : i32
    %c0_i32_0 = arith.constant 0 : i32
    return %arg0, %c0_i32 : i32, i32
  }
  func.func @transform_1(%arg0: i32) -> (i32, i32, i32) {
    %c0_i32 = arith.constant 0 : i32
    %c0_i32_0 = arith.constant 0 : i32
    %c0_i32_1 = arith.constant 0 : i32
    return %c0_i32, %arg0, %c0_i32_0 : i32, i32, i32
  }
  func.func @transform_2(%arg0: i32) -> (i32, i32) {
    %c0_i32 = arith.constant 0 : i32
    %c0_i32_0 = arith.constant 0 : i32
    %c0_i32_1 = arith.constant 0 : i32
    return %c0_i32, %c0_i32_0 : i32, i32
  }
  func.func @transform_3(%arg0: i32) -> (i32, i32) {
    %c0_i32 = arith.constant 0 : i32
    %c0_i32_0 = arith.constant 0 : i32
    %c0_i32_1 = arith.constant 0 : i32
    return %c0_i32, %c0_i32_0 : i32, i32
  }
  func.func @transform_4(%arg0: i32) -> (i32, i32) {
    %c0_i32 = arith.constant 0 : i32
    %c0_i32_0 = arith.constant 0 : i32
    return %arg0, %c0_i32 : i32, i32
  }
}

module attributes {stable_mosaic.version = 14 : i64} {
  func.func @_tc_final_body(%arg0: i32, %arg1: memref<1000x128xf32, #tpu.memory_space<vmem>>, %arg2: memref<2x1000x128xf32, #tpu.memory_space<vmem>>, %arg3: memref<128x128xf32, #tpu.memory_space<vmem>>, %arg4: memref<1x128xf32, #tpu.memory_space<vmem>>, %arg5: memref<128x64xf32, #tpu.memory_space<vmem>>, %arg6: memref<1x64xf32, #tpu.memory_space<vmem>>, %arg7: memref<1000x64xf32, #tpu.memory_space<vmem>>) attributes {dimension_semantics = [#tpu.dimension_semantics<arbitrary>], iteration_bounds = array<i64: 10>, scalar_prefetch = 0 : i64, scratch_operands = 0 : i64, tpu.core_type = #tpu.core_type<tc>, window_params = [{transform_indices = @transform_0, window_bounds = array<i64: 1000, 128>}, {transform_indices = @transform_1, window_bounds = array<i64: 2, 1000, 128>}, {pipeline_mode = #tpu.pipeline_mode<synchronous>, transform_indices = @transform_2, window_bounds = array<i64: 128, 128>}, {pipeline_mode = #tpu.pipeline_mode<synchronous>, transform_indices = @transform_3, window_bounds = array<i64: 1, 128>}, {pipeline_mode = #tpu.pipeline_mode<synchronous>, transform_indices = @transform_4, window_bounds = array<i64: 128, 64>}, {pipeline_mode = #tpu.pipeline_mode<synchronous>, transform_indices = @transform_5, window_bounds = array<i64: 1, 64>}, {transform_indices = @transform_6, window_bounds = array<i64: 1000, 64>}]} {
    %get3A = arith.constant 0 : index
    %get3A_0 = arith.constant 0 : index
    %get3A_1 = vector.load %arg1[%get3A, %get3A_0] : memref<1000x128xf32, #tpu.memory_space<vmem>>, vector<1000x128xf32>
    %get3A_2 = arith.constant 0 : index
    %get3A_3 = arith.constant 0 : index
    %get3A_4 = arith.constant 0 : index
    %get3A_5 = vector.load %arg2[%get3A_2, %get3A_3, %get3A_4] : memref<2x1000x128xf32, #tpu.memory_space<vmem>>, vector<1x1000x128xf32>
    %get3A_6 = vector.shape_cast %get3A_5 : vector<1x1000x128xf32> to vector<1000x128xf32>
    %add3A = arith.addf %get3A_1, %get3A_6 : vector<1000x128xf32>
    %get3A_7 = arith.constant 1 : index
    %get3A_8 = arith.constant 0 : index
    %get3A_9 = arith.constant 0 : index
    %get3A_10 = vector.load %arg2[%get3A_7, %get3A_8, %get3A_9] : memref<2x1000x128xf32, #tpu.memory_space<vmem>>, vector<1x1000x128xf32>
    %get3A_11 = vector.shape_cast %get3A_10 : vector<1x1000x128xf32> to vector<1000x128xf32>
    %add3A_12 = arith.addf %add3A, %get3A_11 : vector<1000x128xf32>
    %get3A_13 = arith.constant 0 : index
    %get3A_14 = arith.constant 0 : index
    %get3A_15 = vector.load %arg3[%get3A_13, %get3A_14] : memref<128x128xf32, #tpu.memory_space<vmem>>, vector<128x128xf32>
    %dot_general3A = arith.constant dense<0.000000e+00> : vector<1000x128xf32>
    %dot_general3A_16 = tpu.matmul %add3A_12, %get3A_15, %dot_general3A {dimension_numbers = #tpu.dot_dimension_numbers<[1], [0], [0], [1], [0, 0, 1, 1], [], []>, transpose_lhs_hint = false} : vector<1000x128xf32>, vector<128x128xf32>, vector<1000x128xf32> -> vector<1000x128xf32>
    %get3A_17 = arith.constant 0 : index
    %get3A_18 = arith.constant 0 : index
    %get3A_19 = vector.load %arg4[%get3A_17, %get3A_18] : memref<1x128xf32, #tpu.memory_space<vmem>>, vector<1x128xf32>
    %add3A_20 = vector.broadcast %get3A_19 : vector<1x128xf32> to vector<1000x128xf32>
    %add3A_21 = arith.addf %dot_general3A_16, %add3A_20 : vector<1000x128xf32>
    %max3A = arith.constant 0.000000e+00 : f32
    %max3A_22 = vector.broadcast %max3A : f32 to vector<1000x128xf32>
    %max3A_23 = arith.maximumf %add3A_21, %max3A_22 : vector<1000x128xf32>
    %get3A_24 = arith.constant 0 : index
    %get3A_25 = arith.constant 0 : index
    %get3A_26 = vector.load %arg5[%get3A_24, %get3A_25] : memref<128x64xf32, #tpu.memory_space<vmem>>, vector<128x64xf32>
    %dot_general3A_27 = arith.constant dense<0.000000e+00> : vector<1000x64xf32>
    %dot_general3A_28 = tpu.matmul %max3A_23, %get3A_26, %dot_general3A_27 {dimension_numbers = #tpu.dot_dimension_numbers<[1], [0], [0], [1], [0, 0, 1, 1], [], []>, transpose_lhs_hint = false} : vector<1000x128xf32>, vector<128x64xf32>, vector<1000x64xf32> -> vector<1000x64xf32>
    %get3A_29 = arith.constant 0 : index
    %get3A_30 = arith.constant 0 : index
    %get3A_31 = vector.load %arg6[%get3A_29, %get3A_30] : memref<1x64xf32, #tpu.memory_space<vmem>>, vector<1x64xf32>
    %add3A_32 = vector.broadcast %get3A_31 : vector<1x64xf32> to vector<1000x64xf32>
    %add3A_33 = arith.addf %dot_general3A_28, %add3A_32 : vector<1000x64xf32>
    %swap3A = arith.constant 0 : index
    %swap3A_34 = arith.constant 0 : index
    %swap3A_35 = vector.load %arg7[%swap3A, %swap3A_34] : memref<1000x64xf32, #tpu.memory_space<vmem>>, vector<1000x64xf32>
    tpu.vector_store %arg7[%swap3A, %swap3A_34], %add3A_33 {strides = array<i32>} : memref<1000x64xf32, #tpu.memory_space<vmem>>, vector<1000x64xf32>,
    return
  }
  func.func @transform_0(%arg0: i32) -> (i32, i32) {
    %c0_i32 = arith.constant 0 : i32
    %c0_i32_0 = arith.constant 0 : i32
    return %arg0, %c0_i32 : i32, i32
  }
  func.func @transform_1(%arg0: i32) -> (i32, i32, i32) {
    %c0_i32 = arith.constant 0 : i32
    %c0_i32_0 = arith.constant 0 : i32
    %c0_i32_1 = arith.constant 0 : i32
    return %c0_i32, %arg0, %c0_i32_0 : i32, i32, i32
  }
  func.func @transform_2(%arg0: i32) -> (i32, i32) {
    %c0_i32 = arith.constant 0 : i32
    %c0_i32_0 = arith.constant 0 : i32
    %c0_i32_1 = arith.constant 0 : i32
    return %c0_i32, %c0_i32_0 : i32, i32
  }
  func.func @transform_3(%arg0: i32) -> (i32, i32) {
    %c0_i32 = arith.constant 0 : i32
    %c0_i32_0 = arith.constant 0 : i32
    %c0_i32_1 = arith.constant 0 : i32
    return %c0_i32, %c0_i32_0 : i32, i32
  }
  func.func @transform_4(%arg0: i32) -> (i32, i32) {
    %c0_i32 = arith.constant 0 : i32
    %c0_i32_0 = arith.constant 0 : i32
    %c0_i32_1 = arith.constant 0 : i32
    return %c0_i32, %c0_i32_0 : i32, i32
  }
  func.func @transform_5(%arg0: i32) -> (i32, i32) {
    %c0_i32 = arith.constant 0 : i32
    %c0_i32_0 = arith.constant 0 : i32
    %c0_i32_1 = arith.constant 0 : i32
    return %c0_i32, %c0_i32_0 : i32, i32
  }
  func.func @transform_6(%arg0: i32) -> (i32, i32) {
    %c0_i32 = arith.constant 0 : i32
    %c0_i32_0 = arith.constant 0 : i32
    return %arg0, %c0_i32 : i32, i32
  }
}

</mosaic_0001>

<sc_bundles>
// kernel: kernel.6.cloned.1.call-start
scs
__scs_entry_jumppad:
0x0: {  	(pc) =	sbr.rel $0x88, $3  }
0x1: {  	(tag) =	ssettag $0x0;
	lr =	simm.s32 $0x1  }
0x2: {  	[smem:$0x3F99] =	sst lr;
	_ =	strace $0xD0000000  }
0x3: {  	_ = 	snop  }
0x4: {  	_ = 	snop  }
0x5: {  	_ = 	snop  }
0x6: {  	_ = 	snop  }
0x7: {  	_ = 	snop  }
__scs_overlays_trampoline_lowered:
0x8: {  	[smem:$0x3FA8] =	sst s0  }
0x9: {  	[smem:$0x3FA9] =	sst s1  }
0xa: {  	[smem:$0x3FAA] =	sst s2  }
0xb: {  	[smem:$0x3FAB] =	sst s3  }
0xc: {  	[smem:$0x3FAC] =	sst s4  }
0xd: {  	[smem:$0x3FAD] =	sst s5  }
0xe: {  	[smem:$0x3FAE] =	sst s6  }
0xf: {  	[smem:$0x3FAF] =	sst s7  }
0x10: {  	[smem:$0x3FB0] =	sst s8  }
0x11: {  	[smem:$0x3FB1] =	sst s9;
	s0 =	simm.s32 @!p0 $0x0  }
0x12: {  	s1 =	sld [smem:$0x3F97];
	s0 =	simm.s32 @p0 $0x1  }
0x13: {  	[smem:$0x3FB2] =	sst s0;
	s0 =	simm.s32 @!p1 $0x0  }
0x14: {  	s2 =	sld [smem:$0x3F96];
	s0 =	simm.s32 @p1 $0x1  }
0x15: {  	[smem:$0x3FB3] =	sst s0;
	s0 =	simm.s32 @!p2 $0x0  }
0x16: {  	s3 =	sld [smem:$0x3FDB];
	s0 =	simm.s32 @p2 $0x1  }
0x17: {  	s4 =	simm.s32 $0x1BF5;
	[smem:$0x3FB5] =	sst s0  }
0x18: {  	s0 =	sld [smem:$0x3F98];
	_ =	swait.ge [sflag:s4], $0x0  }
0x19: {  	s7 =	sld [smem:$0x3F99]  }
0x1a: {  	s8 =	sadd.s32 $0xFFFFE003, lr  }
0x1b: {  	s9 =	sadd.s32 $0xFFFFFEF7, lr;
	s5 =	simm.s32 $0xFFFFFFFF;
	p2 =	slt.u32 s8, $0xFFFFF086  }
0x1c: {  	p1 =	slt.u32 s9, $0xF7A;
	s5 =	simm.s32 @!p2 $0x0  }
0x1d: {  	s5 =	simm.s32 @p1 $0x1;
	p0 =	seq.s32 s7, s2  }
0x1e: {  	s7 =	smul.u32 @!p0 $0xF7A, s2;
	p2 =	seq.s32 @!p0 s5, $0x0  }
0x1f: {  	s9 =	smul.u32 $0xF7A, s1;
	s8 =	simm.s32 @!p0 $0x1BF5;
	p2 =	por !p2, p0  }
0x20: {  	[sflag:s8] =	ssyncset.s32 @!p0 $0xFFFFF086;
	s6 =	sadd.s32 @!p0 s3, s7;
	s7 =	simm.s32 @!p0 $0x108  }
0x21: {  	s3 =	sadd.s32 s3, s9;
	s6 =	sadd.s32 @!p0 $0x88, s6;
	s7 =	simm.s32 @p2 $0x1082  }
0x22: {  	[simem:s7], [sflag:s8] =	dma.local @!p0 [hbm:s6], $0xF7A  }
0x23: {  	s9 =	sor.u32 $0xD0000000, s2;
	s6 =	simm.s32 $0x108;
	_ =	swait.ge @!p0 [sflag:s8], $0x0  }
0x24: {  	s3 =	sadd.s32 $0x88, s3;
	s6 =	simm.s32 @!p1 $0x1082;
	[sflag:s4] =	ssyncset.s32 $0xFFFFF086  }
0x25: {  	[simem:s6], [sflag:s4] =	dma.local [hbm:s3], $0xF7A  }
0x26: {  	[smem:$0x3F99] =	sst s1;
	(tag) =	ssettag s2;
	_ =	strace s9  }
0x27: {  	s1 =	sld [smem:$0x3FA9]  }
0x28: {  	s2 =	sld [smem:$0x3FAA]  }
0x29: {  	s4 =	sld [smem:$0x3FAC]  }
0x2a: {  	p0 =	seq.s32 s5, $0x0;
	s5 =	sld [smem:$0x3FAD]  }
0x2b: {  	s6 =	sld [smem:$0x3FAE]  }
0x2c: {  	s7 =	sld [smem:$0x3FAF]  }
0x2d: {  	s3 =	simm.s32 $0x108;
	s8 =	sld [smem:$0x3FB0]  }
0x2e: {  	s3 =	simm.s32 @!p0 $0x1082;
	s9 =	sld [smem:$0x3FB1]  }
0x2f: {  	lr =	sadd.s32 s0, s3;
	s0 =	sld [smem:$0x3FA8]  }
0x30: {  	s3 =	sld [smem:$0x3FAB]  }
0x31: {  	[smem:$0x3FB4] =	sst s10  }
0x32: {  	s10 =	sld [smem:$0x3FB2];
	_ =	sdelay $0x3  }
0x33: {  	p0 =	seq.s32 s10, $0x1;
	s10 =	sld [smem:$0x3FB4];
	_ =	sdelay $0x3  }
0x34: {  	[smem:$0x3FB4] =	sst s10  }
0x35: {  	s10 =	sld [smem:$0x3FB3];
	_ =	sdelay $0x3  }
0x36: {  	p1 =	seq.s32 s10, $0x1;
	s10 =	sld [smem:$0x3FB4];
	_ =	sdelay $0x3  }
0x37: {  	[smem:$0x3FB4] =	sst s10  }
0x38: {  	s10 =	sld [smem:$0x3FB5]  }
0x39: {  	_ = 	snop;
	(pc) =	sbr.ind lr, $3  }
0x3a: {  	_ = 	snop  }
0x3b: {  	_ = 	snop  }
0x3c: {  	p2 =	seq.s32 s10, $0x1;
	s10 =	sld [smem:$0x3FB4]  }
0x3d: {  	_ =	shalt  }
0x3e: {  	_ =	shalt  }
0x3f: {  	_ =	shalt  }
0x40: {  	_ =	shalt  }
0x41: {  	_ =	shalt  }
0x42: {  	_ =	shalt  }
0x43: {  	_ =	shalt  }
0x44: {  	_ =	shalt  }
0x45: {  	_ =	shalt  }
0x46: {  	_ =	shalt  }
0x47: {  	_ =	shalt  }
0x48: {  	_ =	shalt  }
0x49: {  	_ =	shalt  }
0x4a: {  	_ =	shalt  }
0x4b: {  	_ =	shalt  }
0x4c: {  	_ =	shalt  }
0x4d: {  	_ =	shalt  }
0x4e: {  	_ =	shalt  }
0x4f: {  	_ =	shalt  }
0x50: {  	_ =	shalt  }
0x51: {  	_ =	shalt  }
0x52: {  	_ =	shalt  }
0x53: {  	_ =	shalt  }
0x54: {  	_ =	shalt  }
0x55: {  	_ =	shalt  }
0x56: {  	_ =	shalt  }
0x57: {  	_ =	shalt  }
0x58: {  	_ =	shalt  }
0x59: {  	_ =	shalt  }
0x5a: {  	_ =	shalt  }
0x5b: {  	_ =	shalt  }
0x5c: {  	_ =	shalt  }
0x5d: {  	_ =	shalt  }
0x5e: {  	_ =	shalt  }
0x5f: {  	_ =	shalt  }
0x60: {  	_ =	shalt  }
0x61: {  	_ =	shalt  }
0x62: {  	_ =	shalt  }
0x63: {  	_ =	shalt  }
0x64: {  	_ =	shalt  }
0x65: {  	_ =	shalt  }
0x66: {  	_ =	shalt  }
0x67: {  	_ =	shalt  }
0x68: {  	_ =	shalt  }
0x69: {  	_ =	shalt  }
0x6a: {  	_ =	shalt  }
0x6b: {  	_ =	shalt  }
0x6c: {  	_ =	shalt  }
0x6d: {  	_ =	shalt  }
0x6e: {  	_ =	shalt  }
0x6f: {  	_ =	shalt  }
0x70: {  	_ =	shalt  }
0x71: {  	_ =	shalt  }
0x72: {  	_ =	shalt  }
0x73: {  	_ =	shalt  }
0x74: {  	_ =	shalt  }
0x75: {  	_ =	shalt  }
0x76: {  	_ =	shalt  }
0x77: {  	_ =	shalt  }
0x78: {  	_ =	shalt  }
0x79: {  	_ =	shalt  }
0x7a: {  	_ =	shalt  }
0x7b: {  	_ =	shalt  }
0x7c: {  	_ =	shalt  }
0x7d: {  	_ =	shalt  }
0x7e: {  	_ =	shalt  }
0x7f: {  	_ =	shalt  }
0x80: {  	_ =	shalt  }
0x81: {  	_ =	shalt  }
0x82: {  	_ =	shalt  }
0x83: {  	_ =	shalt  }
0x84: {  	_ =	shalt  }
0x85: {  	_ =	shalt  }
0x86: {  	_ =	shalt  }
0x87: {  	_ =	shalt  }
.Lfunc_end0:
.L_simem_size_0:
called_computation_lowered:
.L_overlay_start_0:
0x88: {  	s2 =	sld [smem:$0x3FD9]  }
0x89: {  	s3 =	sld [smem:$0x3FFE];
	_ =	sdelay $0x1  }
0x8a: {  	s1 =	srdreg.scid  }
0x8b: {  	s0 =	sand.u32 $0x1, s1  }
0x8c: {  	s17 =	sshll.u32 s0, $0xA;
	s2 =	sadd.s32 s3, s2  }
0x8d: {  	s2 =	sadd.s32 s2, s17  }
0x8e: {  	[smem:$0x3FC0] =	sst s2  }
0x8f: {  	_ = 	snop  }
0x90: {  	s2 =	sld [smem:$0x3FC9]  }
0x91: {  	s18 =	sld [smem:$0x3FD0];
	(tm) =	ssettm $0x1  }
0x92: {  	s4 =	sld [smem:$0x3FFB];
	_ =	sdelay $0x3  }
0x93: {  	_ =	strace s4  }
0x94: {  	s4 =	sld [smem:$0x3FFC];
	_ =	sdelay $0x3  }
0x95: {  	_ =	strace s4  }
0x96: {  	s4 =	sld [smem:$0x3FFD];
	_ =	sdelay $0x3  }
0x97: {  	_ =	strace s4  }
0x98: {  	_ =	strace $0x8FFFFFFF  }
0x99: {  	s19 =	sld [smem:$0x3FDB];
	_ =	sdelay $0x1  }
0x9a: {  	s5 =	simm.s32 $_scs_section_size  }
0x9b: {  	s6 =	simm.s32 $_size__tile_overlayer_lowered;
	s7 =	simm.s32 $_tile_overlayer_lowered  }
0x9c: {  	s22 =	simm.s32 $0x1BFF;
	s21 =	sshll.u32 s7, $0x1;
	s4 =	sadd.s32 s5, s19  }
0x9d: {  	s8 =	simm.s32 $0x0;
	s20 =	sshll.u32 s6, $0x1;
	s6 =	sadd.s32 s21, s4  }
0x9e: {  	[timem:s8], [sflag:s22] =	dma.local [hbm:s6], s20  }
0x9f: {  	_ =	swait.ge [sflag:s22], s20  }
0xa0: {  	s5 =	ssub.s32 $0x0, s20;
	[sflag:s22] =	ssyncset.done $0x0  }
0xa1: {  	[sflag:s22] =	ssyncadd.s32 s5;
	_ =	sdelay $0x1  }
0xa2: {  	s23 =	simm.s32 $0x1B8B  }
0xa3: {  	_ =	swait.ge [sflag:s23], $0x1  }
0xa4: {  	[sflag:s23] =	ssyncset.done $0x0  }
0xa5: {  	s25 =	simm.s32 $0x1B8E;
	s24 =	sld [smem:$0x3FFE];
	[sflag:s23] =	ssyncadd.s32 $0xFFFFFFFF  }
0xa6: {  	s26 =	simm.s32 $execute0_lowered;
	[smem:$0x3FD2] =	sst s25  }
0xa7: {  	s6 =	sshll.u32 s26, $0x1;
	_ =	strace $0x80000046;
	[dreg:$0x1] =	wrdreg $0xFFFFFFFF  }
0xa8: {  	s28 =	simm.s32 $_size_execute0_lowered;
	s4 =	sadd.s32 s4, s6;
	[dreg:$0x0] =	wrdreg $0x0  }
0xa9: {  	s6 =	sshll.u32 s28, $0x1;
	[dreg:$0x2] =	wrdreg s4  }
0xaa: {  	[dreg:$0x3] =	wrdreg s6  }
0xab: {  	[dreg:$0x4] =	wrdreg $0xC0  }
0xac: {  	_ =	task [dreg:s8], $0x5FFFF  }
0xad: {  	[dreg:$0x1] =	wrdreg $0xFFFFFFFF  }
0xae: {  	[dreg:$0x0] =	wrdreg $0x60  }
0xaf: {  	[dreg:$0x2] =	wrdreg s2  }
0xb0: {  	[dreg:$0x3] =	wrdreg s18  }
0xb1: {  	[dreg:$0x4] =	wrdreg s24  }
0xb2: {  	[dreg:$0x5] =	wrdreg $0x0  }
0xb3: {  	[dreg:$0x6] =	wrdreg $0x9  }
0xb4: {  	_ =	task.clear_ibuf [dreg:s8], $0x7FFFF;
	_ =	strace $0x90000046  }
0xb5: {  	s29 =	simm.s32 $0x9;
	_ =	strace $0x80000048  }
0xb6: {  	_ =	swait.ge [sflag:s29], $0x1  }
0xb7: {  	[sflag:s29] =	ssyncadd.s32 $0xFFFFFFFF  }
0xb8: {  	_ =	strace $0x90000048  }
0xb9: {  	_ =	sfence  }
0xba: {  	s30 =	sld [smem:$0x0];
	_ =	sdelay $0x2  }
0xbb: {  	s31 =	sshll.u32 s1, $0xD;
	s1 =	sshrl.u32 s1, $0x2  }
0xbc: {  	s3 =	sand.u32 $0x4000, s31;
	s1 =	sadd.s32 s1, s30  }
0xbd: {  	s0 =	sor.u32 s3, s0;
	s1 =	sshll.u32 s1, $0x11  }
0xbe: {  	s0 =	sor.u32 s1, s0  }
0xbf: {  	s0 =	sadd.s32 $0x8F2B, s0  }
0xc0: {  	[sflag:s0] =	ssyncadd.remote.s32 $0x1  }
0xc1: {  	_ =	sfence.sel $0xFFFF  }
0xc2: {  	[dreg:$0x0] =	wrdreg $0xFFFFFFFF;
	(pc) =	sbr.abs _section_cstart, $3  }
0xc3: {  	[dreg:$0x1] =	wrdreg $0xFFFFFFFF  }
0xc4: {  	_ =	task.clear_ibuf [dreg:s8], $0x2FFFF;
	_ =	strace $0x9FFFFFFF  }
0xc5: {  	(tm) =	ssettm $0x7FFFFFFF  }
tec
execute0_lowered:
.L_overlay_start_1:
0x0: {  	(tag) =	ssettag $0x1  }
0x1: {  	s0 =	rddreg [dreg:$0x0]  }
0x2: {  	s1 =	rddreg [dreg:$0x1]  }
0x3: {  	s8 =	rddreg [dreg:$0x2]  }
0x4: {  	s2 =	srdreg.scid;
	s4 =	rddreg [dreg:$0x3]  }
0x5: {  	s24 =	stileid.u32;
	s5 =	simm.s32 $0x0;
	s18 =	simm.s32 $0x1  }
0x6: {  	s19 =	simm.s32 $0x7D;
	s20 =	simm.s32 $0x15C00;
	s21 =	simm.s32 $0x13C80  }
0x7: {  	s22 =	simm.s32 $0x19C00;
	s23 =	simm.s32 $0x2;
	s10 =	smul.u32 $0x13C00, s24  }
0x8: {  	s28 =	simm.s32 $0x0;
	s9 =	sand.u32 $0x1, s2;
	s13 =	smul.u32 $0x4F000, s24  }
0x9: {  	[smem:$0x7FF] =	sst s5;
	s6 =	sadd.s32 $0x1C00, s8;
	s16 =	smul.u32 $0x2800, s24  }
0xa: {  	s31 =	sshll.u32 s24, $0x6;
	s7 =	smul.u32 $0x13C000, s9;
	_ =	strace $0x80000047  }
0xb: {  	s11 =	sshll.u32 s9, $0x4;
	s12 =	ssub.s32 $0x2, s9;
	s30 =	smul.u32 $0x28000, s9  }
0xc: {  	s11 =	sor.u32 s24, s11;
	s25 =	sshrl.u32 s12, $0x1;
	s29 =	sshrl.u32 s13, $0x2  }
0xd: {  	s24 =	simm.s32 $0x4;
	s10 =	sadd.s32 s10, s7;
	s7 =	sadd.s32 $0xBC00, s8  }
0xe: {  	s26 =	smul.u32 $0x500, s11;
	s12 =	ssub.s32 s12, s25;
	s15 =	sadd.s32 s29, s4  }
.Ltmp0:
0xf: {  	s13 =	sadd.s32 s16, s30;
	s16 =	simm.s32 $0x13C00;
	(pc) =	sbr.rel .LBB2_1-.Ltmp0, $4  }
0x10: {  	s25 =	simm.s32 $0x3;
	s10 =	sshrl.u32 s10, $0x3;
	s12 =	smax.u32 s12, $0x1  }
0x11: {  	s13 =	sadd.s32 $0x800, s13;
	s14 =	sadd.s32 s10, s8;
	s8 =	sor.u32 $0x1C06, s31  }
0x12: {  	s9 =	sadd.s32 s1, s26;
	s10 =	sadd.s32 s6, s26;
	s26 =	simm.s32 $0x5  }
0x13: {  	s11 =	sadd.s32 $0xE400, s14;
	s14 =	sshrl.u32 s15, $0x3;
	s15 =	simm.s32 $0x6  }
.LBB2_3:
0x14: {  	_ =	swait.ge [sflag:s24], $0x3E80  }
0x15: {  	[sflag:s24] =	ssyncset.done $0x0  }
0x16: {  	[sflag:s24] =	ssyncadd.s32 $0xFFFFC180  }
0x17: {  	_ =	swait.ge [sflag:s26], $0x3E80  }
0x18: {  	[sflag:s26] =	ssyncset.done $0x0  }
0x19: {  	[sflag:s26] =	ssyncadd.s32 $0xFFFFC180  }
.LBB2_5:
0x1a: {  	s28 =	sadd.s32 $0x1, s28  }
0x1b: {  	p0 =	sne.s32 s28, s12  }
.Ltmp1:
0x1c: {  	[bflag:$0x0] =	sbarrier.arrive $0xFFFF;
	(pc) =	sbr.rel @!p0 .LBB2_6-.Ltmp1, $4  }
0x1d: {  	[hbm:s11], [sflag:s8] =	dma.local [spmem:s14], $0x2780  }
0x1e: {  	_ =	swait.ge [sflag:s15], $0x2780  }
0x1f: {  	[sflag:s15] =	ssyncset.done $0x0  }
0x20: {  	[sflag:s15] =	ssyncadd.s32 $0xFFFFD880  }
.LBB2_1:
0x21: {  	[spmem:s14], [sflag:s8] =	dma.local [hbm:s7], $0x2780  }
0x22: {  	_ =	swait.ge [sflag:s15], $0x2780  }
0x23: {  	[sflag:s15] =	ssyncset.done $0x0  }
0x24: {  	[sflag:s15] =	ssyncadd.s32 $0xFFFFD880  }
0x25: {  	[tilespmem:s16], [sflag:$0x1] =	stream.linear.gather [hbm4b:s9+s5], $0x800, $0x38;
	[tilespmem:$0x1DC00] =	vst v63  }
0x26: {  	s2 =	simm.s32 $0x14C00  }
0x27: {  	[tilespmem:s2], [sflag:$0x1] =	stream.linear.gather [hbm4b:s10+s5], $0x800, $0x38;
	[tilespmem:$0x1DC00] =	vst v63  }
0x28: {  	[bflag:$0x0] =	sbarrier.arrive $0xFFFF  }
0x29: {  	_ =	swait.ge [sflag:s18], $0x800  }
0x2a: {  	[sflag:s18] =	ssyncset.done $0x0  }
0x2b: {  	[sflag:s18] =	ssyncadd.s32 $0xFFFFF800  }
0x2c: {  	_ =	swait.ge [sflag:s18], $0x800  }
0x2d: {  	[sflag:s18] =	ssyncset.done $0x0  }
0x2e: {  	[sflag:s18] =	ssyncadd.s32 $0xFFFFF800  }
0x2f: {  	[tilespmem:s20], [sflag:$0x2] =	stream.indirect.gather [hbm4b:s0+s19], $0x80, s16, s19, $0xb8;
	[tilespmem:$0x1DC00] =	vst v63  }
0x30: {  	s29 =	simm.s32 $0x0  }
0x31: {  	[tilespmem:s22], [sflag:$0x3] =	stream.indirect.gather [hbm4b:s0+s19], $0x80, s21, s19, $0xb8;
	[tilespmem:$0x1DC00] =	vst v63  }
.LBB2_2:
0x32: {  	p0 =	seq.s32 s29, $0x2000  }
0x33: {  	s31 =	sadd.s32 @!p0 s29, s13  }
0x34: {  	s30 =	sand.u32 @!p0 $0x800, s29;
	s31 =	sshrl.u32 @!p0 s31, $0x3  }
0x35: {  	s17 =	simm.s32 @!p0 $0x0;
	s2 =	ssub.s32 @!p0 $0x14400, s30;
	s3 =	sadd.s32 @!p0 s1, s31  }
0x36: {  	[tilespmem:s2], [sflag:$0x1] =	stream.linear.gather @!p0 [hbm4b:s3+s17], $0x800, $0x38;
	[tilespmem:$0x1DC00] =	vst v63  }
0x37: {  	s2 =	ssub.s32 @!p0 $0x15400, s30;
	s3 =	sadd.s32 @!p0 s6, s31  }
0x38: {  	[tilespmem:s2], [sflag:$0x1] =	stream.linear.gather @!p0 [hbm4b:s3+s17], $0x800, $0x38;
	[tilespmem:$0x1DC00] =	vst v63  }
0x39: {  	_ =	swait.ge [sflag:s23], $0x3E80  }
0x3a: {  	s30 =	simm.s32 @p0 $0x0;
	[sflag:s23] =	ssyncset.done $0x0  }
0x3b: {  	s3 =	sadd.s32 $0x14C00, s30;
	[sflag:s23] =	ssyncadd.s32 $0xFFFFC180  }
0x3c: {  	[spmem:s4] =	stream.indirect.scatter.add.f32 [tilespmem:s20], [sflag:$0x4], $0x80, s3, s19, $0xb8;
	[tilespmem:$0x1DC00] =	vst v63  }
0x3d: {  	_ =	swait.ge [sflag:s24], $0x3E80  }
0x3e: {  	[sflag:s24] =	ssyncset.done $0x0  }
0x3f: {  	s17 =	sadd.s32 $0x13D00, s30;
	[sflag:s24] =	ssyncadd.s32 $0xFFFFC180  }
0x40: {  	[tilespmem:s20], [sflag:$0x2] =	stream.indirect.gather [hbm4b:s0+s19], $0x80, s17, s19, $0xb8;
	[tilespmem:$0x1DC00] =	vst v63  }
0x41: {  	_ =	swait.ge [sflag:s25], $0x3E80  }
0x42: {  	[sflag:s25] =	ssyncset.done $0x0  }
0x43: {  	s31 =	sadd.s32 $0x14C80, s30;
	[sflag:s25] =	ssyncadd.s32 $0xFFFFC180  }
0x44: {  	[spmem:s4] =	stream.indirect.scatter.add.f32 [tilespmem:s22], [sflag:$0x5], $0x80, s31, s19, $0xb8;
	[tilespmem:$0x1DC00] =	vst v63  }
0x45: {  	_ =	swait.ge [sflag:s26], $0x3E80  }
0x46: {  	[sflag:s26] =	ssyncset.done $0x0  }
0x47: {  	s3 =	sadd.s32 $0x13D80, s30;
	[sflag:s26] =	ssyncadd.s32 $0xFFFFC180  }
0x48: {  	[tilespmem:s22], [sflag:$0x3] =	stream.indirect.gather [hbm4b:s0+s19], $0x80, s3, s19, $0xb8;
	[tilespmem:$0x1DC00] =	vst v63  }
0x49: {  	_ =	swait.ge [sflag:s23], $0x3E80  }
0x4a: {  	[sflag:s23] =	ssyncset.done $0x0  }
0x4b: {  	s17 =	sadd.s32 $0x14D00, s30;
	[sflag:s23] =	ssyncadd.s32 $0xFFFFC180  }
0x4c: {  	[spmem:s4] =	stream.indirect.scatter.add.f32 [tilespmem:s20], [sflag:$0x4], $0x80, s17, s19, $0xb8;
	[tilespmem:$0x1DC00] =	vst v63  }
0x4d: {  	_ =	swait.ge [sflag:s24], $0x3E80  }
0x4e: {  	[sflag:s24] =	ssyncset.done $0x0  }
0x4f: {  	s31 =	sadd.s32 $0x13E00, s30;
	[sflag:s24] =	ssyncadd.s32 $0xFFFFC180  }
0x50: {  	[tilespmem:s20], [sflag:$0x2] =	stream.indirect.gather [hbm4b:s0+s19], $0x80, s31, s19, $0xb8;
	[tilespmem:$0x1DC00] =	vst v63  }
0x51: {  	_ =	swait.ge [sflag:s25], $0x3E80  }
0x52: {  	[sflag:s25] =	ssyncset.done $0x0  }
0x53: {  	s3 =	sadd.s32 $0x14D80, s30;
	[sflag:s25] =	ssyncadd.s32 $0xFFFFC180  }
0x54: {  	[spmem:s4] =	stream.indirect.scatter.add.f32 [tilespmem:s22], [sflag:$0x5], $0x80, s3, s19, $0xb8;
	[tilespmem:$0x1DC00] =	vst v63  }
0x55: {  	_ =	swait.ge [sflag:s26], $0x3E80  }
0x56: {  	[sflag:s26] =	ssyncset.done $0x0  }
0x57: {  	s17 =	sadd.s32 $0x13E80, s30;
	[sflag:s26] =	ssyncadd.s32 $0xFFFFC180  }
0x58: {  	[tilespmem:s22], [sflag:$0x3] =	stream.indirect.gather [hbm4b:s0+s19], $0x80, s17, s19, $0xb8;
	[tilespmem:$0x1DC00] =	vst v63  }
0x59: {  	_ =	swait.ge [sflag:s23], $0x3E80  }
0x5a: {  	[sflag:s23] =	ssyncset.done $0x0  }
0x5b: {  	s31 =	sadd.s32 $0x14E00, s30;
	[sflag:s23] =	ssyncadd.s32 $0xFFFFC180  }
0x5c: {  	[spmem:s4] =	stream.indirect.scatter.add.f32 [tilespmem:s20], [sflag:$0x4], $0x80, s31, s19, $0xb8;
	[tilespmem:$0x1DC00] =	vst v63  }
0x5d: {  	_ =	swait.ge [sflag:s24], $0x3E80  }
0x5e: {  	[sflag:s24] =	ssyncset.done $0x0  }
0x5f: {  	s3 =	sadd.s32 $0x13F00, s30;
	[sflag:s24] =	ssyncadd.s32 $0xFFFFC180  }
0x60: {  	[tilespmem:s20], [sflag:$0x2] =	stream.indirect.gather [hbm4b:s0+s19], $0x80, s3, s19, $0xb8;
	[tilespmem:$0x1DC00] =	vst v63  }
0x61: {  	_ =	swait.ge [sflag:s25], $0x3E80  }
0x62: {  	[sflag:s25] =	ssyncset.done $0x0  }
0x63: {  	s17 =	sadd.s32 $0x14E80, s30;
	[sflag:s25] =	ssyncadd.s32 $0xFFFFC180  }
0x64: {  	[spmem:s4] =	stream.indirect.scatter.add.f32 [tilespmem:s22], [sflag:$0x5], $0x80, s17, s19, $0xb8;
	[tilespmem:$0x1DC00] =	vst v63  }
0x65: {  	_ =	swait.ge [sflag:s26], $0x3E80  }
0x66: {  	[sflag:s26] =	ssyncset.done $0x0  }
0x67: {  	s31 =	sadd.s32 $0x13F80, s30;
	[sflag:s26] =	ssyncadd.s32 $0xFFFFC180  }
0x68: {  	[tilespmem:s22], [sflag:$0x3] =	stream.indirect.gather [hbm4b:s0+s19], $0x80, s31, s19, $0xb8;
	[tilespmem:$0x1DC00] =	vst v63  }
0x69: {  	_ =	swait.ge [sflag:s23], $0x3E80  }
0x6a: {  	[sflag:s23] =	ssyncset.done $0x0  }
0x6b: {  	s3 =	sadd.s32 $0x14F00, s30;
	[sflag:s23] =	ssyncadd.s32 $0xFFFFC180  }
0x6c: {  	[spmem:s4] =	stream.indirect.scatter.add.f32 [tilespmem:s20], [sflag:$0x4], $0x80, s3, s19, $0xb8;
	[tilespmem:$0x1DC00] =	vst v63  }
0x6d: {  	_ =	swait.ge [sflag:s24], $0x3E80  }
0x6e: {  	[sflag:s24] =	ssyncset.done $0x0  }
0x6f: {  	s17 =	sor.u32 $0x14000, s30;
	[sflag:s24] =	ssyncadd.s32 $0xFFFFC180  }
0x70: {  	[tilespmem:s20], [sflag:$0x2] =	stream.indirect.gather [hbm4b:s0+s19], $0x80, s17, s19, $0xb8;
	[tilespmem:$0x1DC00] =	vst v63  }
0x71: {  	_ =	swait.ge [sflag:s25], $0x3E80  }
0x72: {  	[sflag:s25] =	ssyncset.done $0x0  }
0x73: {  	s31 =	sadd.s32 $0x14F80, s30;
	[sflag:s25] =	ssyncadd.s32 $0xFFFFC180  }
0x74: {  	[spmem:s4] =	stream.indirect.scatter.add.f32 [tilespmem:s22], [sflag:$0x5], $0x80, s31, s19, $0xb8;
	[tilespmem:$0x1DC00] =	vst v63  }
0x75: {  	_ =	swait.ge [sflag:s26], $0x3E80  }
0x76: {  	[sflag:s26] =	ssyncset.done $0x0  }
0x77: {  	s3 =	sadd.s32 $0x14080, s30;
	[sflag:s26] =	ssyncadd.s32 $0xFFFFC180  }
0x78: {  	[tilespmem:s22], [sflag:$0x3] =	stream.indirect.gather [hbm4b:s0+s19], $0x80, s3, s19, $0xb8;
	[tilespmem:$0x1DC00] =	vst v63  }
0x79: {  	_ =	swait.ge [sflag:s23], $0x3E80  }
0x7a: {  	[sflag:s23] =	ssyncset.done $0x0  }
0x7b: {  	s17 =	sor.u32 $0x15000, s30;
	[sflag:s23] =	ssyncadd.s32 $0xFFFFC180  }
0x7c: {  	[spmem:s4] =	stream.indirect.scatter.add.f32 [tilespmem:s20], [sflag:$0x4], $0x80, s17, s19, $0xb8;
	[tilespmem:$0x1DC00] =	vst v63  }
0x7d: {  	_ =	swait.ge [sflag:s24], $0x3E80  }
0x7e: {  	[sflag:s24] =	ssyncset.done $0x0  }
0x7f: {  	s31 =	sadd.s32 $0x14100, s30;
	[sflag:s24] =	ssyncadd.s32 $0xFFFFC180  }
0x80: {  	[tilespmem:s20], [sflag:$0x2] =	stream.indirect.gather [hbm4b:s0+s19], $0x80, s31, s19, $0xb8;
	[tilespmem:$0x1DC00] =	vst v63  }
0x81: {  	_ =	swait.ge [sflag:s25], $0x3E80  }
0x82: {  	[sflag:s25] =	ssyncset.done $0x0  }
0x83: {  	s3 =	sadd.s32 $0x15080, s30;
	[sflag:s25] =	ssyncadd.s32 $0xFFFFC180  }
0x84: {  	[spmem:s4] =	stream.indirect.scatter.add.f32 [tilespmem:s22], [sflag:$0x5], $0x80, s3, s19, $0xb8;
	[tilespmem:$0x1DC00] =	vst v63  }
0x85: {  	_ =	swait.ge [sflag:s26], $0x3E80  }
0x86: {  	[sflag:s26] =	ssyncset.done $0x0  }
0x87: {  	s17 =	sadd.s32 $0x14180, s30;
	[sflag:s26] =	ssyncadd.s32 $0xFFFFC180  }
0x88: {  	[tilespmem:s22], [sflag:$0x3] =	stream.indirect.gather [hbm4b:s0+s19], $0x80, s17, s19, $0xb8;
	[tilespmem:$0x1DC00] =	vst v63  }
0x89: {  	_ =	swait.ge [sflag:s23], $0x3E80  }
0x8a: {  	[sflag:s23] =	ssyncset.done $0x0  }
0x8b: {  	s31 =	sadd.s32 $0x15100, s30;
	[sflag:s23] =	ssyncadd.s32 $0xFFFFC180  }
0x8c: {  	[spmem:s4] =	stream.indirect.scatter.add.f32 [tilespmem:s20], [sflag:$0x4], $0x80, s31, s19, $0xb8;
	[tilespmem:$0x1DC00] =	vst v63  }
0x8d: {  	_ =	swait.ge [sflag:s24], $0x3E80  }
0x8e: {  	[sflag:s24] =	ssyncset.done $0x0  }
0x8f: {  	s3 =	sadd.s32 $0x14200, s30;
	[sflag:s24] =	ssyncadd.s32 $0xFFFFC180  }
0x90: {  	[tilespmem:s20], [sflag:$0x2] =	stream.indirect.gather [hbm4b:s0+s19], $0x80, s3, s19, $0xb8;
	[tilespmem:$0x1DC00] =	vst v63  }
0x91: {  	_ =	swait.ge [sflag:s25], $0x3E80  }
0x92: {  	[sflag:s25] =	ssyncset.done $0x0  }
0x93: {  	s17 =	sadd.s32 $0x15180, s30;
	[sflag:s25] =	ssyncadd.s32 $0xFFFFC180  }
0x94: {  	[spmem:s4] =	stream.indirect.scatter.add.f32 [tilespmem:s22], [sflag:$0x5], $0x80, s17, s19, $0xb8;
	[tilespmem:$0x1DC00] =	vst v63  }
0x95: {  	_ =	swait.ge [sflag:s26], $0x3E80  }
0x96: {  	[sflag:s26] =	ssyncset.done $0x0  }
0x97: {  	s31 =	sadd.s32 $0x14280, s30;
	[sflag:s26] =	ssyncadd.s32 $0xFFFFC180  }
0x98: {  	[tilespmem:s22], [sflag:$0x3] =	stream.indirect.gather [hbm4b:s0+s19], $0x80, s31, s19, $0xb8;
	[tilespmem:$0x1DC00] =	vst v63  }
0x99: {  	_ =	swait.ge [sflag:s23], $0x3E80  }
0x9a: {  	[sflag:s23] =	ssyncset.done $0x0  }
0x9b: {  	s3 =	sadd.s32 $0x15200, s30;
	[sflag:s23] =	ssyncadd.s32 $0xFFFFC180  }
0x9c: {  	[spmem:s4] =	stream.indirect.scatter.add.f32 [tilespmem:s20], [sflag:$0x4], $0x80, s3, s19, $0xb8;
	[tilespmem:$0x1DC00] =	vst v63  }
0x9d: {  	_ =	swait.ge [sflag:s24], $0x3E80  }
0x9e: {  	[sflag:s24] =	ssyncset.done $0x0  }
0x9f: {  	s17 =	sadd.s32 $0x14300, s30;
	[sflag:s24] =	ssyncadd.s32 $0xFFFFC180  }
0xa0: {  	[tilespmem:s20], [sflag:$0x2] =	stream.indirect.gather [hbm4b:s0+s19], $0x80, s17, s19, $0xb8;
	[tilespmem:$0x1DC00] =	vst v63  }
0xa1: {  	_ =	swait.ge [sflag:s25], $0x3E80  }
0xa2: {  	[sflag:s25] =	ssyncset.done $0x0  }
0xa3: {  	s31 =	sadd.s32 $0x15280, s30;
	[sflag:s25] =	ssyncadd.s32 $0xFFFFC180  }
0xa4: {  	[spmem:s4] =	stream.indirect.scatter.add.f32 [tilespmem:s22], [sflag:$0x5], $0x80, s31, s19, $0xb8;
	[tilespmem:$0x1DC00] =	vst v63  }
0xa5: {  	_ =	swait.ge [sflag:s26], $0x3E80  }
0xa6: {  	[sflag:s26] =	ssyncset.done $0x0  }
0xa7: {  	s3 =	sadd.s32 $0x14380, s30;
	[sflag:s26] =	ssyncadd.s32 $0xFFFFC180  }
0xa8: {  	[tilespmem:s22], [sflag:$0x3] =	stream.indirect.gather [hbm4b:s0+s19], $0x80, s3, s19, $0xb8;
	[tilespmem:$0x1DC00] =	vst v63  }
0xa9: {  	_ =	swait.ge [sflag:s23], $0x3E80  }
0xaa: {  	[sflag:s23] =	ssyncset.done $0x0  }
0xab: {  	p0 =	sne.s32 s29, $0x2000;
	s17 =	sadd.s32 $0x15300, s30;
	[sflag:s23] =	ssyncadd.s32 $0xFFFFC180  }
0xac: {  	[spmem:s4] =	stream.indirect.scatter.add.f32 [tilespmem:s20], [sflag:$0x4], $0x80, s17, s19, $0xb8;
	[tilespmem:$0x1DC00] =	vst v63  }
.Ltmp2:
0xad: {  	_ = 	snop;
	(pc) =	sbr.rel @!p0 .LBB2_3-.Ltmp2, $4  }
0xae: {  	_ =	swait.ge [sflag:s25], $0x3E80  }
0xaf: {  	[sflag:s25] =	ssyncset.done $0x0  }
0xb0: {  	s31 =	sadd.s32 $0x15380, s30;
	[sflag:s25] =	ssyncadd.s32 $0xFFFFC180  }
0xb1: {  	[spmem:s4] =	stream.indirect.scatter.add.f32 [tilespmem:s22], [sflag:$0x5], $0x80, s31, s19, $0xb8;
	[tilespmem:$0x1DC00] =	vst v63  }
0xb2: {  	_ =	swait.ge [sflag:s18], $0x800  }
0xb3: {  	[sflag:s18] =	ssyncset.done $0x0  }
0xb4: {  	[sflag:s18] =	ssyncadd.s32 $0xFFFFF800  }
0xb5: {  	_ =	swait.ge [sflag:s18], $0x800  }
0xb6: {  	[sflag:s18] =	ssyncset.done $0x0  }
0xb7: {  	[sflag:s18] =	ssyncadd.s32 $0xFFFFF800  }
0xb8: {  	_ =	swait.ge [sflag:s24], $0x3E80  }
0xb9: {  	s29 =	sadd.s32 $0x800, s29;
	[sflag:s24] =	ssyncset.done $0x0  }
0xba: {  	s2 =	ssub.s32 $0x14400, s30;
	p0 =	sne.s32 s29, $0x2800;
	[sflag:s24] =	ssyncadd.s32 $0xFFFFC180  }
0xbb: {  	[tilespmem:s20], [sflag:$0x2] =	stream.indirect.gather [hbm4b:s0+s19], $0x80, s2, s19, $0xb8;
	[tilespmem:$0x1DC00] =	vst v63  }
.Ltmp3:
0xbc: {  	_ = 	snop;
	(pc) =	sbr.rel @p0 .LBB2_2-.Ltmp3, $4  }
.Ltmp4:
0xbd: {  	_ =	swait.ge [sflag:s26], $0x3E80;
	(pc) =	sbr.rel @!p0 .LBB2_5-.Ltmp4, $4  }
0xbe: {  	[sflag:s26] =	ssyncset.done $0x0  }
0xbf: {  	s31 =	ssub.s32 $0x14480, s30;
	[sflag:s26] =	ssyncadd.s32 $0xFFFFC180  }
0xc0: {  	[tilespmem:s22], [sflag:$0x3] =	stream.indirect.gather [hbm4b:s0+s19], $0x80, s31, s19, $0xb8;
	[tilespmem:$0x1DC00] =	vst v63  }
0xc1: {  	_ = 	snop  }
.LBB2_6:
0xc2: {  	_ =	sfence.sel $0x180000  }
0xc3: {  	[bflag:$0x0] =	sbarrier.arrive $0xFFFF  }
0xc4: {  	_ =	strace $0x90000047  }
0xc5: {  	s0 =	stileid.u32;
	[bflag:$0x2] =	sbarrier.arrive $0xFFFF  }
0xc6: {  	p0 =	sne.s32 s0, $0x0;
	s0 =	rddreg [dreg:$0x4]  }
0xc7: {  	s0 =	sadd.s32 @!p0 $0x100000, s0  }
0xc8: {  	[sflag:s0] =	ssyncadd.tile.s32 @!p0 $0x1;
	_ =	shalt  }
.Lfunc_end2:
_tile_overlayer_lowered:
.L_overlay_start_2:
0xc9: {  	(tag) =	ssettag $0x2  }
0xca: {  	s0 =	rddreg [dreg:$0x0];
	s2 =	stileid.u32  }
0xcb: {  	s1 =	rddreg [dreg:$0x1];
	p0 =	sne.s32 s2, $0x0  }
0xcc: {  	s3 =	rddreg [dreg:$0x2];
	[bflag:$0x3] =	sbarrier.arrive $0xFFFF;
	s2 =	simm.s32 @!p0 $0x1C06  }
0xcd: {  	[timem:s3], [sflag:s2] =	dma.local @!p0 [hbm:s0], s1  }
0xce: {  	s0 =	simm.s32 @!p0 $0x6  }
0xcf: {  	_ =	swait.ge @!p0 [sflag:s0], s1  }
0xd0: {  	s1 =	ssub.s32 @!p0 $0x0, s1;
	[sflag:s0] =	ssyncset.done @!p0 $0x0  }
0xd1: {  	[sflag:s0] =	ssyncadd.s32 @!p0 s1  }
0xd2: {  	[bflag:$0x3] =	sbarrier.arrive $0xFFFF  }
0xd3: {  	_ =	shalt  }

// kernel: kernel.9.cloned.1.call-start
scs
__scs_entry_jumppad:
0x0: {  	(pc) =	sbr.rel $0x88, $3  }
0x1: {  	(tag) =	ssettag $0x0;
	lr =	simm.s32 $0x1  }
0x2: {  	[smem:$0x3F99] =	sst lr;
	_ =	strace $0xD0000000  }
0x3: {  	_ = 	snop  }
0x4: {  	_ = 	snop  }
0x5: {  	_ = 	snop  }
0x6: {  	_ = 	snop  }
0x7: {  	_ = 	snop  }
__scs_overlays_trampoline_lowered:
0x8: {  	[smem:$0x3FA8] =	sst s0  }
0x9: {  	[smem:$0x3FA9] =	sst s1  }
0xa: {  	[smem:$0x3FAA] =	sst s2  }
0xb: {  	[smem:$0x3FAB] =	sst s3  }
0xc: {  	[smem:$0x3FAC] =	sst s4  }
0xd: {  	[smem:$0x3FAD] =	sst s5  }
0xe: {  	[smem:$0x3FAE] =	sst s6  }
0xf: {  	[smem:$0x3FAF] =	sst s7  }
0x10: {  	[smem:$0x3FB0] =	sst s8  }
0x11: {  	[smem:$0x3FB1] =	sst s9;
	s0 =	simm.s32 @!p0 $0x0  }
0x12: {  	s1 =	sld [smem:$0x3F97];
	s0 =	simm.s32 @p0 $0x1  }
0x13: {  	[smem:$0x3FB2] =	sst s0;
	s0 =	simm.s32 @!p1 $0x0  }
0x14: {  	s2 =	sld [smem:$0x3F96];
	s0 =	simm.s32 @p1 $0x1  }
0x15: {  	[smem:$0x3FB3] =	sst s0;
	s0 =	simm.s32 @!p2 $0x0  }
0x16: {  	s3 =	sld [smem:$0x3FDB];
	s0 =	simm.s32 @p2 $0x1  }
0x17: {  	s4 =	simm.s32 $0x1BF5;
	[smem:$0x3FB5] =	sst s0  }
0x18: {  	s0 =	sld [smem:$0x3F98];
	_ =	swait.ge [sflag:s4], $0x0  }
0x19: {  	s7 =	sld [smem:$0x3F99]  }
0x1a: {  	s8 =	sadd.s32 $0xFFFFE003, lr  }
0x1b: {  	s9 =	sadd.s32 $0xFFFFFEF7, lr;
	s5 =	simm.s32 $0xFFFFFFFF;
	p2 =	slt.u32 s8, $0xFFFFF086  }
0x1c: {  	p1 =	slt.u32 s9, $0xF7A;
	s5 =	simm.s32 @!p2 $0x0  }
0x1d: {  	s5 =	simm.s32 @p1 $0x1;
	p0 =	seq.s32 s7, s2  }
0x1e: {  	s7 =	smul.u32 @!p0 $0xF7A, s2;
	p2 =	seq.s32 @!p0 s5, $0x0  }
0x1f: {  	s9 =	smul.u32 $0xF7A, s1;
	s8 =	simm.s32 @!p0 $0x1BF5;
	p2 =	por !p2, p0  }
0x20: {  	[sflag:s8] =	ssyncset.s32 @!p0 $0xFFFFF086;
	s6 =	sadd.s32 @!p0 s3, s7;
	s7 =	simm.s32 @!p0 $0x108  }
0x21: {  	s3 =	sadd.s32 s3, s9;
	s6 =	sadd.s32 @!p0 $0x88, s6;
	s7 =	simm.s32 @p2 $0x1082  }
0x22: {  	[simem:s7], [sflag:s8] =	dma.local @!p0 [hbm:s6], $0xF7A  }
0x23: {  	s9 =	sor.u32 $0xD0000000, s2;
	s6 =	simm.s32 $0x108;
	_ =	swait.ge @!p0 [sflag:s8], $0x0  }
0x24: {  	s3 =	sadd.s32 $0x88, s3;
	s6 =	simm.s32 @!p1 $0x1082;
	[sflag:s4] =	ssyncset.s32 $0xFFFFF086  }
0x25: {  	[simem:s6], [sflag:s4] =	dma.local [hbm:s3], $0xF7A  }
0x26: {  	[smem:$0x3F99] =	sst s1;
	(tag) =	ssettag s2;
	_ =	strace s9  }
0x27: {  	s1 =	sld [smem:$0x3FA9]  }
0x28: {  	s2 =	sld [smem:$0x3FAA]  }
0x29: {  	s4 =	sld [smem:$0x3FAC]  }
0x2a: {  	p0 =	seq.s32 s5, $0x0;
	s5 =	sld [smem:$0x3FAD]  }
0x2b: {  	s6 =	sld [smem:$0x3FAE]  }
0x2c: {  	s7 =	sld [smem:$0x3FAF]  }
0x2d: {  	s3 =	simm.s32 $0x108;
	s8 =	sld [smem:$0x3FB0]  }
0x2e: {  	s3 =	simm.s32 @!p0 $0x1082;
	s9 =	sld [smem:$0x3FB1]  }
0x2f: {  	lr =	sadd.s32 s0, s3;
	s0 =	sld [smem:$0x3FA8]  }
0x30: {  	s3 =	sld [smem:$0x3FAB]  }
0x31: {  	[smem:$0x3FB4] =	sst s10  }
0x32: {  	s10 =	sld [smem:$0x3FB2];
	_ =	sdelay $0x3  }
0x33: {  	p0 =	seq.s32 s10, $0x1;
	s10 =	sld [smem:$0x3FB4];
	_ =	sdelay $0x3  }
0x34: {  	[smem:$0x3FB4] =	sst s10  }
0x35: {  	s10 =	sld [smem:$0x3FB3];
	_ =	sdelay $0x3  }
0x36: {  	p1 =	seq.s32 s10, $0x1;
	s10 =	sld [smem:$0x3FB4];
	_ =	sdelay $0x3  }
0x37: {  	[smem:$0x3FB4] =	sst s10  }
0x38: {  	s10 =	sld [smem:$0x3FB5]  }
0x39: {  	_ = 	snop;
	(pc) =	sbr.ind lr, $3  }
0x3a: {  	_ = 	snop  }
0x3b: {  	_ = 	snop  }
0x3c: {  	p2 =	seq.s32 s10, $0x1;
	s10 =	sld [smem:$0x3FB4]  }
0x3d: {  	_ =	shalt  }
0x3e: {  	_ =	shalt  }
0x3f: {  	_ =	shalt  }
0x40: {  	_ =	shalt  }
0x41: {  	_ =	shalt  }
0x42: {  	_ =	shalt  }
0x43: {  	_ =	shalt  }
0x44: {  	_ =	shalt  }
0x45: {  	_ =	shalt  }
0x46: {  	_ =	shalt  }
0x47: {  	_ =	shalt  }
0x48: {  	_ =	shalt  }
0x49: {  	_ =	shalt  }
0x4a: {  	_ =	shalt  }
0x4b: {  	_ =	shalt  }
0x4c: {  	_ =	shalt  }
0x4d: {  	_ =	shalt  }
0x4e: {  	_ =	shalt  }
0x4f: {  	_ =	shalt  }
0x50: {  	_ =	shalt  }
0x51: {  	_ =	shalt  }
0x52: {  	_ =	shalt  }
0x53: {  	_ =	shalt  }
0x54: {  	_ =	shalt  }
0x55: {  	_ =	shalt  }
0x56: {  	_ =	shalt  }
0x57: {  	_ =	shalt  }
0x58: {  	_ =	shalt  }
0x59: {  	_ =	shalt  }
0x5a: {  	_ =	shalt  }
0x5b: {  	_ =	shalt  }
0x5c: {  	_ =	shalt  }
0x5d: {  	_ =	shalt  }
0x5e: {  	_ =	shalt  }
0x5f: {  	_ =	shalt  }
0x60: {  	_ =	shalt  }
0x61: {  	_ =	shalt  }
0x62: {  	_ =	shalt  }
0x63: {  	_ =	shalt  }
0x64: {  	_ =	shalt  }
0x65: {  	_ =	shalt  }
0x66: {  	_ =	shalt  }
0x67: {  	_ =	shalt  }
0x68: {  	_ =	shalt  }
0x69: {  	_ =	shalt  }
0x6a: {  	_ =	shalt  }
0x6b: {  	_ =	shalt  }
0x6c: {  	_ =	shalt  }
0x6d: {  	_ =	shalt  }
0x6e: {  	_ =	shalt  }
0x6f: {  	_ =	shalt  }
0x70: {  	_ =	shalt  }
0x71: {  	_ =	shalt  }
0x72: {  	_ =	shalt  }
0x73: {  	_ =	shalt  }
0x74: {  	_ =	shalt  }
0x75: {  	_ =	shalt  }
0x76: {  	_ =	shalt  }
0x77: {  	_ =	shalt  }
0x78: {  	_ =	shalt  }
0x79: {  	_ =	shalt  }
0x7a: {  	_ =	shalt  }
0x7b: {  	_ =	shalt  }
0x7c: {  	_ =	shalt  }
0x7d: {  	_ =	shalt  }
0x7e: {  	_ =	shalt  }
0x7f: {  	_ =	shalt  }
0x80: {  	_ =	shalt  }
0x81: {  	_ =	shalt  }
0x82: {  	_ =	shalt  }
0x83: {  	_ =	shalt  }
0x84: {  	_ =	shalt  }
0x85: {  	_ =	shalt  }
0x86: {  	_ =	shalt  }
0x87: {  	_ =	shalt  }
.Lfunc_end0:
.L_simem_size_0:
called_computation.1_lowered:
.L_overlay_start_0:
0x88: {  	s2 =	sld [smem:$0x3FD9]  }
0x89: {  	s3 =	sld [smem:$0x3FFE];
	_ =	sdelay $0x1  }
0x8a: {  	s1 =	srdreg.scid  }
0x8b: {  	s0 =	sand.u32 $0x1, s1  }
0x8c: {  	s17 =	sshll.u32 s0, $0xA;
	s2 =	sadd.s32 s3, s2  }
0x8d: {  	s2 =	sadd.s32 s2, s17  }
0x8e: {  	[smem:$0x3FC0] =	sst s2  }
0x8f: {  	_ = 	snop  }
0x90: {  	s2 =	sld [smem:$0x3FD0];
	(tm) =	ssettm $0x1  }
0x91: {  	s18 =	sld [smem:$0x3FFB];
	_ =	sdelay $0x3  }
0x92: {  	_ =	strace s18  }
0x93: {  	s3 =	sld [smem:$0x3FFC];
	_ =	sdelay $0x3  }
0x94: {  	_ =	strace s3  }
0x95: {  	s3 =	sld [smem:$0x3FFD];
	_ =	sdelay $0x3  }
0x96: {  	_ =	strace s3  }
0x97: {  	_ =	strace $0x8FFFFFFF  }
0x98: {  	s19 =	sld [smem:$0x3FDB];
	_ =	sdelay $0x1  }
0x99: {  	s4 =	simm.s32 $_scs_section_size  }
0x9a: {  	s5 =	simm.s32 $_size__tile_overlayer_lowered;
	s6 =	simm.s32 $_tile_overlayer_lowered  }
0x9b: {  	s22 =	simm.s32 $0x1BFF;
	s21 =	sshll.u32 s6, $0x1;
	s3 =	sadd.s32 s4, s19  }
0x9c: {  	s7 =	simm.s32 $0x0;
	s20 =	sshll.u32 s5, $0x1;
	s5 =	sadd.s32 s21, s3  }
0x9d: {  	[timem:s7], [sflag:s22] =	dma.local [hbm:s5], s20  }
0x9e: {  	_ =	swait.ge [sflag:s22], s20  }
0x9f: {  	s4 =	ssub.s32 $0x0, s20;
	[sflag:s22] =	ssyncset.done $0x0  }
0xa0: {  	[sflag:s22] =	ssyncadd.s32 s4;
	_ =	sdelay $0x1  }
0xa1: {  	s23 =	simm.s32 $0x1B8B  }
0xa2: {  	_ =	swait.ge [sflag:s23], $0x1  }
0xa3: {  	[sflag:s23] =	ssyncset.done $0x0  }
0xa4: {  	s25 =	simm.s32 $0x1B8E;
	s24 =	sld [smem:$0x3FFE];
	[sflag:s23] =	ssyncadd.s32 $0xFFFFFFFF  }
0xa5: {  	s26 =	simm.s32 $execute0_lowered;
	[smem:$0x3FD2] =	sst s25  }
0xa6: {  	s5 =	sshll.u32 s26, $0x1;
	_ =	strace $0x80000049;
	[dreg:$0x1] =	wrdreg $0xFFFFFFFF  }
0xa7: {  	s28 =	simm.s32 $_size_execute0_lowered;
	s3 =	sadd.s32 s3, s5;
	[dreg:$0x0] =	wrdreg $0x0  }
0xa8: {  	s5 =	sshll.u32 s28, $0x1;
	[dreg:$0x2] =	wrdreg s3  }
0xa9: {  	[dreg:$0x3] =	wrdreg s5  }
0xaa: {  	[dreg:$0x4] =	wrdreg $0xC0  }
0xab: {  	_ =	task [dreg:s7], $0x5FFFF  }
0xac: {  	[dreg:$0x1] =	wrdreg $0xFFFFFFFF  }
0xad: {  	[dreg:$0x0] =	wrdreg $0x60  }
0xae: {  	[dreg:$0x2] =	wrdreg s24  }
0xaf: {  	[dreg:$0x3] =	wrdreg s2  }
0xb0: {  	[dreg:$0x4] =	wrdreg $0x0  }
0xb1: {  	[dreg:$0x5] =	wrdreg $0x9  }
0xb2: {  	_ =	task.clear_ibuf [dreg:s7], $0x6FFFF;
	_ =	strace $0x90000049  }
0xb3: {  	s29 =	simm.s32 $0x9;
	_ =	strace $0x8000004B  }
0xb4: {  	_ =	swait.ge [sflag:s29], $0x1  }
0xb5: {  	[sflag:s29] =	ssyncadd.s32 $0xFFFFFFFF  }
0xb6: {  	_ =	strace $0x9000004B  }
0xb7: {  	_ =	sfence  }
0xb8: {  	s30 =	sld [smem:$0x0];
	_ =	sdelay $0x2  }
0xb9: {  	s31 =	sshll.u32 s1, $0xD;
	s1 =	sshrl.u32 s1, $0x2  }
0xba: {  	s3 =	sand.u32 $0x4000, s31;
	s1 =	sadd.s32 s1, s30  }
0xbb: {  	s0 =	sor.u32 s3, s0;
	s1 =	sshll.u32 s1, $0x11  }
0xbc: {  	s0 =	sor.u32 s1, s0  }
0xbd: {  	s0 =	sadd.s32 $0x8F2B, s0  }
0xbe: {  	[sflag:s0] =	ssyncadd.remote.s32 $0x1  }
0xbf: {  	_ =	sfence.sel $0xFFFF  }
0xc0: {  	[dreg:$0x0] =	wrdreg $0xFFFFFFFF;
	(pc) =	sbr.abs _section_cstart, $3  }
0xc1: {  	[dreg:$0x1] =	wrdreg $0xFFFFFFFF  }
0xc2: {  	_ =	task.clear_ibuf [dreg:s7], $0x2FFFF;
	_ =	strace $0x9FFFFFFF  }
0xc3: {  	(tm) =	ssettm $0x7FFFFFFF  }
tec
execute0_lowered:
.L_overlay_start_1:
0x0: {  	(tag) =	ssettag $0x1  }
0x1: {  	s8 =	rddreg [dreg:$0x0]  }
0x2: {  	s1 =	rddreg [dreg:$0x1]  }
0x3: {  	s2 =	rddreg [dreg:$0x2];
	s3 =	srdreg.scid;
	s4 =	simm.s32 $0x0  }
0x4: {  	s0 =	stileid.u32;
	s18 =	simm.s32 $0x1;
	s19 =	simm.s32 $0x7D  }
0x5: {  	s20 =	simm.s32 $0x15C00;
	s21 =	simm.s32 $0x13C80;
	s22 =	simm.s32 $0x19C00  }
0x6: {  	s23 =	simm.s32 $0x2;
	s24 =	simm.s32 $0x4;
	s10 =	smul.u32 $0x13C00, s0  }
0x7: {  	s28 =	simm.s32 $0x0;
	s9 =	sand.u32 $0x1, s3;
	s13 =	smul.u32 $0x4F000, s0  }
0x8: {  	[smem:$0x7FF] =	sst s4;
	s5 =	sadd.s32 $0xE400, s8;
	s16 =	smul.u32 $0x2800, s0  }
0x9: {  	s6 =	sadd.s32 $0x1C00, s8;
	s31 =	sshll.u32 s0, $0x6;
	s7 =	smul.u32 $0x13C000, s9  }
0xa: {  	_ =	strace $0x8000004A;
	s11 =	sshll.u32 s9, $0x4;
	s12 =	ssub.s32 $0x2, s9  }
0xb: {  	s30 =	smul.u32 $0x28000, s9;
	s11 =	sor.u32 s0, s11;
	s25 =	sshrl.u32 s12, $0x1  }
0xc: {  	s29 =	sshrl.u32 s13, $0x2;
	s10 =	sadd.s32 s10, s7;
	s7 =	sadd.s32 $0xBC00, s8  }
0xd: {  	s26 =	smul.u32 $0x500, s11;
	s12 =	ssub.s32 s12, s25;
	s15 =	sadd.s32 s29, s2  }
.Ltmp0:
0xe: {  	s13 =	sadd.s32 s16, s30;
	s16 =	simm.s32 $0x13C00;
	(pc) =	sbr.rel .LBB2_1-.Ltmp0, $4  }
0xf: {  	s25 =	simm.s32 $0x3;
	s10 =	sshrl.u32 s10, $0x3;
	s12 =	smax.u32 s12, $0x1  }
0x10: {  	s13 =	sadd.s32 $0x800, s13;
	s14 =	sadd.s32 s10, s8;
	s8 =	sor.u32 $0x1C06, s31  }
0x11: {  	s9 =	sadd.s32 s1, s26;
	s10 =	sadd.s32 s6, s26;
	s26 =	simm.s32 $0x5  }
0x12: {  	s11 =	sadd.s32 $0x35600, s14;
	s14 =	sshrl.u32 s15, $0x3;
	s15 =	simm.s32 $0x6  }
.LBB2_3:
0x13: {  	_ =	swait.ge [sflag:s24], $0x3E80  }
0x14: {  	[sflag:s24] =	ssyncset.done $0x0  }
0x15: {  	[sflag:s24] =	ssyncadd.s32 $0xFFFFC180  }
0x16: {  	_ =	swait.ge [sflag:s26], $0x3E80  }
0x17: {  	[sflag:s26] =	ssyncset.done $0x0  }
0x18: {  	[sflag:s26] =	ssyncadd.s32 $0xFFFFC180  }
.LBB2_5:
0x19: {  	s28 =	sadd.s32 $0x1, s28  }
0x1a: {  	p0 =	sne.s32 s28, s12  }
.Ltmp1:
0x1b: {  	[bflag:$0x0] =	sbarrier.arrive $0xFFFF;
	(pc) =	sbr.rel @!p0 .LBB2_6-.Ltmp1, $4  }
0x1c: {  	[hbm:s11], [sflag:s8] =	dma.local [spmem:s14], $0x2780  }
0x1d: {  	_ =	swait.ge [sflag:s15], $0x2780  }
0x1e: {  	[sflag:s15] =	ssyncset.done $0x0  }
0x1f: {  	[sflag:s15] =	ssyncadd.s32 $0xFFFFD880  }
.LBB2_1:
0x20: {  	[spmem:s14], [sflag:s8] =	dma.local [hbm:s7], $0x2780  }
0x21: {  	_ =	swait.ge [sflag:s15], $0x2780  }
0x22: {  	[sflag:s15] =	ssyncset.done $0x0  }
0x23: {  	[sflag:s15] =	ssyncadd.s32 $0xFFFFD880  }
0x24: {  	[tilespmem:s16], [sflag:$0x1] =	stream.linear.gather [hbm4b:s9+s4], $0x800, $0x38;
	[tilespmem:$0x1DC00] =	vst v63  }
0x25: {  	s0 =	simm.s32 $0x14C00  }
0x26: {  	[tilespmem:s0], [sflag:$0x1] =	stream.linear.gather [hbm4b:s10+s4], $0x800, $0x38;
	[tilespmem:$0x1DC00] =	vst v63  }
0x27: {  	[bflag:$0x0] =	sbarrier.arrive $0xFFFF  }
0x28: {  	_ =	swait.ge [sflag:s18], $0x800  }
0x29: {  	[sflag:s18] =	ssyncset.done $0x0  }
0x2a: {  	[sflag:s18] =	ssyncadd.s32 $0xFFFFF800  }
0x2b: {  	_ =	swait.ge [sflag:s18], $0x800  }
0x2c: {  	[sflag:s18] =	ssyncset.done $0x0  }
0x2d: {  	[sflag:s18] =	ssyncadd.s32 $0xFFFFF800  }
0x2e: {  	[tilespmem:s20], [sflag:$0x2] =	stream.indirect.gather [hbm4b:s5+s19], $0x80, s16, s19, $0xb8;
	[tilespmem:$0x1DC00] =	vst v63  }
0x2f: {  	s29 =	simm.s32 $0x0  }
0x30: {  	[tilespmem:s22], [sflag:$0x3] =	stream.indirect.gather [hbm4b:s5+s19], $0x80, s21, s19, $0xb8;
	[tilespmem:$0x1DC00] =	vst v63  }
.LBB2_2:
0x31: {  	p0 =	seq.s32 s29, $0x2000  }
0x32: {  	s31 =	sadd.s32 @!p0 s29, s13  }
0x33: {  	s30 =	sand.u32 @!p0 $0x800, s29;
	s31 =	sshrl.u32 @!p0 s31, $0x3  }
0x34: {  	s17 =	simm.s32 @!p0 $0x0;
	s0 =	ssub.s32 @!p0 $0x14400, s30;
	s3 =	sadd.s32 @!p0 s1, s31  }
0x35: {  	[tilespmem:s0], [sflag:$0x1] =	stream.linear.gather @!p0 [hbm4b:s3+s17], $0x800, $0x38;
	[tilespmem:$0x1DC00] =	vst v63  }
0x36: {  	s0 =	ssub.s32 @!p0 $0x15400, s30;
	s3 =	sadd.s32 @!p0 s6, s31  }
0x37: {  	[tilespmem:s0], [sflag:$0x1] =	stream.linear.gather @!p0 [hbm4b:s3+s17], $0x800, $0x38;
	[tilespmem:$0x1DC00] =	vst v63  }
0x38: {  	_ =	swait.ge [sflag:s23], $0x3E80  }
0x39: {  	s30 =	simm.s32 @p0 $0x0;
	[sflag:s23] =	ssyncset.done $0x0  }
0x3a: {  	s3 =	sadd.s32 $0x14C00, s30;
	[sflag:s23] =	ssyncadd.s32 $0xFFFFC180  }
0x3b: {  	[spmem:s2] =	stream.indirect.scatter.add.f32 [tilespmem:s20], [sflag:$0x4], $0x80, s3, s19, $0xb8;
	[tilespmem:$0x1DC00] =	vst v63  }
0x3c: {  	_ =	swait.ge [sflag:s24], $0x3E80  }
0x3d: {  	[sflag:s24] =	ssyncset.done $0x0  }
0x3e: {  	s17 =	sadd.s32 $0x13D00, s30;
	[sflag:s24] =	ssyncadd.s32 $0xFFFFC180  }
0x3f: {  	[tilespmem:s20], [sflag:$0x2] =	stream.indirect.gather [hbm4b:s5+s19], $0x80, s17, s19, $0xb8;
	[tilespmem:$0x1DC00] =	vst v63  }
0x40: {  	_ =	swait.ge [sflag:s25], $0x3E80  }
0x41: {  	[sflag:s25] =	ssyncset.done $0x0  }
0x42: {  	s31 =	sadd.s32 $0x14C80, s30;
	[sflag:s25] =	ssyncadd.s32 $0xFFFFC180  }
0x43: {  	[spmem:s2] =	stream.indirect.scatter.add.f32 [tilespmem:s22], [sflag:$0x5], $0x80, s31, s19, $0xb8;
	[tilespmem:$0x1DC00] =	vst v63  }
0x44: {  	_ =	swait.ge [sflag:s26], $0x3E80  }
0x45: {  	[sflag:s26] =	ssyncset.done $0x0  }
0x46: {  	s3 =	sadd.s32 $0x13D80, s30;
	[sflag:s26] =	ssyncadd.s32 $0xFFFFC180  }
0x47: {  	[tilespmem:s22], [sflag:$0x3] =	stream.indirect.gather [hbm4b:s5+s19], $0x80, s3, s19, $0xb8;
	[tilespmem:$0x1DC00] =	vst v63  }
0x48: {  	_ =	swait.ge [sflag:s23], $0x3E80  }
0x49: {  	[sflag:s23] =	ssyncset.done $0x0  }
0x4a: {  	s17 =	sadd.s32 $0x14D00, s30;
	[sflag:s23] =	ssyncadd.s32 $0xFFFFC180  }
0x4b: {  	[spmem:s2] =	stream.indirect.scatter.add.f32 [tilespmem:s20], [sflag:$0x4], $0x80, s17, s19, $0xb8;
	[tilespmem:$0x1DC00] =	vst v63  }
0x4c: {  	_ =	swait.ge [sflag:s24], $0x3E80  }
0x4d: {  	[sflag:s24] =	ssyncset.done $0x0  }
0x4e: {  	s31 =	sadd.s32 $0x13E00, s30;
	[sflag:s24] =	ssyncadd.s32 $0xFFFFC180  }
0x4f: {  	[tilespmem:s20], [sflag:$0x2] =	stream.indirect.gather [hbm4b:s5+s19], $0x80, s31, s19, $0xb8;
	[tilespmem:$0x1DC00] =	vst v63  }
0x50: {  	_ =	swait.ge [sflag:s25], $0x3E80  }
0x51: {  	[sflag:s25] =	ssyncset.done $0x0  }
0x52: {  	s3 =	sadd.s32 $0x14D80, s30;
	[sflag:s25] =	ssyncadd.s32 $0xFFFFC180  }
0x53: {  	[spmem:s2] =	stream.indirect.scatter.add.f32 [tilespmem:s22], [sflag:$0x5], $0x80, s3, s19, $0xb8;
	[tilespmem:$0x1DC00] =	vst v63  }
0x54: {  	_ =	swait.ge [sflag:s26], $0x3E80  }
0x55: {  	[sflag:s26] =	ssyncset.done $0x0  }
0x56: {  	s17 =	sadd.s32 $0x13E80, s30;
	[sflag:s26] =	ssyncadd.s32 $0xFFFFC180  }
0x57: {  	[tilespmem:s22], [sflag:$0x3] =	stream.indirect.gather [hbm4b:s5+s19], $0x80, s17, s19, $0xb8;
	[tilespmem:$0x1DC00] =	vst v63  }
0x58: {  	_ =	swait.ge [sflag:s23], $0x3E80  }
0x59: {  	[sflag:s23] =	ssyncset.done $0x0  }
0x5a: {  	s31 =	sadd.s32 $0x14E00, s30;
	[sflag:s23] =	ssyncadd.s32 $0xFFFFC180  }
0x5b: {  	[spmem:s2] =	stream.indirect.scatter.add.f32 [tilespmem:s20], [sflag:$0x4], $0x80, s31, s19, $0xb8;
	[tilespmem:$0x1DC00] =	vst v63  }
0x5c: {  	_ =	swait.ge [sflag:s24], $0x3E80  }
0x5d: {  	[sflag:s24] =	ssyncset.done $0x0  }
0x5e: {  	s3 =	sadd.s32 $0x13F00, s30;
	[sflag:s24] =	ssyncadd.s32 $0xFFFFC180  }
0x5f: {  	[tilespmem:s20], [sflag:$0x2] =	stream.indirect.gather [hbm4b:s5+s19], $0x80, s3, s19, $0xb8;
	[tilespmem:$0x1DC00] =	vst v63  }
0x60: {  	_ =	swait.ge [sflag:s25], $0x3E80  }
0x61: {  	[sflag:s25] =	ssyncset.done $0x0  }
0x62: {  	s17 =	sadd.s32 $0x14E80, s30;
	[sflag:s25] =	ssyncadd.s32 $0xFFFFC180  }
0x63: {  	[spmem:s2] =	stream.indirect.scatter.add.f32 [tilespmem:s22], [sflag:$0x5], $0x80, s17, s19, $0xb8;
	[tilespmem:$0x1DC00] =	vst v63  }
0x64: {  	_ =	swait.ge [sflag:s26], $0x3E80  }
0x65: {  	[sflag:s26] =	ssyncset.done $0x0  }
0x66: {  	s31 =	sadd.s32 $0x13F80, s30;
	[sflag:s26] =	ssyncadd.s32 $0xFFFFC180  }
0x67: {  	[tilespmem:s22], [sflag:$0x3] =	stream.indirect.gather [hbm4b:s5+s19], $0x80, s31, s19, $0xb8;
	[tilespmem:$0x1DC00] =	vst v63  }
0x68: {  	_ =	swait.ge [sflag:s23], $0x3E80  }
0x69: {  	[sflag:s23] =	ssyncset.done $0x0  }
0x6a: {  	s3 =	sadd.s32 $0x14F00, s30;
	[sflag:s23] =	ssyncadd.s32 $0xFFFFC180  }
0x6b: {  	[spmem:s2] =	stream.indirect.scatter.add.f32 [tilespmem:s20], [sflag:$0x4], $0x80, s3, s19, $0xb8;
	[tilespmem:$0x1DC00] =	vst v63  }
0x6c: {  	_ =	swait.ge [sflag:s24], $0x3E80  }
0x6d: {  	[sflag:s24] =	ssyncset.done $0x0  }
0x6e: {  	s17 =	sor.u32 $0x14000, s30;
	[sflag:s24] =	ssyncadd.s32 $0xFFFFC180  }
0x6f: {  	[tilespmem:s20], [sflag:$0x2] =	stream.indirect.gather [hbm4b:s5+s19], $0x80, s17, s19, $0xb8;
	[tilespmem:$0x1DC00] =	vst v63  }
0x70: {  	_ =	swait.ge [sflag:s25], $0x3E80  }
0x71: {  	[sflag:s25] =	ssyncset.done $0x0  }
0x72: {  	s31 =	sadd.s32 $0x14F80, s30;
	[sflag:s25] =	ssyncadd.s32 $0xFFFFC180  }
0x73: {  	[spmem:s2] =	stream.indirect.scatter.add.f32 [tilespmem:s22], [sflag:$0x5], $0x80, s31, s19, $0xb8;
	[tilespmem:$0x1DC00] =	vst v63  }
0x74: {  	_ =	swait.ge [sflag:s26], $0x3E80  }
0x75: {  	[sflag:s26] =	ssyncset.done $0x0  }
0x76: {  	s3 =	sadd.s32 $0x14080, s30;
	[sflag:s26] =	ssyncadd.s32 $0xFFFFC180  }
0x77: {  	[tilespmem:s22], [sflag:$0x3] =	stream.indirect.gather [hbm4b:s5+s19], $0x80, s3, s19, $0xb8;
	[tilespmem:$0x1DC00] =	vst v63  }
0x78: {  	_ =	swait.ge [sflag:s23], $0x3E80  }
0x79: {  	[sflag:s23] =	ssyncset.done $0x0  }
0x7a: {  	s17 =	sor.u32 $0x15000, s30;
	[sflag:s23] =	ssyncadd.s32 $0xFFFFC180  }
0x7b: {  	[spmem:s2] =	stream.indirect.scatter.add.f32 [tilespmem:s20], [sflag:$0x4], $0x80, s17, s19, $0xb8;
	[tilespmem:$0x1DC00] =	vst v63  }
0x7c: {  	_ =	swait.ge [sflag:s24], $0x3E80  }
0x7d: {  	[sflag:s24] =	ssyncset.done $0x0  }
0x7e: {  	s31 =	sadd.s32 $0x14100, s30;
	[sflag:s24] =	ssyncadd.s32 $0xFFFFC180  }
0x7f: {  	[tilespmem:s20], [sflag:$0x2] =	stream.indirect.gather [hbm4b:s5+s19], $0x80, s31, s19, $0xb8;
	[tilespmem:$0x1DC00] =	vst v63  }
0x80: {  	_ =	swait.ge [sflag:s25], $0x3E80  }
0x81: {  	[sflag:s25] =	ssyncset.done $0x0  }
0x82: {  	s3 =	sadd.s32 $0x15080, s30;
	[sflag:s25] =	ssyncadd.s32 $0xFFFFC180  }
0x83: {  	[spmem:s2] =	stream.indirect.scatter.add.f32 [tilespmem:s22], [sflag:$0x5], $0x80, s3, s19, $0xb8;
	[tilespmem:$0x1DC00] =	vst v63  }
0x84: {  	_ =	swait.ge [sflag:s26], $0x3E80  }
0x85: {  	[sflag:s26] =	ssyncset.done $0x0  }
0x86: {  	s17 =	sadd.s32 $0x14180, s30;
	[sflag:s26] =	ssyncadd.s32 $0xFFFFC180  }
0x87: {  	[tilespmem:s22], [sflag:$0x3] =	stream.indirect.gather [hbm4b:s5+s19], $0x80, s17, s19, $0xb8;
	[tilespmem:$0x1DC00] =	vst v63  }
0x88: {  	_ =	swait.ge [sflag:s23], $0x3E80  }
0x89: {  	[sflag:s23] =	ssyncset.done $0x0  }
0x8a: {  	s31 =	sadd.s32 $0x15100, s30;
	[sflag:s23] =	ssyncadd.s32 $0xFFFFC180  }
0x8b: {  	[spmem:s2] =	stream.indirect.scatter.add.f32 [tilespmem:s20], [sflag:$0x4], $0x80, s31, s19, $0xb8;
	[tilespmem:$0x1DC00] =	vst v63  }
0x8c: {  	_ =	swait.ge [sflag:s24], $0x3E80  }
0x8d: {  	[sflag:s24] =	ssyncset.done $0x0  }
0x8e: {  	s3 =	sadd.s32 $0x14200, s30;
	[sflag:s24] =	ssyncadd.s32 $0xFFFFC180  }
0x8f: {  	[tilespmem:s20], [sflag:$0x2] =	stream.indirect.gather [hbm4b:s5+s19], $0x80, s3, s19, $0xb8;
	[tilespmem:$0x1DC00] =	vst v63  }
0x90: {  	_ =	swait.ge [sflag:s25], $0x3E80  }
0x91: {  	[sflag:s25] =	ssyncset.done $0x0  }
0x92: {  	s17 =	sadd.s32 $0x15180, s30;
	[sflag:s25] =	ssyncadd.s32 $0xFFFFC180  }
0x93: {  	[spmem:s2] =	stream.indirect.scatter.add.f32 [tilespmem:s22], [sflag:$0x5], $0x80, s17, s19, $0xb8;
	[tilespmem:$0x1DC00] =	vst v63  }
0x94: {  	_ =	swait.ge [sflag:s26], $0x3E80  }
0x95: {  	[sflag:s26] =	ssyncset.done $0x0  }
0x96: {  	s31 =	sadd.s32 $0x14280, s30;
	[sflag:s26] =	ssyncadd.s32 $0xFFFFC180  }
0x97: {  	[tilespmem:s22], [sflag:$0x3] =	stream.indirect.gather [hbm4b:s5+s19], $0x80, s31, s19, $0xb8;
	[tilespmem:$0x1DC00] =	vst v63  }
0x98: {  	_ =	swait.ge [sflag:s23], $0x3E80  }
0x99: {  	[sflag:s23] =	ssyncset.done $0x0  }
0x9a: {  	s3 =	sadd.s32 $0x15200, s30;
	[sflag:s23] =	ssyncadd.s32 $0xFFFFC180  }
0x9b: {  	[spmem:s2] =	stream.indirect.scatter.add.f32 [tilespmem:s20], [sflag:$0x4], $0x80, s3, s19, $0xb8;
	[tilespmem:$0x1DC00] =	vst v63  }
0x9c: {  	_ =	swait.ge [sflag:s24], $0x3E80  }
0x9d: {  	[sflag:s24] =	ssyncset.done $0x0  }
0x9e: {  	s17 =	sadd.s32 $0x14300, s30;
	[sflag:s24] =	ssyncadd.s32 $0xFFFFC180  }
0x9f: {  	[tilespmem:s20], [sflag:$0x2] =	stream.indirect.gather [hbm4b:s5+s19], $0x80, s17, s19, $0xb8;
	[tilespmem:$0x1DC00] =	vst v63  }
0xa0: {  	_ =	swait.ge [sflag:s25], $0x3E80  }
0xa1: {  	[sflag:s25] =	ssyncset.done $0x0  }
0xa2: {  	s31 =	sadd.s32 $0x15280, s30;
	[sflag:s25] =	ssyncadd.s32 $0xFFFFC180  }
0xa3: {  	[spmem:s2] =	stream.indirect.scatter.add.f32 [tilespmem:s22], [sflag:$0x5], $0x80, s31, s19, $0xb8;
	[tilespmem:$0x1DC00] =	vst v63  }
0xa4: {  	_ =	swait.ge [sflag:s26], $0x3E80  }
0xa5: {  	[sflag:s26] =	ssyncset.done $0x0  }
0xa6: {  	s3 =	sadd.s32 $0x14380, s30;
	[sflag:s26] =	ssyncadd.s32 $0xFFFFC180  }
0xa7: {  	[tilespmem:s22], [sflag:$0x3] =	stream.indirect.gather [hbm4b:s5+s19], $0x80, s3, s19, $0xb8;
	[tilespmem:$0x1DC00] =	vst v63  }
0xa8: {  	_ =	swait.ge [sflag:s23], $0x3E80  }
0xa9: {  	[sflag:s23] =	ssyncset.done $0x0  }
0xaa: {  	p0 =	sne.s32 s29, $0x2000;
	s17 =	sadd.s32 $0x15300, s30;
	[sflag:s23] =	ssyncadd.s32 $0xFFFFC180  }
0xab: {  	[spmem:s2] =	stream.indirect.scatter.add.f32 [tilespmem:s20], [sflag:$0x4], $0x80, s17, s19, $0xb8;
	[tilespmem:$0x1DC00] =	vst v63  }
.Ltmp2:
0xac: {  	_ = 	snop;
	(pc) =	sbr.rel @!p0 .LBB2_3-.Ltmp2, $4  }
0xad: {  	_ =	swait.ge [sflag:s25], $0x3E80  }
0xae: {  	[sflag:s25] =	ssyncset.done $0x0  }
0xaf: {  	s31 =	sadd.s32 $0x15380, s30;
	[sflag:s25] =	ssyncadd.s32 $0xFFFFC180  }
0xb0: {  	[spmem:s2] =	stream.indirect.scatter.add.f32 [tilespmem:s22], [sflag:$0x5], $0x80, s31, s19, $0xb8;
	[tilespmem:$0x1DC00] =	vst v63  }
0xb1: {  	_ =	swait.ge [sflag:s18], $0x800  }
0xb2: {  	[sflag:s18] =	ssyncset.done $0x0  }
0xb3: {  	[sflag:s18] =	ssyncadd.s32 $0xFFFFF800  }
0xb4: {  	_ =	swait.ge [sflag:s18], $0x800  }
0xb5: {  	[sflag:s18] =	ssyncset.done $0x0  }
0xb6: {  	[sflag:s18] =	ssyncadd.s32 $0xFFFFF800  }
0xb7: {  	_ =	swait.ge [sflag:s24], $0x3E80  }
0xb8: {  	s29 =	sadd.s32 $0x800, s29;
	[sflag:s24] =	ssyncset.done $0x0  }
0xb9: {  	s0 =	ssub.s32 $0x14400, s30;
	p0 =	sne.s32 s29, $0x2800;
	[sflag:s24] =	ssyncadd.s32 $0xFFFFC180  }
0xba: {  	[tilespmem:s20], [sflag:$0x2] =	stream.indirect.gather [hbm4b:s5+s19], $0x80, s0, s19, $0xb8;
	[tilespmem:$0x1DC00] =	vst v63  }
.Ltmp3:
0xbb: {  	_ = 	snop;
	(pc) =	sbr.rel @p0 .LBB2_2-.Ltmp3, $4  }
.Ltmp4:
0xbc: {  	_ =	swait.ge [sflag:s26], $0x3E80;
	(pc) =	sbr.rel @!p0 .LBB2_5-.Ltmp4, $4  }
0xbd: {  	[sflag:s26] =	ssyncset.done $0x0  }
0xbe: {  	s31 =	ssub.s32 $0x14480, s30;
	[sflag:s26] =	ssyncadd.s32 $0xFFFFC180  }
0xbf: {  	[tilespmem:s22], [sflag:$0x3] =	stream.indirect.gather [hbm4b:s5+s19], $0x80, s31, s19, $0xb8;
	[tilespmem:$0x1DC00] =	vst v63  }
0xc0: {  	_ = 	snop  }
.LBB2_6:
0xc1: {  	_ =	sfence.sel $0x180000  }
0xc2: {  	[bflag:$0x0] =	sbarrier.arrive $0xFFFF  }
0xc3: {  	_ =	strace $0x9000004A  }
0xc4: {  	s0 =	stileid.u32;
	[bflag:$0x2] =	sbarrier.arrive $0xFFFF  }
0xc5: {  	p0 =	sne.s32 s0, $0x0;
	s0 =	rddreg [dreg:$0x3]  }
0xc6: {  	s0 =	sadd.s32 @!p0 $0x100000, s0  }
0xc7: {  	[sflag:s0] =	ssyncadd.tile.s32 @!p0 $0x1;
	_ =	shalt  }
.Lfunc_end2:
_tile_overlayer_lowered:
.L_overlay_start_2:
0xc8: {  	(tag) =	ssettag $0x2  }
0xc9: {  	s0 =	rddreg [dreg:$0x0];
	s2 =	stileid.u32  }
0xca: {  	s1 =	rddreg [dreg:$0x1];
	p0 =	sne.s32 s2, $0x0  }
0xcb: {  	s3 =	rddreg [dreg:$0x2];
	[bflag:$0x3] =	sbarrier.arrive $0xFFFF;
	s2 =	simm.s32 @!p0 $0x1C06  }
0xcc: {  	[timem:s3], [sflag:s2] =	dma.local @!p0 [hbm:s0], s1  }
0xcd: {  	s0 =	simm.s32 @!p0 $0x6  }
0xce: {  	_ =	swait.ge @!p0 [sflag:s0], s1  }
0xcf: {  	s1 =	ssub.s32 @!p0 $0x0, s1;
	[sflag:s0] =	ssyncset.done @!p0 $0x0  }
0xd0: {  	[sflag:s0] =	ssyncadd.s32 @!p0 s1  }
0xd1: {  	[bflag:$0x3] =	sbarrier.arrive $0xFFFF  }
0xd2: {  	_ =	shalt  }

</sc_bundles>
